<compile_context>
chip_gen: v7x
topology: tpu7x:2x2x1
jax: 0.10.2.dev20260603
libtpu: 0.0.44.dev20260713+nightly
codegen_flags: <defaults>
</compile_context>

<pallas_src>
import functools

import jax
import jax.numpy as jnp
from jax import lax
from jax.experimental import pallas as pl
from jax.experimental.pallas import tpu as pltpu
from jax.experimental.pallas import tpu_sc as plsc

N = 10000
D = 256
H = 128
E = 160000
NS = 16
ROWS = 624
TAIL = N - NS * ROWS
ZR = 48
ECH2 = 128
RB = 400



@functools.cache
def _make_deg():
    mesh = plsc.VectorSubcoreMesh(core_axis_name="c", subcore_axis_name="s")
    return pl.kernel(
        _deg_body,
        mesh=mesh,
        out_type=jax.ShapeDtypeStruct((2 * N, H), jnp.float32),
        scratch_types=[
            pltpu.VMEM((5120,), jnp.int32),
            pltpu.VMEM((ECH2,), jnp.int32),
            pltpu.VMEM((ECH2, H), jnp.float32),
            pltpu.VMEM((ZR, H), jnp.float32),
            pltpu.VMEM_SHARED((N, H), jnp.float32),
        ],
    )


def _deg_body(dst_hbm, degp_hbm, dstb, didx, ones_v, zb, acc):
    cid = lax.axis_index("c")
    sid = lax.axis_index("s")
    base = cid * (E // 2) + sid * 4992

    pltpu.sync_copy(dst_hbm.at[pl.ds(base, 5120)], dstb)

    def fill_ones(i, carry):
        for j in range(H // 16):
            ones_v[i, pl.ds(j * 16, 16)] = jnp.ones((16,), jnp.float32)
        return carry

    lax.fori_loop(0, ECH2, fill_ones, 0)

    def fill_zero(i, carry):
        for j in range(H // 16):
            zb[i, pl.ds(j * 16, 16)] = jnp.zeros((16,), jnp.float32)
        return carry

    lax.fori_loop(0, ZR, fill_zero, 0)
    for m in range(ROWS // ZR):
        pltpu.sync_copy(zb, acc.at[pl.ds(sid * ROWS + m * ZR, ZR)])

    @pl.when(sid == NS - 1)
    def _():
        pltpu.sync_copy(zb.at[pl.ds(0, TAIL)], acc.at[pl.ds(NS * ROWS, TAIL)])

    plsc.subcore_barrier()

    nfull = 39 + jnp.where(sid == NS - 1, 1, 0)

    def step(c, carry):
        for m in range(ECH2 // 16):
            didx[pl.ds(m * 16, 16)] = dstb[pl.ds(c * ECH2 + m * 16, 16)]
        pltpu.sync_copy(ones_v, acc.at[didx], add=True)
        return carry

    lax.fori_loop(0, nfull, step, 0)
    plsc.subcore_barrier()
    pltpu.sync_copy(acc.at[pl.ds(sid * ROWS, ROWS)],
                    degp_hbm.at[pl.ds(cid * N + sid * ROWS, ROWS)])

    @pl.when(sid == NS - 1)
    def _():
        pltpu.sync_copy(acc.at[pl.ds(NS * ROWS, TAIL)],
                        degp_hbm.at[pl.ds(cid * N + NS * ROWS, TAIL)])


@functools.cache
def _make_agg():
    mesh = plsc.VectorSubcoreMesh(core_axis_name="c", subcore_axis_name="s")
    return pl.kernel(
        _agg_body,
        mesh=mesh,
        out_type=jax.ShapeDtypeStruct((2 * N, H), jnp.float32),
        scratch_types=[
            pltpu.VMEM((10240,), jnp.int32),
            pltpu.VMEM((ECH2,), jnp.int32),
            pltpu.VMEM((ECH2,), jnp.int32),
            pltpu.VMEM((ECH2, H), jnp.float32),
            pltpu.VMEM((ECH2, H), jnp.float32),
            pltpu.VMEM_SHARED((N, H), jnp.float32),
            pltpu.SemaphoreType.DMA,
            pltpu.SemaphoreType.DMA,
            pltpu.SemaphoreType.DMA,
            pltpu.SemaphoreType.DMA,
        ],
    )


def _agg_body(y_hbm, src_hbm, dst_hbm, s_hbm, srcb, didx0, didx1,
              r0, r1, acc, g0, g1, d0, d1):
    cid = lax.axis_index("c")
    sid = lax.axis_index("s")
    bufs = (r0, r1)
    gsems = (g0, g1)
    dbufs = (didx0, didx1)
    dsems = (d0, d1)
    nch = 78 + jnp.where(sid == NS - 1, 2, 0)
    base = sid * 9984

    pltpu.sync_copy(src_hbm.at[pl.ds(base, 10240)], srcb)
    off = cid * N

    def adjf(i, carry):
        srcb[pl.ds(i * 16, 16)] = srcb[pl.ds(i * 16, 16)] + off
        return carry

    lax.fori_loop(0, 10240 // 16, adjf, 0)

    def fill_zero(i, carry):
        for j in range(H // 16):
            r0[i, pl.ds(j * 16, 16)] = jnp.zeros((16,), jnp.float32)
        return carry

    lax.fori_loop(0, ECH2, fill_zero, 0)
    for m in range(4):
        pltpu.sync_copy(r0, acc.at[pl.ds(sid * ROWS + m * ECH2, ECH2)])
    pltpu.sync_copy(r0.at[pl.ds(0, ROWS - 4 * ECH2)],
                    acc.at[pl.ds(sid * ROWS + 4 * ECH2, ROWS - 4 * ECH2)])

    @pl.when(sid == NS - 1)
    def _():
        pltpu.sync_copy(r0.at[pl.ds(0, TAIL)], acc.at[pl.ds(NS * ROWS, TAIL)])

    plsc.subcore_barrier()

    def fetch(c, k):
        pltpu.async_copy(dst_hbm.at[pl.ds(base + c * ECH2, ECH2)],
                         dbufs[k], dsems[k])
        pltpu.async_copy(y_hbm.at[srcb.at[pl.ds(c * ECH2, ECH2)]],
                         bufs[k], gsems[k])

    def waitboth(k):
        pltpu.make_async_copy(dst_hbm.at[pl.ds(0, ECH2)],
                              dbufs[k], dsems[k]).wait()
        pltpu.make_async_copy(y_hbm.at[srcb.at[pl.ds(0, ECH2)]],
                              bufs[k], gsems[k]).wait()

    for k in range(2):
        fetch(k, k)

    def grp(p, carry):
        for k in range(2):
            c = p * 2 + k
            waitboth(k)
            pltpu.sync_copy(bufs[k], acc.at[dbufs[k]], add=True)

            @pl.when(c + 2 < nch)
            def _():
                fetch(c + 2, k)

        return carry

    lax.fori_loop(0, nch // 2, grp, 0)
    plsc.subcore_barrier()
    pltpu.sync_copy(acc.at[pl.ds(sid * ROWS, ROWS)],
                    s_hbm.at[pl.ds(cid * N + sid * ROWS, ROWS)])

    @pl.when(sid == NS - 1)
    def _():
        pltpu.sync_copy(acc.at[pl.ds(NS * ROWS, TAIL)],
                        s_hbm.at[pl.ds(cid * N + NS * ROWS, TAIL)])



def _dinv_block(degp_ref):
    deg = degp_ref[0, :, 0:1] + degp_ref[1, :, 0:1] + 1.0
    return lax.rsqrt(deg)


def _dense1_body(x_ref, w_ref, degp_ref, y_ref):
    dinv = _dinv_block(degp_ref)
    h = jnp.dot(x_ref[...], w_ref[...], preferred_element_type=jnp.float32)
    y = h * dinv
    y_ref[0] = y[:, :H]
    y_ref[1] = y[:, H:]


def _dense2_body(s_ref, y_ref, degp_ref, w_ref, b_ref, o_ref):
    dinv = _dinv_block(degp_ref)
    r0 = jnp.maximum((s_ref[0] + y_ref[0]) * dinv + b_ref[0:1, :], 0.0)
    r1 = jnp.maximum((s_ref[1] + y_ref[1]) * dinv + b_ref[1:2, :], 0.0)
    h2 = (jnp.dot(r0, w_ref[0], preferred_element_type=jnp.float32)
          + jnp.dot(r1, w_ref[1], preferred_element_type=jnp.float32))
    y2 = h2 * dinv
    o_ref[0] = y2[:, :H]
    o_ref[1] = y2[:, H:]


def _dense3_body(s_ref, y_ref, degp_ref, x_ref, wg_ref, b_ref, bg_ref, o_ref):
    dinv = _dinv_block(degp_ref)
    r0 = jnp.maximum((s_ref[0] + y_ref[0]) * dinv + b_ref[0:1, :], 0.0)
    r1 = jnp.maximum((s_ref[1] + y_ref[1]) * dinv + b_ref[1:2, :], 0.0)
    xb = x_ref[...]
    h = jnp.concatenate([r0, r1], axis=1) + xb
    gi = (jnp.dot(h, wg_ref[0], preferred_element_type=jnp.float32)
          + jnp.dot(xb, wg_ref[1], preferred_element_type=jnp.float32)
          + bg_ref[...])
    o_ref[...] = h * jax.nn.sigmoid(gi)


_GRID = N // RB

_dense1 = pl.pallas_call(
    _dense1_body,
    grid=(_GRID,),
    in_specs=[
        pl.BlockSpec((RB, D), lambda i: (i, 0)),
        pl.BlockSpec((D, D), lambda i: (0, 0)),
        pl.BlockSpec((2, RB, 16), lambda i: (0, i, 0)),
    ],
    out_specs=pl.BlockSpec((2, RB, H), lambda i: (0, i, 0)),
    out_shape=jax.ShapeDtypeStruct((2, N, H), jnp.float32),
)

_dense2 = pl.pallas_call(
    _dense2_body,
    grid=(_GRID,),
    in_specs=[
        pl.BlockSpec((2, RB, H), lambda i: (0, i, 0)),
        pl.BlockSpec((2, RB, H), lambda i: (0, i, 0)),
        pl.BlockSpec((2, RB, 16), lambda i: (0, i, 0)),
        pl.BlockSpec((2, H, D), lambda i: (0, 0, 0)),
        pl.BlockSpec((2, H), lambda i: (0, 0)),
    ],
    out_specs=pl.BlockSpec((2, RB, H), lambda i: (0, i, 0)),
    out_shape=jax.ShapeDtypeStruct((2, N, H), jnp.float32),
)

_dense3 = pl.pallas_call(
    _dense3_body,
    grid=(_GRID,),
    in_specs=[
        pl.BlockSpec((2, RB, H), lambda i: (0, i, 0)),
        pl.BlockSpec((2, RB, H), lambda i: (0, i, 0)),
        pl.BlockSpec((2, RB, 16), lambda i: (0, i, 0)),
        pl.BlockSpec((RB, D), lambda i: (i, 0)),
        pl.BlockSpec((2, D, D), lambda i: (0, 0, 0)),
        pl.BlockSpec((2, H), lambda i: (0, 0)),
        pl.BlockSpec((1, D), lambda i: (0, 0)),
    ],
    out_specs=pl.BlockSpec((RB, D), lambda i: (i, 0)),
    out_shape=jax.ShapeDtypeStruct((N, D), jnp.float32),
)


def kernel(x, edge_index, W1, b1, W2, b2, Wg, bg):
    ei = edge_index.astype(jnp.int32)
    src = ei[0]
    dst = ei[1]
    deg_call = _make_deg()
    agg_call = _make_agg()
    degp = deg_call(dst)[:, :16].reshape(2, N, 16)
    y1 = _dense1(x, W1, degp)
    s1 = agg_call(y1.reshape(2 * N, H), src, dst).reshape(2, N, H)
    y2 = _dense2(s1, y1, degp, W2.reshape(2, H, D), b1.reshape(2, H))
    s2 = agg_call(y2.reshape(2 * N, H), src, dst).reshape(2, N, H)
    out = _dense3(s2, y2, degp, x, Wg.reshape(2, D, D), b2.reshape(2, H),
                  bg.reshape(1, D))
    return out

# --- scband reference (transcript-rebuilt; emitter-appended) ---
"""Pipeline reference for scband-gated-gcn-51238959841297 (READ-ONLY COPY).

The authoritative reference and input builder live on the scoring server;
editing this copy changes nothing except your own understanding.
"""

import jax, jax.numpy as jnp
import numpy as np

N_NODES = 10000
D_IN = 256
D_HID = 256
D_OUT = 256
N_EDGES = 160000


def gcn_conv(x, edge_index, W, b, n_nodes):
    # PyG GCNConv: add self-loops, symmetric normalization, linear transform, sum-aggregate
    src = edge_index[0]
    dst = edge_index[1]
    loop = jnp.arange(n_nodes, dtype=src.dtype)
    src2 = jnp.concatenate([src, loop])
    dst2 = jnp.concatenate([dst, loop])
    deg = jnp.zeros((n_nodes,), dtype=x.dtype).at[dst2].add(1.0)
    dinv = jnp.where(deg > 0, jax.lax.rsqrt(deg), 0.0)
    norm = dinv[src2] * dinv[dst2]
    h = x @ W
    msg = h[src2] * norm[:, None]
    out = jnp.zeros((n_nodes, W.shape[1]), dtype=x.dtype).at[dst2].add(msg)
    return out + b


def setup_inputs(seed: int = 0) -> dict:
    key = jax.random.key(seed)
    ks = jax.random.split(key, 8)
    x = jax.random.normal(ks[0], (N_NODES, D_IN), dtype=jnp.float32)
    edge_index = jax.random.randint(ks[1], (2, N_EDGES), 0, N_NODES, dtype=jnp.int64)
    s1 = float(np.sqrt(2.0 / (D_IN + D_HID)))
    s2 = float(np.sqrt(2.0 / (D_HID + D_OUT)))
    sg = float(np.sqrt(2.0 / (D_OUT + D_IN + D_OUT)))
    W1 = jax.random.normal(ks[2], (D_IN, D_HID), dtype=jnp.float32) * s1
    b1 = jnp.zeros((D_HID,), dtype=jnp.float32)
    W2 = jax.random.normal(ks[3], (D_HID, D_OUT), dtype=jnp.float32) * s2
    b2 = jnp.zeros((D_OUT,), dtype=jnp.float32)
    Wg = jax.random.normal(ks[4], (D_OUT + D_IN, D_OUT), dtype=jnp.float32) * sg
    bg = jnp.zeros((D_OUT,), dtype=jnp.float32)
    return {"x": x, "edge_index": edge_index, "W1": W1, "b1": b1, "W2": W2, "b2": b2, "Wg": Wg, "bg": bg}


def reference(x, edge_index, W1, b1, W2, b2, Wg, bg):
    n = x.shape[0]
    original_x = x
    h = gcn_conv(x, edge_index, W1, b1, n)
    h = jax.nn.relu(h)
    # dropout p=0.3 is identity in eval mode
    h = gcn_conv(h, edge_index, W2, b2, n)
    h = jax.nn.relu(h)
    if h.shape == original_x.shape:
        h = h + original_x
    gate_input = jnp.concatenate([h, original_x], axis=1)
    gate = jax.nn.sigmoid(gate_input @ Wg + bg)
    return h * gate

if __name__ == "__main__":
    import jax
    _d = setup_inputs()
    print(jax.jit(kernel)(*tuple(_d.values())))

</pallas_src>

<mosaic_0001>
#map = affine_map<(d0, d1) -> (0, 0)>
#map1 = affine_map<(d0, d1) -> (0)>
module attributes {stable_mosaic.version = 14 : i64} {
  func.func @_agg_body(%arg0: i32, %arg1: i32, %arg2: memref<20000x128xf32, #tpu.memory_space<hbm>>, %arg3: memref<160000xi32, #tpu.memory_space<hbm>>, %arg4: memref<160000xi32, #tpu.memory_space<hbm>>, %arg5: memref<20000x128xf32, #tpu.memory_space<hbm>>, %arg6: memref<10240xi32, #tpu.memory_space<vmem>>, %arg7: memref<128xi32, #tpu.memory_space<vmem>>, %arg8: memref<128xi32, #tpu.memory_space<vmem>>, %arg9: memref<128x128xf32, #tpu.memory_space<vmem>>, %arg10: memref<128x128xf32, #tpu.memory_space<vmem>>, %arg11: memref<10000x128xf32, #tpu.memory_space<vmem_shared>>, %arg12: memref<!tpu.dma_semaphore, #tpu.memory_space<semaphore_mem>>, %arg13: memref<!tpu.dma_semaphore, #tpu.memory_space<semaphore_mem>>, %arg14: memref<!tpu.dma_semaphore, #tpu.memory_space<semaphore_mem>>, %arg15: memref<!tpu.dma_semaphore, #tpu.memory_space<semaphore_mem>>) attributes {dimension_semantics = [#tpu.dimension_semantics<core_parallel>, #tpu.dimension_semantics<subcore_parallel>], iteration_bounds = array<i64: 2, 16>, scalar_prefetch = 0 : i64, scratch_operands = 10 : i64, tpu.core_type = #tpu.core_type<sc_vector_subcore>, window_params = [{transform_indices = #map}, {transform_indices = #map1}, {transform_indices = #map1}, {transform_indices = #map}]} {
    %eq3A = arith.constant 15 : i32
    %eq3A_0 = arith.cmpi eq, %arg1, %eq3A : i32
    %jit3A = arith.constant 2 : i32
    %jit3A_1 = arith.constant 0 : i32
    %select_n3A = arith.select %eq3A_0, %jit3A, %jit3A_1 : i32
    %add3A = arith.constant 78 : i32
    %add3A_2 = arith.addi %add3A, %select_n3A : i32
    %mul3A = arith.constant 9984 : i32
    %mul3A_3 = arith.muli %arg1, %mul3A : i32
    "tpu.region"() ({
      %run_scoped3A = tpu.sem_alloc : memref<!tpu.dma_semaphore, #tpu.memory_space<semaphore_mem>>
      %dma_start3A_97 = tpu.memref_slice %arg3[%mul3A_3] : memref<160000xi32, #tpu.memory_space<hbm>> -> memref<10240xi32, #tpu.memory_space<hbm>>
      %dma_start3A_98 = tpu.memref_slice %arg3[%mul3A_3] : memref<160000xi32, #tpu.memory_space<hbm>> -> memref<10240xi32, #tpu.memory_space<hbm>>
      tpu.enqueue_dma source(%dma_start3A_98 : memref<10240xi32, #tpu.memory_space<hbm>>) target(%arg6 : memref<10240xi32, #tpu.memory_space<vmem>>) target_semaphore(%run_scoped3A : memref<!tpu.dma_semaphore, #tpu.memory_space<semaphore_mem>>)
      %dma_wait3A = tpu.memref_slice %arg3[%mul3A_3] : memref<160000xi32, #tpu.memory_space<hbm>> -> memref<10240xi32, #tpu.memory_space<hbm>>
      %dma_wait3A_99 = tpu.memref_slice %arg3[%mul3A_3] : memref<160000xi32, #tpu.memory_space<hbm>> -> memref<10240xi32, #tpu.memory_space<hbm>>
      tpu.wait_dma2 semaphore(%run_scoped3A : memref<!tpu.dma_semaphore, #tpu.memory_space<semaphore_mem>>) src(%dma_wait3A_99 : memref<10240xi32, #tpu.memory_space<hbm>>) dst(%arg6 : memref<10240xi32, #tpu.memory_space<vmem>>)
      tpu.yield
    }) : () -> ()
    %mul3A_4 = arith.constant 10000 : i32
    %mul3A_5 = arith.muli %arg0, %mul3A_4 : i32
    %scan3A = arith.constant 0 : i32
    %scan3A_6 = arith.constant 0 : i32
    %scan3A_7 = arith.constant 640 : i32
    %scan3A_8 = arith.addi %scan3A_6, %scan3A_7 : i32
    %scan3A_9 = arith.constant 1 : i32
    scf.for %scan3A_97 = %scan3A_6 to %scan3A_8 step %scan3A_9  : i32 {
      %mul3A_98 = arith.constant 16 : i32
      %mul3A_99 = arith.muli %scan3A_97, %mul3A_98 : i32
      %get3A = arith.index_cast %mul3A_99 : i32 to index
      %get3A_100 = tpu.vector_load %arg6[%get3A] {strides = array<i32>} : memref<10240xi32, #tpu.memory_space<vmem>>, vector<16xi32>,
      %get3A_101 = vector.shape_cast %get3A_100 : vector<16xi32> to vector<16xi32>
      %add3A_102 = vector.broadcast %mul3A_5 : i32 to vector<16xi32>
      %add3A_103 = arith.addi %get3A_101, %add3A_102 : vector<16xi32>
      %mul3A_104 = arith.constant 16 : i32
      %mul3A_105 = arith.muli %scan3A_97, %mul3A_104 : i32
      %swap3A = arith.index_cast %mul3A_105 : i32 to index
      %swap3A_106 = tpu.vector_load %arg6[%swap3A] {strides = array<i32>} : memref<10240xi32, #tpu.memory_space<vmem>>, vector<16xi32>,
      %swap3A_107 = vector.shape_cast %swap3A_106 : vector<16xi32> to vector<16xi32>
      %swap3A_108 = vector.shape_cast %add3A_103 : vector<16xi32> to vector<16xi32>
      tpu.vector_store %arg6[%swap3A], %swap3A_108 {strides = array<i32>} : memref<10240xi32, #tpu.memory_space<vmem>>, vector<16xi32>,
    }
    %scan3A_10 = arith.constant 640 : i32
    %scan3A_11 = arith.constant 0 : i32
    %scan3A_12 = arith.constant 0 : i32
    %scan3A_13 = arith.constant 128 : i32
    %scan3A_14 = arith.addi %scan3A_12, %scan3A_13 : i32
    %scan3A_15 = arith.constant 1 : i32
    scf.for %scan3A_97 = %scan3A_12 to %scan3A_14 step %scan3A_15  : i32 {
      %broadcast_in_dim3A = arith.constant 0.000000e+00 : f32
      %broadcast_in_dim3A_98 = vector.broadcast %broadcast_in_dim3A : f32 to vector<16xf32>
      %swap3A = arith.index_cast %scan3A_97 : i32 to index
      %swap3A_99 = arith.constant 0 : index
      %swap3A_100 = tpu.vector_load %arg9[%swap3A, %swap3A_99] {strides = array<i32>} : memref<128x128xf32, #tpu.memory_space<vmem>>, vector<1x16xf32>,
      %swap3A_101 = vector.shape_cast %swap3A_100 : vector<1x16xf32> to vector<16xf32>
      %swap3A_102 = vector.shape_cast %broadcast_in_dim3A_98 : vector<16xf32> to vector<1x16xf32>
      tpu.vector_store %arg9[%swap3A, %swap3A_99], %swap3A_102 {strides = array<i32>} : memref<128x128xf32, #tpu.memory_space<vmem>>, vector<1x16xf32>,
      %broadcast_in_dim3A_103 = arith.constant 0.000000e+00 : f32
      %broadcast_in_dim3A_104 = vector.broadcast %broadcast_in_dim3A_103 : f32 to vector<16xf32>
      %swap3A_105 = arith.index_cast %scan3A_97 : i32 to index
      %swap3A_106 = arith.constant 16 : index
      %swap3A_107 = tpu.vector_load %arg9[%swap3A_105, %swap3A_106] {strides = array<i32>} : memref<128x128xf32, #tpu.memory_space<vmem>>, vector<1x16xf32>,
      %swap3A_108 = vector.shape_cast %swap3A_107 : vector<1x16xf32> to vector<16xf32>
      %swap3A_109 = vector.shape_cast %broadcast_in_dim3A_104 : vector<16xf32> to vector<1x16xf32>
      tpu.vector_store %arg9[%swap3A_105, %swap3A_106], %swap3A_109 {strides = array<i32>} : memref<128x128xf32, #tpu.memory_space<vmem>>, vector<1x16xf32>,
      %broadcast_in_dim3A_110 = arith.constant 0.000000e+00 : f32
      %broadcast_in_dim3A_111 = vector.broadcast %broadcast_in_dim3A_110 : f32 to vector<16xf32>
      %swap3A_112 = arith.index_cast %scan3A_97 : i32 to index
      %swap3A_113 = arith.constant 32 : index
      %swap3A_114 = tpu.vector_load %arg9[%swap3A_112, %swap3A_113] {strides = array<i32>} : memref<128x128xf32, #tpu.memory_space<vmem>>, vector<1x16xf32>,
      %swap3A_115 = vector.shape_cast %swap3A_114 : vector<1x16xf32> to vector<16xf32>
      %swap3A_116 = vector.shape_cast %broadcast_in_dim3A_111 : vector<16xf32> to vector<1x16xf32>
      tpu.vector_store %arg9[%swap3A_112, %swap3A_113], %swap3A_116 {strides = array<i32>} : memref<128x128xf32, #tpu.memory_space<vmem>>, vector<1x16xf32>,
      %broadcast_in_dim3A_117 = arith.constant 0.000000e+00 : f32
      %broadcast_in_dim3A_118 = vector.broadcast %broadcast_in_dim3A_117 : f32 to vector<16xf32>
      %swap3A_119 = arith.index_cast %scan3A_97 : i32 to index
      %swap3A_120 = arith.constant 48 : index
      %swap3A_121 = tpu.vector_load %arg9[%swap3A_119, %swap3A_120] {strides = array<i32>} : memref<128x128xf32, #tpu.memory_space<vmem>>, vector<1x16xf32>,
      %swap3A_122 = vector.shape_cast %swap3A_121 : vector<1x16xf32> to vector<16xf32>
      %swap3A_123 = vector.shape_cast %broadcast_in_dim3A_118 : vector<16xf32> to vector<1x16xf32>
      tpu.vector_store %arg9[%swap3A_119, %swap3A_120], %swap3A_123 {strides = array<i32>} : memref<128x128xf32, #tpu.memory_space<vmem>>, vector<1x16xf32>,
      %broadcast_in_dim3A_124 = arith.constant 0.000000e+00 : f32
      %broadcast_in_dim3A_125 = vector.broadcast %broadcast_in_dim3A_124 : f32 to vector<16xf32>
      %swap3A_126 = arith.index_cast %scan3A_97 : i32 to index
      %swap3A_127 = arith.constant 64 : index
      %swap3A_128 = tpu.vector_load %arg9[%swap3A_126, %swap3A_127] {strides = array<i32>} : memref<128x128xf32, #tpu.memory_space<vmem>>, vector<1x16xf32>,
      %swap3A_129 = vector.shape_cast %swap3A_128 : vector<1x16xf32> to vector<16xf32>
      %swap3A_130 = vector.shape_cast %broadcast_in_dim3A_125 : vector<16xf32> to vector<1x16xf32>
      tpu.vector_store %arg9[%swap3A_126, %swap3A_127], %swap3A_130 {strides = array<i32>} : memref<128x128xf32, #tpu.memory_space<vmem>>, vector<1x16xf32>,
      %broadcast_in_dim3A_131 = arith.constant 0.000000e+00 : f32
      %broadcast_in_dim3A_132 = vector.broadcast %broadcast_in_dim3A_131 : f32 to vector<16xf32>
      %swap3A_133 = arith.index_cast %scan3A_97 : i32 to index
      %swap3A_134 = arith.constant 80 : index
      %swap3A_135 = tpu.vector_load %arg9[%swap3A_133, %swap3A_134] {strides = array<i32>} : memref<128x128xf32, #tpu.memory_space<vmem>>, vector<1x16xf32>,
      %swap3A_136 = vector.shape_cast %swap3A_135 : vector<1x16xf32> to vector<16xf32>
      %swap3A_137 = vector.shape_cast %broadcast_in_dim3A_132 : vector<16xf32> to vector<1x16xf32>
      tpu.vector_store %arg9[%swap3A_133, %swap3A_134], %swap3A_137 {strides = array<i32>} : memref<128x128xf32, #tpu.memory_space<vmem>>, vector<1x16xf32>,
      %broadcast_in_dim3A_138 = arith.constant 0.000000e+00 : f32
      %broadcast_in_dim3A_139 = vector.broadcast %broadcast_in_dim3A_138 : f32 to vector<16xf32>
      %swap3A_140 = arith.index_cast %scan3A_97 : i32 to index
      %swap3A_141 = arith.constant 96 : index
      %swap3A_142 = tpu.vector_load %arg9[%swap3A_140, %swap3A_141] {strides = array<i32>} : memref<128x128xf32, #tpu.memory_space<vmem>>, vector<1x16xf32>,
      %swap3A_143 = vector.shape_cast %swap3A_142 : vector<1x16xf32> to vector<16xf32>
      %swap3A_144 = vector.shape_cast %broadcast_in_dim3A_139 : vector<16xf32> to vector<1x16xf32>
      tpu.vector_store %arg9[%swap3A_140, %swap3A_141], %swap3A_144 {strides = array<i32>} : memref<128x128xf32, #tpu.memory_space<vmem>>, vector<1x16xf32>,
      %broadcast_in_dim3A_145 = arith.constant 0.000000e+00 : f32
      %broadcast_in_dim3A_146 = vector.broadcast %broadcast_in_dim3A_145 : f32 to vector<16xf32>
      %swap3A_147 = arith.index_cast %scan3A_97 : i32 to index
      %swap3A_148 = arith.constant 112 : index
      %swap3A_149 = tpu.vector_load %arg9[%swap3A_147, %swap3A_148] {strides = array<i32>} : memref<128x128xf32, #tpu.memory_space<vmem>>, vector<1x16xf32>,
      %swap3A_150 = vector.shape_cast %swap3A_149 : vector<1x16xf32> to vector<16xf32>
      %swap3A_151 = vector.shape_cast %broadcast_in_dim3A_146 : vector<16xf32> to vector<1x16xf32>
      tpu.vector_store %arg9[%swap3A_147, %swap3A_148], %swap3A_151 {strides = array<i32>} : memref<128x128xf32, #tpu.memory_space<vmem>>, vector<1x16xf32>,
    }
    %scan3A_16 = arith.constant 128 : i32
    %mul3A_17 = arith.constant 624 : i32
    %mul3A_18 = arith.muli %arg1, %mul3A_17 : i32
    %add3A_19 = arith.constant 0 : i32
    %add3A_20 = arith.addi %mul3A_18, %add3A_19 : i32
    "tpu.region"() ({
      %run_scoped3A = tpu.sem_alloc : memref<!tpu.dma_semaphore, #tpu.memory_space<semaphore_mem>>
      %dma_start3A_97 = arith.constant 0 : i32
      %dma_start3A_98 = tpu.memref_slice %arg11[%add3A_20, %dma_start3A_97] : memref<10000x128xf32, #tpu.memory_space<vmem_shared>> -> memref<128x128xf32, #tpu.memory_space<vmem_shared>>
      %dma_start3A_99 = arith.constant 0 : i32
      %dma_start3A_100 = tpu.memref_slice %arg11[%add3A_20, %dma_start3A_99] : memref<10000x128xf32, #tpu.memory_space<vmem_shared>> -> memref<128x128xf32, #tpu.memory_space<vmem_shared>>
      tpu.enqueue_dma source(%arg9 : memref<128x128xf32, #tpu.memory_space<vmem>>) target(%dma_start3A_100 : memref<128x128xf32, #tpu.memory_space<vmem_shared>>) target_semaphore(%run_scoped3A : memref<!tpu.dma_semaphore, #tpu.memory_space<semaphore_mem>>)
      %dma_wait3A = arith.constant 0 : i32
      %dma_wait3A_101 = tpu.memref_slice %arg11[%add3A_20, %dma_wait3A] : memref<10000x128xf32, #tpu.memory_space<vmem_shared>> -> memref<128x128xf32, #tpu.memory_space<vmem_shared>>
      %dma_wait3A_102 = arith.constant 0 : i32
      %dma_wait3A_103 = tpu.memref_slice %arg11[%add3A_20, %dma_wait3A_102] : memref<10000x128xf32, #tpu.memory_space<vmem_shared>> -> memref<128x128xf32, #tpu.memory_space<vmem_shared>>
      tpu.wait_dma2 semaphore(%run_scoped3A : memref<!tpu.dma_semaphore, #tpu.memory_space<semaphore_mem>>) src(%arg9 : memref<128x128xf32, #tpu.memory_space<vmem>>) dst(%dma_wait3A_103 : memref<128x128xf32, #tpu.memory_space<vmem_shared>>)
      tpu.yield
    }) : () -> ()
    %mul3A_21 = arith.constant 624 : i32
    %mul3A_22 = arith.muli %arg1, %mul3A_21 : i32
    %add3A_23 = arith.constant 128 : i32
    %add3A_24 = arith.addi %mul3A_22, %add3A_23 : i32
    "tpu.region"() ({
      %run_scoped3A = tpu.sem_alloc : memref<!tpu.dma_semaphore, #tpu.memory_space<semaphore_mem>>
      %dma_start3A_97 = arith.constant 0 : i32
      %dma_start3A_98 = tpu.memref_slice %arg11[%add3A_24, %dma_start3A_97] : memref<10000x128xf32, #tpu.memory_space<vmem_shared>> -> memref<128x128xf32, #tpu.memory_space<vmem_shared>>
      %dma_start3A_99 = arith.constant 0 : i32
      %dma_start3A_100 = tpu.memref_slice %arg11[%add3A_24, %dma_start3A_99] : memref<10000x128xf32, #tpu.memory_space<vmem_shared>> -> memref<128x128xf32, #tpu.memory_space<vmem_shared>>
      tpu.enqueue_dma source(%arg9 : memref<128x128xf32, #tpu.memory_space<vmem>>) target(%dma_start3A_100 : memref<128x128xf32, #tpu.memory_space<vmem_shared>>) target_semaphore(%run_scoped3A : memref<!tpu.dma_semaphore, #tpu.memory_space<semaphore_mem>>)
      %dma_wait3A = arith.constant 0 : i32
      %dma_wait3A_101 = tpu.memref_slice %arg11[%add3A_24, %dma_wait3A] : memref<10000x128xf32, #tpu.memory_space<vmem_shared>> -> memref<128x128xf32, #tpu.memory_space<vmem_shared>>
      %dma_wait3A_102 = arith.constant 0 : i32
      %dma_wait3A_103 = tpu.memref_slice %arg11[%add3A_24, %dma_wait3A_102] : memref<10000x128xf32, #tpu.memory_space<vmem_shared>> -> memref<128x128xf32, #tpu.memory_space<vmem_shared>>
      tpu.wait_dma2 semaphore(%run_scoped3A : memref<!tpu.dma_semaphore, #tpu.memory_space<semaphore_mem>>) src(%arg9 : memref<128x128xf32, #tpu.memory_space<vmem>>) dst(%dma_wait3A_103 : memref<128x128xf32, #tpu.memory_space<vmem_shared>>)
      tpu.yield
    }) : () -> ()
    %mul3A_25 = arith.constant 624 : i32
    %mul3A_26 = arith.muli %arg1, %mul3A_25 : i32
    %add3A_27 = arith.constant 256 : i32
    %add3A_28 = arith.addi %mul3A_26, %add3A_27 : i32
    "tpu.region"() ({
      %run_scoped3A = tpu.sem_alloc : memref<!tpu.dma_semaphore, #tpu.memory_space<semaphore_mem>>
      %dma_start3A_97 = arith.constant 0 : i32
      %dma_start3A_98 = tpu.memref_slice %arg11[%add3A_28, %dma_start3A_97] : memref<10000x128xf32, #tpu.memory_space<vmem_shared>> -> memref<128x128xf32, #tpu.memory_space<vmem_shared>>
      %dma_start3A_99 = arith.constant 0 : i32
      %dma_start3A_100 = tpu.memref_slice %arg11[%add3A_28, %dma_start3A_99] : memref<10000x128xf32, #tpu.memory_space<vmem_shared>> -> memref<128x128xf32, #tpu.memory_space<vmem_shared>>
      tpu.enqueue_dma source(%arg9 : memref<128x128xf32, #tpu.memory_space<vmem>>) target(%dma_start3A_100 : memref<128x128xf32, #tpu.memory_space<vmem_shared>>) target_semaphore(%run_scoped3A : memref<!tpu.dma_semaphore, #tpu.memory_space<semaphore_mem>>)
      %dma_wait3A = arith.constant 0 : i32
      %dma_wait3A_101 = tpu.memref_slice %arg11[%add3A_28, %dma_wait3A] : memref<10000x128xf32, #tpu.memory_space<vmem_shared>> -> memref<128x128xf32, #tpu.memory_space<vmem_shared>>
      %dma_wait3A_102 = arith.constant 0 : i32
      %dma_wait3A_103 = tpu.memref_slice %arg11[%add3A_28, %dma_wait3A_102] : memref<10000x128xf32, #tpu.memory_space<vmem_shared>> -> memref<128x128xf32, #tpu.memory_space<vmem_shared>>
      tpu.wait_dma2 semaphore(%run_scoped3A : memref<!tpu.dma_semaphore, #tpu.memory_space<semaphore_mem>>) src(%arg9 : memref<128x128xf32, #tpu.memory_space<vmem>>) dst(%dma_wait3A_103 : memref<128x128xf32, #tpu.memory_space<vmem_shared>>)
      tpu.yield
    }) : () -> ()
    %mul3A_29 = arith.constant 624 : i32
    %mul3A_30 = arith.muli %arg1, %mul3A_29 : i32
    %add3A_31 = arith.constant 384 : i32
    %add3A_32 = arith.addi %mul3A_30, %add3A_31 : i32
    "tpu.region"() ({
      %run_scoped3A = tpu.sem_alloc : memref<!tpu.dma_semaphore, #tpu.memory_space<semaphore_mem>>
      %dma_start3A_97 = arith.constant 0 : i32
      %dma_start3A_98 = tpu.memref_slice %arg11[%add3A_32, %dma_start3A_97] : memref<10000x128xf32, #tpu.memory_space<vmem_shared>> -> memref<128x128xf32, #tpu.memory_space<vmem_shared>>
      %dma_start3A_99 = arith.constant 0 : i32
      %dma_start3A_100 = tpu.memref_slice %arg11[%add3A_32, %dma_start3A_99] : memref<10000x128xf32, #tpu.memory_space<vmem_shared>> -> memref<128x128xf32, #tpu.memory_space<vmem_shared>>
      tpu.enqueue_dma source(%arg9 : memref<128x128xf32, #tpu.memory_space<vmem>>) target(%dma_start3A_100 : memref<128x128xf32, #tpu.memory_space<vmem_shared>>) target_semaphore(%run_scoped3A : memref<!tpu.dma_semaphore, #tpu.memory_space<semaphore_mem>>)
      %dma_wait3A = arith.constant 0 : i32
      %dma_wait3A_101 = tpu.memref_slice %arg11[%add3A_32, %dma_wait3A] : memref<10000x128xf32, #tpu.memory_space<vmem_shared>> -> memref<128x128xf32, #tpu.memory_space<vmem_shared>>
      %dma_wait3A_102 = arith.constant 0 : i32
      %dma_wait3A_103 = tpu.memref_slice %arg11[%add3A_32, %dma_wait3A_102] : memref<10000x128xf32, #tpu.memory_space<vmem_shared>> -> memref<128x128xf32, #tpu.memory_space<vmem_shared>>
      tpu.wait_dma2 semaphore(%run_scoped3A : memref<!tpu.dma_semaphore, #tpu.memory_space<semaphore_mem>>) src(%arg9 : memref<128x128xf32, #tpu.memory_space<vmem>>) dst(%dma_wait3A_103 : memref<128x128xf32, #tpu.memory_space<vmem_shared>>)
      tpu.yield
    }) : () -> ()
    %mul3A_33 = arith.constant 624 : i32
    %mul3A_34 = arith.muli %arg1, %mul3A_33 : i32
    %add3A_35 = arith.constant 512 : i32
    %add3A_36 = arith.addi %mul3A_34, %add3A_35 : i32
    "tpu.region"() ({
      %run_scoped3A = tpu.sem_alloc : memref<!tpu.dma_semaphore, #tpu.memory_space<semaphore_mem>>
      %dma_start3A_97 = arith.constant 0 : i32
      %dma_start3A_98 = arith.constant 0 : i32
      %dma_start3A_99 = tpu.memref_slice %arg9[%dma_start3A_97, %dma_start3A_98] : memref<128x128xf32, #tpu.memory_space<vmem>> -> memref<112x128xf32, #tpu.memory_space<vmem>>
      %dma_start3A_100 = arith.constant 0 : i32
      %dma_start3A_101 = tpu.memref_slice %arg11[%add3A_36, %dma_start3A_100] : memref<10000x128xf32, #tpu.memory_space<vmem_shared>> -> memref<112x128xf32, #tpu.memory_space<vmem_shared>>
      %dma_start3A_102 = arith.constant 0 : i32
      %dma_start3A_103 = tpu.memref_slice %arg11[%add3A_36, %dma_start3A_102] : memref<10000x128xf32, #tpu.memory_space<vmem_shared>> -> memref<112x128xf32, #tpu.memory_space<vmem_shared>>
      %dma_start3A_104 = arith.constant 0 : i32
      %dma_start3A_105 = arith.constant 0 : i32
      %dma_start3A_106 = tpu.memref_slice %arg9[%dma_start3A_104, %dma_start3A_105] : memref<128x128xf32, #tpu.memory_space<vmem>> -> memref<112x128xf32, #tpu.memory_space<vmem>>
      tpu.enqueue_dma source(%dma_start3A_106 : memref<112x128xf32, #tpu.memory_space<vmem>>) target(%dma_start3A_103 : memref<112x128xf32, #tpu.memory_space<vmem_shared>>) target_semaphore(%run_scoped3A : memref<!tpu.dma_semaphore, #tpu.memory_space<semaphore_mem>>)
      %dma_wait3A = arith.constant 0 : i32
      %dma_wait3A_107 = arith.constant 0 : i32
      %dma_wait3A_108 = tpu.memref_slice %arg9[%dma_wait3A, %dma_wait3A_107] : memref<128x128xf32, #tpu.memory_space<vmem>> -> memref<112x128xf32, #tpu.memory_space<vmem>>
      %dma_wait3A_109 = arith.constant 0 : i32
      %dma_wait3A_110 = tpu.memref_slice %arg11[%add3A_36, %dma_wait3A_109] : memref<10000x128xf32, #tpu.memory_space<vmem_shared>> -> memref<112x128xf32, #tpu.memory_space<vmem_shared>>
      %dma_wait3A_111 = arith.constant 0 : i32
      %dma_wait3A_112 = tpu.memref_slice %arg11[%add3A_36, %dma_wait3A_111] : memref<10000x128xf32, #tpu.memory_space<vmem_shared>> -> memref<112x128xf32, #tpu.memory_space<vmem_shared>>
      %dma_wait3A_113 = arith.constant 0 : i32
      %dma_wait3A_114 = arith.constant 0 : i32
      %dma_wait3A_115 = tpu.memref_slice %arg9[%dma_wait3A_113, %dma_wait3A_114] : memref<128x128xf32, #tpu.memory_space<vmem>> -> memref<112x128xf32, #tpu.memory_space<vmem>>
      tpu.wait_dma2 semaphore(%run_scoped3A : memref<!tpu.dma_semaphore, #tpu.memory_space<semaphore_mem>>) src(%dma_wait3A_115 : memref<112x128xf32, #tpu.memory_space<vmem>>) dst(%dma_wait3A_112 : memref<112x128xf32, #tpu.memory_space<vmem_shared>>)
      tpu.yield
    }) : () -> ()
    %eq3A_37 = arith.constant 15 : i32
    %eq3A_38 = arith.cmpi eq, %arg1, %eq3A_37 : i32
    %convert_element_type3A = arith.extui %eq3A_38 : i1 to i32
    %cond3A = arith.constant 0 : i32
    %cond3A_39 = arith.cmpi ne, %convert_element_type3A, %cond3A : i32
    scf.if %cond3A_39 {
      "tpu.region"() ({
        %run_scoped3A = tpu.sem_alloc : memref<!tpu.dma_semaphore, #tpu.memory_space<semaphore_mem>>
        %dma_start3A_97 = arith.constant 0 : i32
        %dma_start3A_98 = arith.constant 0 : i32
        %dma_start3A_99 = tpu.memref_slice %arg9[%dma_start3A_97, %dma_start3A_98] : memref<128x128xf32, #tpu.memory_space<vmem>> -> memref<16x128xf32, #tpu.memory_space<vmem>>
        %dma_start3A_100 = arith.constant 9984 : i32
        %dma_start3A_101 = arith.constant 0 : i32
        %dma_start3A_102 = tpu.memref_slice %arg11[%dma_start3A_100, %dma_start3A_101] : memref<10000x128xf32, #tpu.memory_space<vmem_shared>> -> memref<16x128xf32, #tpu.memory_space<vmem_shared>>
        %dma_start3A_103 = arith.constant 9984 : i32
        %dma_start3A_104 = arith.constant 0 : i32
        %dma_start3A_105 = tpu.memref_slice %arg11[%dma_start3A_103, %dma_start3A_104] : memref<10000x128xf32, #tpu.memory_space<vmem_shared>> -> memref<16x128xf32, #tpu.memory_space<vmem_shared>>
        %dma_start3A_106 = arith.constant 0 : i32
        %dma_start3A_107 = arith.constant 0 : i32
        %dma_start3A_108 = tpu.memref_slice %arg9[%dma_start3A_106, %dma_start3A_107] : memref<128x128xf32, #tpu.memory_space<vmem>> -> memref<16x128xf32, #tpu.memory_space<vmem>>
        tpu.enqueue_dma source(%dma_start3A_108 : memref<16x128xf32, #tpu.memory_space<vmem>>) target(%dma_start3A_105 : memref<16x128xf32, #tpu.memory_space<vmem_shared>>) target_semaphore(%run_scoped3A : memref<!tpu.dma_semaphore, #tpu.memory_space<semaphore_mem>>)
        %dma_wait3A = arith.constant 0 : i32
        %dma_wait3A_109 = arith.constant 0 : i32
        %dma_wait3A_110 = tpu.memref_slice %arg9[%dma_wait3A, %dma_wait3A_109] : memref<128x128xf32, #tpu.memory_space<vmem>> -> memref<16x128xf32, #tpu.memory_space<vmem>>
        %dma_wait3A_111 = arith.constant 9984 : i32
        %dma_wait3A_112 = arith.constant 0 : i32
        %dma_wait3A_113 = tpu.memref_slice %arg11[%dma_wait3A_111, %dma_wait3A_112] : memref<10000x128xf32, #tpu.memory_space<vmem_shared>> -> memref<16x128xf32, #tpu.memory_space<vmem_shared>>
        %dma_wait3A_114 = arith.constant 9984 : i32
        %dma_wait3A_115 = arith.constant 0 : i32
        %dma_wait3A_116 = tpu.memref_slice %arg11[%dma_wait3A_114, %dma_wait3A_115] : memref<10000x128xf32, #tpu.memory_space<vmem_shared>> -> memref<16x128xf32, #tpu.memory_space<vmem_shared>>
        %dma_wait3A_117 = arith.constant 0 : i32
        %dma_wait3A_118 = arith.constant 0 : i32
        %dma_wait3A_119 = tpu.memref_slice %arg9[%dma_wait3A_117, %dma_wait3A_118] : memref<128x128xf32, #tpu.memory_space<vmem>> -> memref<16x128xf32, #tpu.memory_space<vmem>>
        tpu.wait_dma2 semaphore(%run_scoped3A : memref<!tpu.dma_semaphore, #tpu.memory_space<semaphore_mem>>) src(%dma_wait3A_119 : memref<16x128xf32, #tpu.memory_space<vmem>>) dst(%dma_wait3A_116 : memref<16x128xf32, #tpu.memory_space<vmem_shared>>)
        tpu.yield
      }) : () -> ()
    } else {
    }
    %barrier3A = arith.constant 0 : index
    tpu.barrier barrier_id(%barrier3A)
    %add3A_40 = arith.constant 0 : i32
    %add3A_41 = arith.addi %mul3A_3, %add3A_40 : i32
    %dma_start3A = tpu.memref_slice %arg4[%add3A_41] : memref<160000xi32, #tpu.memory_space<hbm>> -> memref<128xi32, #tpu.memory_space<hbm>>
    %dma_start3A_42 = tpu.memref_slice %arg4[%add3A_41] : memref<160000xi32, #tpu.memory_space<hbm>> -> memref<128xi32, #tpu.memory_space<hbm>>
    tpu.enqueue_dma source(%dma_start3A_42 : memref<128xi32, #tpu.memory_space<hbm>>) target(%arg7 : memref<128xi32, #tpu.memory_space<vmem>>) target_semaphore(%arg14 : memref<!tpu.dma_semaphore, #tpu.memory_space<semaphore_mem>>)
    %dma_start3A_43 = arith.constant 0 : i32
    %dma_start3A_44 = tpu.memref_slice %arg6[%dma_start3A_43] : memref<10240xi32, #tpu.memory_space<vmem>> -> memref<128xi32, #tpu.memory_space<vmem>>
    %dma_start3A_45 = arith.constant 0 : i32
    %dma_start3A_46 = arith.constant 0 : i32
    %dma_start3A_47 = tpu.memref_slice %arg2[%dma_start3A_45, %dma_start3A_46] : memref<20000x128xf32, #tpu.memory_space<hbm>> -> memref<20000x128xf32, #tpu.memory_space<hbm>>
    tpu.enqueue_indirect_dma source(%dma_start3A_47 : memref<20000x128xf32, #tpu.memory_space<hbm>>) target(%arg9 : memref<128x128xf32, #tpu.memory_space<vmem>>) offsets(%dma_start3A_44 : memref<128xi32, #tpu.memory_space<vmem>>) semaphore(%arg12 : memref<!tpu.dma_semaphore, #tpu.memory_space<semaphore_mem>>)
    %add3A_48 = arith.constant 128 : i32
    %add3A_49 = arith.addi %mul3A_3, %add3A_48 : i32
    %dma_start3A_50 = tpu.memref_slice %arg4[%add3A_49] : memref<160000xi32, #tpu.memory_space<hbm>> -> memref<128xi32, #tpu.memory_space<hbm>>
    %dma_start3A_51 = tpu.memref_slice %arg4[%add3A_49] : memref<160000xi32, #tpu.memory_space<hbm>> -> memref<128xi32, #tpu.memory_space<hbm>>
    tpu.enqueue_dma source(%dma_start3A_51 : memref<128xi32, #tpu.memory_space<hbm>>) target(%arg8 : memref<128xi32, #tpu.memory_space<vmem>>) target_semaphore(%arg15 : memref<!tpu.dma_semaphore, #tpu.memory_space<semaphore_mem>>)
    %dma_start3A_52 = arith.constant 128 : i32
    %dma_start3A_53 = tpu.memref_slice %arg6[%dma_start3A_52] : memref<10240xi32, #tpu.memory_space<vmem>> -> memref<128xi32, #tpu.memory_space<vmem>>
    %dma_start3A_54 = arith.constant 0 : i32
    %dma_start3A_55 = arith.constant 0 : i32
    %dma_start3A_56 = tpu.memref_slice %arg2[%dma_start3A_54, %dma_start3A_55] : memref<20000x128xf32, #tpu.memory_space<hbm>> -> memref<20000x128xf32, #tpu.memory_space<hbm>>
    tpu.enqueue_indirect_dma source(%dma_start3A_56 : memref<20000x128xf32, #tpu.memory_space<hbm>>) target(%arg10 : memref<128x128xf32, #tpu.memory_space<vmem>>) offsets(%dma_start3A_53 : memref<128xi32, #tpu.memory_space<vmem>>) semaphore(%arg13 : memref<!tpu.dma_semaphore, #tpu.memory_space<semaphore_mem>>)
    %jit3A_57 = arith.constant 2 : i32
    %div3A = arith.divsi %add3A_2, %jit3A_57 : i32
    %sign3A = arith.constant 0 : i32
    %sign3A_58 = arith.cmpi sgt, %add3A_2, %sign3A : i32
    %sign3A_59 = arith.extui %sign3A_58 : i1 to i32
    %sign3A_60 = arith.constant 0 : i32
    %sign3A_61 = arith.cmpi slt, %add3A_2, %sign3A_60 : i32
    %sign3A_62 = arith.extui %sign3A_61 : i1 to i32
    %sign3A_63 = arith.subi %sign3A_59, %sign3A_62 : i32
    %sign3A_64 = arith.constant 0 : i32
    %sign3A_65 = arith.cmpi sgt, %jit3A_57, %sign3A_64 : i32
    %sign3A_66 = arith.extui %sign3A_65 : i1 to i32
    %sign3A_67 = arith.constant 0 : i32
    %sign3A_68 = arith.cmpi slt, %jit3A_57, %sign3A_67 : i32
    %sign3A_69 = arith.extui %sign3A_68 : i1 to i32
    %sign3A_70 = arith.subi %sign3A_66, %sign3A_69 : i32
    %ne3A = arith.cmpi ne, %sign3A_63, %sign3A_70 : i32
    %rem3A = arith.remsi %add3A_2, %jit3A_57 : i32
    %ne3A_71 = arith.constant 0 : i32
    %ne3A_72 = arith.cmpi ne, %rem3A, %ne3A_71 : i32
    %and3A = arith.andi %ne3A, %ne3A_72 : i1
    %sub3A = arith.constant 1 : i32
    %sub3A_73 = arith.subi %div3A, %sub3A : i32
    %select_n3A_74 = arith.select %and3A, %sub3A_73, %div3A : i32
    %while3A = arith.constant 0 : i32
    %while3A_75 = arith.constant 0 : i32
    %while3A_76 = arith.subi %select_n3A_74, %while3A_75 : i32
    %while3A_77 = arith.addi %while3A_75, %while3A_76 : i32
    %while3A_78 = arith.constant 1 : i32
    %while3A_79 = arith.divsi %while3A_76, %while3A_78 : i32
    %while3A_80 = arith.muli %while3A_79, %while3A_78 : i32
    %while3A_81 = arith.addi %while3A_75, %while3A_80 : i32
    %while3A_82 = arith.constant 1 : i32
    scf.for %while3A_97 = %while3A_75 to %while3A_81 step %while3A_82  : i32 {
      %mul3A_98 = arith.constant 2 : i32
      %mul3A_99 = arith.muli %while3A_97, %mul3A_98 : i32
      %add3A_100 = arith.constant 0 : i32
      %add3A_101 = arith.addi %mul3A_99, %add3A_100 : i32
      %dma_wait3A = arith.constant 0 : i32
      %dma_wait3A_102 = tpu.memref_slice %arg4[%dma_wait3A] : memref<160000xi32, #tpu.memory_space<hbm>> -> memref<128xi32, #tpu.memory_space<hbm>>
      %dma_wait3A_103 = arith.constant 0 : i32
      %dma_wait3A_104 = tpu.memref_slice %arg4[%dma_wait3A_103] : memref<160000xi32, #tpu.memory_space<hbm>> -> memref<128xi32, #tpu.memory_space<hbm>>
      tpu.wait_dma2 semaphore(%arg14 : memref<!tpu.dma_semaphore, #tpu.memory_space<semaphore_mem>>) src(%dma_wait3A_104 : memref<128xi32, #tpu.memory_space<hbm>>) dst(%arg7 : memref<128xi32, #tpu.memory_space<vmem>>)
      %dma_wait3A_105 = arith.constant 0 : i32
      %dma_wait3A_106 = tpu.memref_slice %arg6[%dma_wait3A_105] : memref<10240xi32, #tpu.memory_space<vmem>> -> memref<128xi32, #tpu.memory_space<vmem>>
      %dma_wait3A_107 = arith.constant 0 : i32
      %dma_wait3A_108 = arith.constant 0 : i32
      %dma_wait3A_109 = tpu.memref_slice %arg2[%dma_wait3A_107, %dma_wait3A_108] : memref<20000x128xf32, #tpu.memory_space<hbm>> -> memref<20000x128xf32, #tpu.memory_space<hbm>>
      tpu.wait_indirect_dma semaphore(%arg12 : memref<!tpu.dma_semaphore, #tpu.memory_space<semaphore_mem>>) src(%dma_wait3A_109 : memref<20000x128xf32, #tpu.memory_space<hbm>>) dst(%arg9 : memref<128x128xf32, #tpu.memory_space<vmem>>)
      "tpu.region"() ({
        %run_scoped3A = tpu.sem_alloc : memref<!tpu.dma_semaphore, #tpu.memory_space<semaphore_mem>>
        %dma_start3A_134 = arith.constant 0 : i32
        %dma_start3A_135 = arith.constant 0 : i32
        %dma_start3A_136 = tpu.memref_slice %arg11[%dma_start3A_134, %dma_start3A_135] : memref<10000x128xf32, #tpu.memory_space<vmem_shared>> -> memref<10000x128xf32, #tpu.memory_space<vmem_shared>>
        tpu.enqueue_indirect_dma source(%arg9 : memref<128x128xf32, #tpu.memory_space<vmem>>) target(%dma_start3A_136 : memref<10000x128xf32, #tpu.memory_space<vmem_shared>>) offsets(%arg7 : memref<128xi32, #tpu.memory_space<vmem>>) semaphore(%run_scoped3A : memref<!tpu.dma_semaphore, #tpu.memory_space<semaphore_mem>>) {add = true}
        %dma_wait3A_137 = arith.constant 0 : i32
        %dma_wait3A_138 = arith.constant 0 : i32
        %dma_wait3A_139 = tpu.memref_slice %arg11[%dma_wait3A_137, %dma_wait3A_138] : memref<10000x128xf32, #tpu.memory_space<vmem_shared>> -> memref<10000x128xf32, #tpu.memory_space<vmem_shared>>
        tpu.wait_indirect_dma semaphore(%run_scoped3A : memref<!tpu.dma_semaphore, #tpu.memory_space<semaphore_mem>>) src(%arg9 : memref<128x128xf32, #tpu.memory_space<vmem>>) dst(%dma_wait3A_139 : memref<10000x128xf32, #tpu.memory_space<vmem_shared>>)
        tpu.yield
      }) : () -> ()
      %add3A_110 = arith.constant 2 : i32
      %add3A_111 = arith.addi %add3A_101, %add3A_110 : i32
      %lt3A = arith.cmpi slt, %add3A_111, %add3A_2 : i32
      %convert_element_type3A_112 = arith.extui %lt3A : i1 to i32
      %cond3A_113 = arith.constant 0 : i32
      %cond3A_114 = arith.cmpi ne, %convert_element_type3A_112, %cond3A_113 : i32
      scf.if %cond3A_114 {
        %add3A_134 = arith.constant 2 : i32
        %add3A_135 = arith.addi %add3A_101, %add3A_134 : i32
        %mul3A_136 = arith.constant 128 : i32
        %mul3A_137 = arith.muli %add3A_135, %mul3A_136 : i32
        %add3A_138 = arith.addi %mul3A_3, %mul3A_137 : i32
        %dma_start3A_139 = tpu.memref_slice %arg4[%add3A_138] : memref<160000xi32, #tpu.memory_space<hbm>> -> memref<128xi32, #tpu.memory_space<hbm>>
        %dma_start3A_140 = tpu.memref_slice %arg4[%add3A_138] : memref<160000xi32, #tpu.memory_space<hbm>> -> memref<128xi32, #tpu.memory_space<hbm>>
        tpu.enqueue_dma source(%dma_start3A_140 : memref<128xi32, #tpu.memory_space<hbm>>) target(%arg7 : memref<128xi32, #tpu.memory_space<vmem>>) target_semaphore(%arg14 : memref<!tpu.dma_semaphore, #tpu.memory_space<semaphore_mem>>)
        %mul3A_141 = arith.constant 128 : i32
        %mul3A_142 = arith.muli %add3A_135, %mul3A_141 : i32
        %dma_start3A_143 = tpu.memref_slice %arg6[%mul3A_142] : memref<10240xi32, #tpu.memory_space<vmem>> -> memref<128xi32, #tpu.memory_space<vmem>>
        %dma_start3A_144 = arith.constant 0 : i32
        %dma_start3A_145 = arith.constant 0 : i32
        %dma_start3A_146 = tpu.memref_slice %arg2[%dma_start3A_144, %dma_start3A_145] : memref<20000x128xf32, #tpu.memory_space<hbm>> -> memref<20000x128xf32, #tpu.memory_space<hbm>>
        tpu.enqueue_indirect_dma source(%dma_start3A_146 : memref<20000x128xf32, #tpu.memory_space<hbm>>) target(%arg9 : memref<128x128xf32, #tpu.memory_space<vmem>>) offsets(%dma_start3A_143 : memref<128xi32, #tpu.memory_space<vmem>>) semaphore(%arg12 : memref<!tpu.dma_semaphore, #tpu.memory_space<semaphore_mem>>)
      } else {
      }
      %mul3A_115 = arith.constant 2 : i32
      %mul3A_116 = arith.muli %while3A_97, %mul3A_115 : i32
      %add3A_117 = arith.constant 1 : i32
      %add3A_118 = arith.addi %mul3A_116, %add3A_117 : i32
      %dma_wait3A_119 = arith.constant 0 : i32
      %dma_wait3A_120 = tpu.memref_slice %arg4[%dma_wait3A_119] : memref<160000xi32, #tpu.memory_space<hbm>> -> memref<128xi32, #tpu.memory_space<hbm>>
      %dma_wait3A_121 = arith.constant 0 : i32
      %dma_wait3A_122 = tpu.memref_slice %arg4[%dma_wait3A_121] : memref<160000xi32, #tpu.memory_space<hbm>> -> memref<128xi32, #tpu.memory_space<hbm>>
      tpu.wait_dma2 semaphore(%arg15 : memref<!tpu.dma_semaphore, #tpu.memory_space<semaphore_mem>>) src(%dma_wait3A_122 : memref<128xi32, #tpu.memory_space<hbm>>) dst(%arg8 : memref<128xi32, #tpu.memory_space<vmem>>)
      %dma_wait3A_123 = arith.constant 0 : i32
      %dma_wait3A_124 = tpu.memref_slice %arg6[%dma_wait3A_123] : memref<10240xi32, #tpu.memory_space<vmem>> -> memref<128xi32, #tpu.memory_space<vmem>>
      %dma_wait3A_125 = arith.constant 0 : i32
      %dma_wait3A_126 = arith.constant 0 : i32
      %dma_wait3A_127 = tpu.memref_slice %arg2[%dma_wait3A_125, %dma_wait3A_126] : memref<20000x128xf32, #tpu.memory_space<hbm>> -> memref<20000x128xf32, #tpu.memory_space<hbm>>
      tpu.wait_indirect_dma semaphore(%arg13 : memref<!tpu.dma_semaphore, #tpu.memory_space<semaphore_mem>>) src(%dma_wait3A_127 : memref<20000x128xf32, #tpu.memory_space<hbm>>) dst(%arg10 : memref<128x128xf32, #tpu.memory_space<vmem>>)
      "tpu.region"() ({
        %run_scoped3A = tpu.sem_alloc : memref<!tpu.dma_semaphore, #tpu.memory_space<semaphore_mem>>
        %dma_start3A_134 = arith.constant 0 : i32
        %dma_start3A_135 = arith.constant 0 : i32
        %dma_start3A_136 = tpu.memref_slice %arg11[%dma_start3A_134, %dma_start3A_135] : memref<10000x128xf32, #tpu.memory_space<vmem_shared>> -> memref<10000x128xf32, #tpu.memory_space<vmem_shared>>
        tpu.enqueue_indirect_dma source(%arg10 : memref<128x128xf32, #tpu.memory_space<vmem>>) target(%dma_start3A_136 : memref<10000x128xf32, #tpu.memory_space<vmem_shared>>) offsets(%arg8 : memref<128xi32, #tpu.memory_space<vmem>>) semaphore(%run_scoped3A : memref<!tpu.dma_semaphore, #tpu.memory_space<semaphore_mem>>) {add = true}
        %dma_wait3A_137 = arith.constant 0 : i32
        %dma_wait3A_138 = arith.constant 0 : i32
        %dma_wait3A_139 = tpu.memref_slice %arg11[%dma_wait3A_137, %dma_wait3A_138] : memref<10000x128xf32, #tpu.memory_space<vmem_shared>> -> memref<10000x128xf32, #tpu.memory_space<vmem_shared>>
        tpu.wait_indirect_dma semaphore(%run_scoped3A : memref<!tpu.dma_semaphore, #tpu.memory_space<semaphore_mem>>) src(%arg10 : memref<128x128xf32, #tpu.memory_space<vmem>>) dst(%dma_wait3A_139 : memref<10000x128xf32, #tpu.memory_space<vmem_shared>>)
        tpu.yield
      }) : () -> ()
      %add3A_128 = arith.constant 2 : i32
      %add3A_129 = arith.addi %add3A_118, %add3A_128 : i32
      %lt3A_130 = arith.cmpi slt, %add3A_129, %add3A_2 : i32
      %convert_element_type3A_131 = arith.extui %lt3A_130 : i1 to i32
      %cond3A_132 = arith.constant 0 : i32
      %cond3A_133 = arith.cmpi ne, %convert_element_type3A_131, %cond3A_132 : i32
      scf.if %cond3A_133 {
        %add3A_134 = arith.constant 2 : i32
        %add3A_135 = arith.addi %add3A_118, %add3A_134 : i32
        %mul3A_136 = arith.constant 128 : i32
        %mul3A_137 = arith.muli %add3A_135, %mul3A_136 : i32
        %add3A_138 = arith.addi %mul3A_3, %mul3A_137 : i32
        %dma_start3A_139 = tpu.memref_slice %arg4[%add3A_138] : memref<160000xi32, #tpu.memory_space<hbm>> -> memref<128xi32, #tpu.memory_space<hbm>>
        %dma_start3A_140 = tpu.memref_slice %arg4[%add3A_138] : memref<160000xi32, #tpu.memory_space<hbm>> -> memref<128xi32, #tpu.memory_space<hbm>>
        tpu.enqueue_dma source(%dma_start3A_140 : memref<128xi32, #tpu.memory_space<hbm>>) target(%arg8 : memref<128xi32, #tpu.memory_space<vmem>>) target_semaphore(%arg15 : memref<!tpu.dma_semaphore, #tpu.memory_space<semaphore_mem>>)
        %mul3A_141 = arith.constant 128 : i32
        %mul3A_142 = arith.muli %add3A_135, %mul3A_141 : i32
        %dma_start3A_143 = tpu.memref_slice %arg6[%mul3A_142] : memref<10240xi32, #tpu.memory_space<vmem>> -> memref<128xi32, #tpu.memory_space<vmem>>
        %dma_start3A_144 = arith.constant 0 : i32
        %dma_start3A_145 = arith.constant 0 : i32
        %dma_start3A_146 = tpu.memref_slice %arg2[%dma_start3A_144, %dma_start3A_145] : memref<20000x128xf32, #tpu.memory_space<hbm>> -> memref<20000x128xf32, #tpu.memory_space<hbm>>
        tpu.enqueue_indirect_dma source(%dma_start3A_146 : memref<20000x128xf32, #tpu.memory_space<hbm>>) target(%arg10 : memref<128x128xf32, #tpu.memory_space<vmem>>) offsets(%dma_start3A_143 : memref<128xi32, #tpu.memory_space<vmem>>) semaphore(%arg13 : memref<!tpu.dma_semaphore, #tpu.memory_space<semaphore_mem>>)
      } else {
      }
    }
    %while3A_83 = arith.constant 1 : i32
    scf.for %while3A_97 = %while3A_81 to %while3A_77 step %while3A_83  : i32 {
      %mul3A_98 = arith.constant 2 : i32
      %mul3A_99 = arith.muli %while3A_97, %mul3A_98 : i32
      %add3A_100 = arith.constant 0 : i32
      %add3A_101 = arith.addi %mul3A_99, %add3A_100 : i32
      %dma_wait3A = arith.constant 0 : i32
      %dma_wait3A_102 = tpu.memref_slice %arg4[%dma_wait3A] : memref<160000xi32, #tpu.memory_space<hbm>> -> memref<128xi32, #tpu.memory_space<hbm>>
      %dma_wait3A_103 = arith.constant 0 : i32
      %dma_wait3A_104 = tpu.memref_slice %arg4[%dma_wait3A_103] : memref<160000xi32, #tpu.memory_space<hbm>> -> memref<128xi32, #tpu.memory_space<hbm>>
      tpu.wait_dma2 semaphore(%arg14 : memref<!tpu.dma_semaphore, #tpu.memory_space<semaphore_mem>>) src(%dma_wait3A_104 : memref<128xi32, #tpu.memory_space<hbm>>) dst(%arg7 : memref<128xi32, #tpu.memory_space<vmem>>)
      %dma_wait3A_105 = arith.constant 0 : i32
      %dma_wait3A_106 = tpu.memref_slice %arg6[%dma_wait3A_105] : memref<10240xi32, #tpu.memory_space<vmem>> -> memref<128xi32, #tpu.memory_space<vmem>>
      %dma_wait3A_107 = arith.constant 0 : i32
      %dma_wait3A_108 = arith.constant 0 : i32
      %dma_wait3A_109 = tpu.memref_slice %arg2[%dma_wait3A_107, %dma_wait3A_108] : memref<20000x128xf32, #tpu.memory_space<hbm>> -> memref<20000x128xf32, #tpu.memory_space<hbm>>
      tpu.wait_indirect_dma semaphore(%arg12 : memref<!tpu.dma_semaphore, #tpu.memory_space<semaphore_mem>>) src(%dma_wait3A_109 : memref<20000x128xf32, #tpu.memory_space<hbm>>) dst(%arg9 : memref<128x128xf32, #tpu.memory_space<vmem>>)
      "tpu.region"() ({
        %run_scoped3A = tpu.sem_alloc : memref<!tpu.dma_semaphore, #tpu.memory_space<semaphore_mem>>
        %dma_start3A_134 = arith.constant 0 : i32
        %dma_start3A_135 = arith.constant 0 : i32
        %dma_start3A_136 = tpu.memref_slice %arg11[%dma_start3A_134, %dma_start3A_135] : memref<10000x128xf32, #tpu.memory_space<vmem_shared>> -> memref<10000x128xf32, #tpu.memory_space<vmem_shared>>
        tpu.enqueue_indirect_dma source(%arg9 : memref<128x128xf32, #tpu.memory_space<vmem>>) target(%dma_start3A_136 : memref<10000x128xf32, #tpu.memory_space<vmem_shared>>) offsets(%arg7 : memref<128xi32, #tpu.memory_space<vmem>>) semaphore(%run_scoped3A : memref<!tpu.dma_semaphore, #tpu.memory_space<semaphore_mem>>) {add = true}
        %dma_wait3A_137 = arith.constant 0 : i32
        %dma_wait3A_138 = arith.constant 0 : i32
        %dma_wait3A_139 = tpu.memref_slice %arg11[%dma_wait3A_137, %dma_wait3A_138] : memref<10000x128xf32, #tpu.memory_space<vmem_shared>> -> memref<10000x128xf32, #tpu.memory_space<vmem_shared>>
        tpu.wait_indirect_dma semaphore(%run_scoped3A : memref<!tpu.dma_semaphore, #tpu.memory_space<semaphore_mem>>) src(%arg9 : memref<128x128xf32, #tpu.memory_space<vmem>>) dst(%dma_wait3A_139 : memref<10000x128xf32, #tpu.memory_space<vmem_shared>>)
        tpu.yield
      }) : () -> ()
      %add3A_110 = arith.constant 2 : i32
      %add3A_111 = arith.addi %add3A_101, %add3A_110 : i32
      %lt3A = arith.cmpi slt, %add3A_111, %add3A_2 : i32
      %convert_element_type3A_112 = arith.extui %lt3A : i1 to i32
      %cond3A_113 = arith.constant 0 : i32
      %cond3A_114 = arith.cmpi ne, %convert_element_type3A_112, %cond3A_113 : i32
      scf.if %cond3A_114 {
        %add3A_134 = arith.constant 2 : i32
        %add3A_135 = arith.addi %add3A_101, %add3A_134 : i32
        %mul3A_136 = arith.constant 128 : i32
        %mul3A_137 = arith.muli %add3A_135, %mul3A_136 : i32
        %add3A_138 = arith.addi %mul3A_3, %mul3A_137 : i32
        %dma_start3A_139 = tpu.memref_slice %arg4[%add3A_138] : memref<160000xi32, #tpu.memory_space<hbm>> -> memref<128xi32, #tpu.memory_space<hbm>>
        %dma_start3A_140 = tpu.memref_slice %arg4[%add3A_138] : memref<160000xi32, #tpu.memory_space<hbm>> -> memref<128xi32, #tpu.memory_space<hbm>>
        tpu.enqueue_dma source(%dma_start3A_140 : memref<128xi32, #tpu.memory_space<hbm>>) target(%arg7 : memref<128xi32, #tpu.memory_space<vmem>>) target_semaphore(%arg14 : memref<!tpu.dma_semaphore, #tpu.memory_space<semaphore_mem>>)
        %mul3A_141 = arith.constant 128 : i32
        %mul3A_142 = arith.muli %add3A_135, %mul3A_141 : i32
        %dma_start3A_143 = tpu.memref_slice %arg6[%mul3A_142] : memref<10240xi32, #tpu.memory_space<vmem>> -> memref<128xi32, #tpu.memory_space<vmem>>
        %dma_start3A_144 = arith.constant 0 : i32
        %dma_start3A_145 = arith.constant 0 : i32
        %dma_start3A_146 = tpu.memref_slice %arg2[%dma_start3A_144, %dma_start3A_145] : memref<20000x128xf32, #tpu.memory_space<hbm>> -> memref<20000x128xf32, #tpu.memory_space<hbm>>
        tpu.enqueue_indirect_dma source(%dma_start3A_146 : memref<20000x128xf32, #tpu.memory_space<hbm>>) target(%arg9 : memref<128x128xf32, #tpu.memory_space<vmem>>) offsets(%dma_start3A_143 : memref<128xi32, #tpu.memory_space<vmem>>) semaphore(%arg12 : memref<!tpu.dma_semaphore, #tpu.memory_space<semaphore_mem>>)
      } else {
      }
      %mul3A_115 = arith.constant 2 : i32
      %mul3A_116 = arith.muli %while3A_97, %mul3A_115 : i32
      %add3A_117 = arith.constant 1 : i32
      %add3A_118 = arith.addi %mul3A_116, %add3A_117 : i32
      %dma_wait3A_119 = arith.constant 0 : i32
      %dma_wait3A_120 = tpu.memref_slice %arg4[%dma_wait3A_119] : memref<160000xi32, #tpu.memory_space<hbm>> -> memref<128xi32, #tpu.memory_space<hbm>>
      %dma_wait3A_121 = arith.constant 0 : i32
      %dma_wait3A_122 = tpu.memref_slice %arg4[%dma_wait3A_121] : memref<160000xi32, #tpu.memory_space<hbm>> -> memref<128xi32, #tpu.memory_space<hbm>>
      tpu.wait_dma2 semaphore(%arg15 : memref<!tpu.dma_semaphore, #tpu.memory_space<semaphore_mem>>) src(%dma_wait3A_122 : memref<128xi32, #tpu.memory_space<hbm>>) dst(%arg8 : memref<128xi32, #tpu.memory_space<vmem>>)
      %dma_wait3A_123 = arith.constant 0 : i32
      %dma_wait3A_124 = tpu.memref_slice %arg6[%dma_wait3A_123] : memref<10240xi32, #tpu.memory_space<vmem>> -> memref<128xi32, #tpu.memory_space<vmem>>
      %dma_wait3A_125 = arith.constant 0 : i32
      %dma_wait3A_126 = arith.constant 0 : i32
      %dma_wait3A_127 = tpu.memref_slice %arg2[%dma_wait3A_125, %dma_wait3A_126] : memref<20000x128xf32, #tpu.memory_space<hbm>> -> memref<20000x128xf32, #tpu.memory_space<hbm>>
      tpu.wait_indirect_dma semaphore(%arg13 : memref<!tpu.dma_semaphore, #tpu.memory_space<semaphore_mem>>) src(%dma_wait3A_127 : memref<20000x128xf32, #tpu.memory_space<hbm>>) dst(%arg10 : memref<128x128xf32, #tpu.memory_space<vmem>>)
      "tpu.region"() ({
        %run_scoped3A = tpu.sem_alloc : memref<!tpu.dma_semaphore, #tpu.memory_space<semaphore_mem>>
        %dma_start3A_134 = arith.constant 0 : i32
        %dma_start3A_135 = arith.constant 0 : i32
        %dma_start3A_136 = tpu.memref_slice %arg11[%dma_start3A_134, %dma_start3A_135] : memref<10000x128xf32, #tpu.memory_space<vmem_shared>> -> memref<10000x128xf32, #tpu.memory_space<vmem_shared>>
        tpu.enqueue_indirect_dma source(%arg10 : memref<128x128xf32, #tpu.memory_space<vmem>>) target(%dma_start3A_136 : memref<10000x128xf32, #tpu.memory_space<vmem_shared>>) offsets(%arg8 : memref<128xi32, #tpu.memory_space<vmem>>) semaphore(%run_scoped3A : memref<!tpu.dma_semaphore, #tpu.memory_space<semaphore_mem>>) {add = true}
        %dma_wait3A_137 = arith.constant 0 : i32
        %dma_wait3A_138 = arith.constant 0 : i32
        %dma_wait3A_139 = tpu.memref_slice %arg11[%dma_wait3A_137, %dma_wait3A_138] : memref<10000x128xf32, #tpu.memory_space<vmem_shared>> -> memref<10000x128xf32, #tpu.memory_space<vmem_shared>>
        tpu.wait_indirect_dma semaphore(%run_scoped3A : memref<!tpu.dma_semaphore, #tpu.memory_space<semaphore_mem>>) src(%arg10 : memref<128x128xf32, #tpu.memory_space<vmem>>) dst(%dma_wait3A_139 : memref<10000x128xf32, #tpu.memory_space<vmem_shared>>)
        tpu.yield
      }) : () -> ()
      %add3A_128 = arith.constant 2 : i32
      %add3A_129 = arith.addi %add3A_118, %add3A_128 : i32
      %lt3A_130 = arith.cmpi slt, %add3A_129, %add3A_2 : i32
      %convert_element_type3A_131 = arith.extui %lt3A_130 : i1 to i32
      %cond3A_132 = arith.constant 0 : i32
      %cond3A_133 = arith.cmpi ne, %convert_element_type3A_131, %cond3A_132 : i32
      scf.if %cond3A_133 {
        %add3A_134 = arith.constant 2 : i32
        %add3A_135 = arith.addi %add3A_118, %add3A_134 : i32
        %mul3A_136 = arith.constant 128 : i32
        %mul3A_137 = arith.muli %add3A_135, %mul3A_136 : i32
        %add3A_138 = arith.addi %mul3A_3, %mul3A_137 : i32
        %dma_start3A_139 = tpu.memref_slice %arg4[%add3A_138] : memref<160000xi32, #tpu.memory_space<hbm>> -> memref<128xi32, #tpu.memory_space<hbm>>
        %dma_start3A_140 = tpu.memref_slice %arg4[%add3A_138] : memref<160000xi32, #tpu.memory_space<hbm>> -> memref<128xi32, #tpu.memory_space<hbm>>
        tpu.enqueue_dma source(%dma_start3A_140 : memref<128xi32, #tpu.memory_space<hbm>>) target(%arg8 : memref<128xi32, #tpu.memory_space<vmem>>) target_semaphore(%arg15 : memref<!tpu.dma_semaphore, #tpu.memory_space<semaphore_mem>>)
        %mul3A_141 = arith.constant 128 : i32
        %mul3A_142 = arith.muli %add3A_135, %mul3A_141 : i32
        %dma_start3A_143 = tpu.memref_slice %arg6[%mul3A_142] : memref<10240xi32, #tpu.memory_space<vmem>> -> memref<128xi32, #tpu.memory_space<vmem>>
        %dma_start3A_144 = arith.constant 0 : i32
        %dma_start3A_145 = arith.constant 0 : i32
        %dma_start3A_146 = tpu.memref_slice %arg2[%dma_start3A_144, %dma_start3A_145] : memref<20000x128xf32, #tpu.memory_space<hbm>> -> memref<20000x128xf32, #tpu.memory_space<hbm>>
        tpu.enqueue_indirect_dma source(%dma_start3A_146 : memref<20000x128xf32, #tpu.memory_space<hbm>>) target(%arg10 : memref<128x128xf32, #tpu.memory_space<vmem>>) offsets(%dma_start3A_143 : memref<128xi32, #tpu.memory_space<vmem>>) semaphore(%arg13 : memref<!tpu.dma_semaphore, #tpu.memory_space<semaphore_mem>>)
      } else {
      }
    }
    %barrier3A_84 = arith.constant 0 : index
    tpu.barrier barrier_id(%barrier3A_84)
    %mul3A_85 = arith.constant 624 : i32
    %mul3A_86 = arith.muli %arg1, %mul3A_85 : i32
    %mul3A_87 = arith.constant 10000 : i32
    %mul3A_88 = arith.muli %arg0, %mul3A_87 : i32
    %mul3A_89 = arith.constant 624 : i32
    %mul3A_90 = arith.muli %arg1, %mul3A_89 : i32
    %add3A_91 = arith.addi %mul3A_88, %mul3A_90 : i32
    "tpu.region"() ({
      %run_scoped3A = tpu.sem_alloc : memref<!tpu.dma_semaphore, #tpu.memory_space<semaphore_mem>>
      %dma_start3A_97 = arith.constant 0 : i32
      %dma_start3A_98 = tpu.memref_slice %arg5[%add3A_91, %dma_start3A_97] : memref<20000x128xf32, #tpu.memory_space<hbm>> -> memref<624x128xf32, #tpu.memory_space<hbm>>
      %dma_start3A_99 = arith.constant 0 : i32
      %dma_start3A_100 = tpu.memref_slice %arg11[%mul3A_86, %dma_start3A_99] : memref<10000x128xf32, #tpu.memory_space<vmem_shared>> -> memref<624x128xf32, #tpu.memory_space<vmem_shared>>
      tpu.enqueue_dma source(%dma_start3A_100 : memref<624x128xf32, #tpu.memory_space<vmem_shared>>) target(%dma_start3A_98 : memref<624x128xf32, #tpu.memory_space<hbm>>) target_semaphore(%run_scoped3A : memref<!tpu.dma_semaphore, #tpu.memory_space<semaphore_mem>>)
      %dma_wait3A = arith.constant 0 : i32
      %dma_wait3A_101 = tpu.memref_slice %arg5[%add3A_91, %dma_wait3A] : memref<20000x128xf32, #tpu.memory_space<hbm>> -> memref<624x128xf32, #tpu.memory_space<hbm>>
      %dma_wait3A_102 = arith.constant 0 : i32
      %dma_wait3A_103 = tpu.memref_slice %arg11[%mul3A_86, %dma_wait3A_102] : memref<10000x128xf32, #tpu.memory_space<vmem_shared>> -> memref<624x128xf32, #tpu.memory_space<vmem_shared>>
      tpu.wait_dma2 semaphore(%run_scoped3A : memref<!tpu.dma_semaphore, #tpu.memory_space<semaphore_mem>>) src(%dma_wait3A_103 : memref<624x128xf32, #tpu.memory_space<vmem_shared>>) dst(%dma_wait3A_101 : memref<624x128xf32, #tpu.memory_space<hbm>>)
      tpu.yield
    }) : () -> ()
    %eq3A_92 = arith.constant 15 : i32
    %eq3A_93 = arith.cmpi eq, %arg1, %eq3A_92 : i32
    %convert_element_type3A_94 = arith.extui %eq3A_93 : i1 to i32
    %cond3A_95 = arith.constant 0 : i32
    %cond3A_96 = arith.cmpi ne, %convert_element_type3A_94, %cond3A_95 : i32
    scf.if %cond3A_96 {
      %mul3A_97 = arith.constant 10000 : i32
      %mul3A_98 = arith.muli %arg0, %mul3A_97 : i32
      %add3A_99 = arith.constant 9984 : i32
      %add3A_100 = arith.addi %mul3A_98, %add3A_99 : i32
      "tpu.region"() ({
        %run_scoped3A = tpu.sem_alloc : memref<!tpu.dma_semaphore, #tpu.memory_space<semaphore_mem>>
        %dma_start3A_101 = arith.constant 0 : i32
        %dma_start3A_102 = tpu.memref_slice %arg5[%add3A_100, %dma_start3A_101] : memref<20000x128xf32, #tpu.memory_space<hbm>> -> memref<16x128xf32, #tpu.memory_space<hbm>>
        %dma_start3A_103 = arith.constant 9984 : i32
        %dma_start3A_104 = arith.constant 0 : i32
        %dma_start3A_105 = tpu.memref_slice %arg11[%dma_start3A_103, %dma_start3A_104] : memref<10000x128xf32, #tpu.memory_space<vmem_shared>> -> memref<16x128xf32, #tpu.memory_space<vmem_shared>>
        tpu.enqueue_dma source(%dma_start3A_105 : memref<16x128xf32, #tpu.memory_space<vmem_shared>>) target(%dma_start3A_102 : memref<16x128xf32, #tpu.memory_space<hbm>>) target_semaphore(%run_scoped3A : memref<!tpu.dma_semaphore, #tpu.memory_space<semaphore_mem>>)
        %dma_wait3A = arith.constant 0 : i32
        %dma_wait3A_106 = tpu.memref_slice %arg5[%add3A_100, %dma_wait3A] : memref<20000x128xf32, #tpu.memory_space<hbm>> -> memref<16x128xf32, #tpu.memory_space<hbm>>
        %dma_wait3A_107 = arith.constant 9984 : i32
        %dma_wait3A_108 = arith.constant 0 : i32
        %dma_wait3A_109 = tpu.memref_slice %arg11[%dma_wait3A_107, %dma_wait3A_108] : memref<10000x128xf32, #tpu.memory_space<vmem_shared>> -> memref<16x128xf32, #tpu.memory_space<vmem_shared>>
        tpu.wait_dma2 semaphore(%run_scoped3A : memref<!tpu.dma_semaphore, #tpu.memory_space<semaphore_mem>>) src(%dma_wait3A_109 : memref<16x128xf32, #tpu.memory_space<vmem_shared>>) dst(%dma_wait3A_106 : memref<16x128xf32, #tpu.memory_space<hbm>>)
        tpu.yield
      }) : () -> ()
    } else {
    }
    return
  }
}

#map = affine_map<(d0, d1) -> (0, 0)>
#map1 = affine_map<(d0, d1) -> (0)>
module attributes {stable_mosaic.version = 14 : i64} {
  func.func @_agg_body(%arg0: i32, %arg1: i32, %arg2: memref<20000x128xf32, #tpu.memory_space<hbm>>, %arg3: memref<160000xi32, #tpu.memory_space<hbm>>, %arg4: memref<160000xi32, #tpu.memory_space<hbm>>, %arg5: memref<20000x128xf32, #tpu.memory_space<hbm>>, %arg6: memref<10240xi32, #tpu.memory_space<vmem>>, %arg7: memref<128xi32, #tpu.memory_space<vmem>>, %arg8: memref<128xi32, #tpu.memory_space<vmem>>, %arg9: memref<128x128xf32, #tpu.memory_space<vmem>>, %arg10: memref<128x128xf32, #tpu.memory_space<vmem>>, %arg11: memref<10000x128xf32, #tpu.memory_space<vmem_shared>>, %arg12: memref<!tpu.dma_semaphore, #tpu.memory_space<semaphore_mem>>, %arg13: memref<!tpu.dma_semaphore, #tpu.memory_space<semaphore_mem>>, %arg14: memref<!tpu.dma_semaphore, #tpu.memory_space<semaphore_mem>>, %arg15: memref<!tpu.dma_semaphore, #tpu.memory_space<semaphore_mem>>) attributes {dimension_semantics = [#tpu.dimension_semantics<core_parallel>, #tpu.dimension_semantics<subcore_parallel>], iteration_bounds = array<i64: 2, 16>, scalar_prefetch = 0 : i64, scratch_operands = 10 : i64, tpu.core_type = #tpu.core_type<sc_vector_subcore>, window_params = [{transform_indices = #map}, {transform_indices = #map1}, {transform_indices = #map1}, {transform_indices = #map}]} {
    %eq3A = arith.constant 15 : i32
    %eq3A_0 = arith.cmpi eq, %arg1, %eq3A : i32
    %jit3A = arith.constant 2 : i32
    %jit3A_1 = arith.constant 0 : i32
    %select_n3A = arith.select %eq3A_0, %jit3A, %jit3A_1 : i32
    %add3A = arith.constant 78 : i32
    %add3A_2 = arith.addi %add3A, %select_n3A : i32
    %mul3A = arith.constant 9984 : i32
    %mul3A_3 = arith.muli %arg1, %mul3A : i32
    "tpu.region"() ({
      %run_scoped3A = tpu.sem_alloc : memref<!tpu.dma_semaphore, #tpu.memory_space<semaphore_mem>>
      %dma_start3A_97 = tpu.memref_slice %arg3[%mul3A_3] : memref<160000xi32, #tpu.memory_space<hbm>> -> memref<10240xi32, #tpu.memory_space<hbm>>
      %dma_start3A_98 = tpu.memref_slice %arg3[%mul3A_3] : memref<160000xi32, #tpu.memory_space<hbm>> -> memref<10240xi32, #tpu.memory_space<hbm>>
      tpu.enqueue_dma source(%dma_start3A_98 : memref<10240xi32, #tpu.memory_space<hbm>>) target(%arg6 : memref<10240xi32, #tpu.memory_space<vmem>>) target_semaphore(%run_scoped3A : memref<!tpu.dma_semaphore, #tpu.memory_space<semaphore_mem>>)
      %dma_wait3A = tpu.memref_slice %arg3[%mul3A_3] : memref<160000xi32, #tpu.memory_space<hbm>> -> memref<10240xi32, #tpu.memory_space<hbm>>
      %dma_wait3A_99 = tpu.memref_slice %arg3[%mul3A_3] : memref<160000xi32, #tpu.memory_space<hbm>> -> memref<10240xi32, #tpu.memory_space<hbm>>
      tpu.wait_dma2 semaphore(%run_scoped3A : memref<!tpu.dma_semaphore, #tpu.memory_space<semaphore_mem>>) src(%dma_wait3A_99 : memref<10240xi32, #tpu.memory_space<hbm>>) dst(%arg6 : memref<10240xi32, #tpu.memory_space<vmem>>)
      tpu.yield
    }) : () -> ()
    %mul3A_4 = arith.constant 10000 : i32
    %mul3A_5 = arith.muli %arg0, %mul3A_4 : i32
    %scan3A = arith.constant 0 : i32
    %scan3A_6 = arith.constant 0 : i32
    %scan3A_7 = arith.constant 640 : i32
    %scan3A_8 = arith.addi %scan3A_6, %scan3A_7 : i32
    %scan3A_9 = arith.constant 1 : i32
    scf.for %scan3A_97 = %scan3A_6 to %scan3A_8 step %scan3A_9  : i32 {
      %mul3A_98 = arith.constant 16 : i32
      %mul3A_99 = arith.muli %scan3A_97, %mul3A_98 : i32
      %get3A = arith.index_cast %mul3A_99 : i32 to index
      %get3A_100 = tpu.vector_load %arg6[%get3A] {strides = array<i32>} : memref<10240xi32, #tpu.memory_space<vmem>>, vector<16xi32>,
      %get3A_101 = vector.shape_cast %get3A_100 : vector<16xi32> to vector<16xi32>
      %add3A_102 = vector.broadcast %mul3A_5 : i32 to vector<16xi32>
      %add3A_103 = arith.addi %get3A_101, %add3A_102 : vector<16xi32>
      %mul3A_104 = arith.constant 16 : i32
      %mul3A_105 = arith.muli %scan3A_97, %mul3A_104 : i32
      %swap3A = arith.index_cast %mul3A_105 : i32 to index
      %swap3A_106 = tpu.vector_load %arg6[%swap3A] {strides = array<i32>} : memref<10240xi32, #tpu.memory_space<vmem>>, vector<16xi32>,
      %swap3A_107 = vector.shape_cast %swap3A_106 : vector<16xi32> to vector<16xi32>
      %swap3A_108 = vector.shape_cast %add3A_103 : vector<16xi32> to vector<16xi32>
      tpu.vector_store %arg6[%swap3A], %swap3A_108 {strides = array<i32>} : memref<10240xi32, #tpu.memory_space<vmem>>, vector<16xi32>,
    }
    %scan3A_10 = arith.constant 640 : i32
    %scan3A_11 = arith.constant 0 : i32
    %scan3A_12 = arith.constant 0 : i32
    %scan3A_13 = arith.constant 128 : i32
    %scan3A_14 = arith.addi %scan3A_12, %scan3A_13 : i32
    %scan3A_15 = arith.constant 1 : i32
    scf.for %scan3A_97 = %scan3A_12 to %scan3A_14 step %scan3A_15  : i32 {
      %broadcast_in_dim3A = arith.constant 0.000000e+00 : f32
      %broadcast_in_dim3A_98 = vector.broadcast %broadcast_in_dim3A : f32 to vector<16xf32>
      %swap3A = arith.index_cast %scan3A_97 : i32 to index
      %swap3A_99 = arith.constant 0 : index
      %swap3A_100 = tpu.vector_load %arg9[%swap3A, %swap3A_99] {strides = array<i32>} : memref<128x128xf32, #tpu.memory_space<vmem>>, vector<1x16xf32>,
      %swap3A_101 = vector.shape_cast %swap3A_100 : vector<1x16xf32> to vector<16xf32>
      %swap3A_102 = vector.shape_cast %broadcast_in_dim3A_98 : vector<16xf32> to vector<1x16xf32>
      tpu.vector_store %arg9[%swap3A, %swap3A_99], %swap3A_102 {strides = array<i32>} : memref<128x128xf32, #tpu.memory_space<vmem>>, vector<1x16xf32>,
      %broadcast_in_dim3A_103 = arith.constant 0.000000e+00 : f32
      %broadcast_in_dim3A_104 = vector.broadcast %broadcast_in_dim3A_103 : f32 to vector<16xf32>
      %swap3A_105 = arith.index_cast %scan3A_97 : i32 to index
      %swap3A_106 = arith.constant 16 : index
      %swap3A_107 = tpu.vector_load %arg9[%swap3A_105, %swap3A_106] {strides = array<i32>} : memref<128x128xf32, #tpu.memory_space<vmem>>, vector<1x16xf32>,
      %swap3A_108 = vector.shape_cast %swap3A_107 : vector<1x16xf32> to vector<16xf32>
      %swap3A_109 = vector.shape_cast %broadcast_in_dim3A_104 : vector<16xf32> to vector<1x16xf32>
      tpu.vector_store %arg9[%swap3A_105, %swap3A_106], %swap3A_109 {strides = array<i32>} : memref<128x128xf32, #tpu.memory_space<vmem>>, vector<1x16xf32>,
      %broadcast_in_dim3A_110 = arith.constant 0.000000e+00 : f32
      %broadcast_in_dim3A_111 = vector.broadcast %broadcast_in_dim3A_110 : f32 to vector<16xf32>
      %swap3A_112 = arith.index_cast %scan3A_97 : i32 to index
      %swap3A_113 = arith.constant 32 : index
      %swap3A_114 = tpu.vector_load %arg9[%swap3A_112, %swap3A_113] {strides = array<i32>} : memref<128x128xf32, #tpu.memory_space<vmem>>, vector<1x16xf32>,
      %swap3A_115 = vector.shape_cast %swap3A_114 : vector<1x16xf32> to vector<16xf32>
      %swap3A_116 = vector.shape_cast %broadcast_in_dim3A_111 : vector<16xf32> to vector<1x16xf32>
      tpu.vector_store %arg9[%swap3A_112, %swap3A_113], %swap3A_116 {strides = array<i32>} : memref<128x128xf32, #tpu.memory_space<vmem>>, vector<1x16xf32>,
      %broadcast_in_dim3A_117 = arith.constant 0.000000e+00 : f32
      %broadcast_in_dim3A_118 = vector.broadcast %broadcast_in_dim3A_117 : f32 to vector<16xf32>
      %swap3A_119 = arith.index_cast %scan3A_97 : i32 to index
      %swap3A_120 = arith.constant 48 : index
      %swap3A_121 = tpu.vector_load %arg9[%swap3A_119, %swap3A_120] {strides = array<i32>} : memref<128x128xf32, #tpu.memory_space<vmem>>, vector<1x16xf32>,
      %swap3A_122 = vector.shape_cast %swap3A_121 : vector<1x16xf32> to vector<16xf32>
      %swap3A_123 = vector.shape_cast %broadcast_in_dim3A_118 : vector<16xf32> to vector<1x16xf32>
      tpu.vector_store %arg9[%swap3A_119, %swap3A_120], %swap3A_123 {strides = array<i32>} : memref<128x128xf32, #tpu.memory_space<vmem>>, vector<1x16xf32>,
      %broadcast_in_dim3A_124 = arith.constant 0.000000e+00 : f32
      %broadcast_in_dim3A_125 = vector.broadcast %broadcast_in_dim3A_124 : f32 to vector<16xf32>
      %swap3A_126 = arith.index_cast %scan3A_97 : i32 to index
      %swap3A_127 = arith.constant 64 : index
      %swap3A_128 = tpu.vector_load %arg9[%swap3A_126, %swap3A_127] {strides = array<i32>} : memref<128x128xf32, #tpu.memory_space<vmem>>, vector<1x16xf32>,
      %swap3A_129 = vector.shape_cast %swap3A_128 : vector<1x16xf32> to vector<16xf32>
      %swap3A_130 = vector.shape_cast %broadcast_in_dim3A_125 : vector<16xf32> to vector<1x16xf32>
      tpu.vector_store %arg9[%swap3A_126, %swap3A_127], %swap3A_130 {strides = array<i32>} : memref<128x128xf32, #tpu.memory_space<vmem>>, vector<1x16xf32>,
      %broadcast_in_dim3A_131 = arith.constant 0.000000e+00 : f32
      %broadcast_in_dim3A_132 = vector.broadcast %broadcast_in_dim3A_131 : f32 to vector<16xf32>
      %swap3A_133 = arith.index_cast %scan3A_97 : i32 to index
      %swap3A_134 = arith.constant 80 : index
      %swap3A_135 = tpu.vector_load %arg9[%swap3A_133, %swap3A_134] {strides = array<i32>} : memref<128x128xf32, #tpu.memory_space<vmem>>, vector<1x16xf32>,
      %swap3A_136 = vector.shape_cast %swap3A_135 : vector<1x16xf32> to vector<16xf32>
      %swap3A_137 = vector.shape_cast %broadcast_in_dim3A_132 : vector<16xf32> to vector<1x16xf32>
      tpu.vector_store %arg9[%swap3A_133, %swap3A_134], %swap3A_137 {strides = array<i32>} : memref<128x128xf32, #tpu.memory_space<vmem>>, vector<1x16xf32>,
      %broadcast_in_dim3A_138 = arith.constant 0.000000e+00 : f32
      %broadcast_in_dim3A_139 = vector.broadcast %broadcast_in_dim3A_138 : f32 to vector<16xf32>
      %swap3A_140 = arith.index_cast %scan3A_97 : i32 to index
      %swap3A_141 = arith.constant 96 : index
      %swap3A_142 = tpu.vector_load %arg9[%swap3A_140, %swap3A_141] {strides = array<i32>} : memref<128x128xf32, #tpu.memory_space<vmem>>, vector<1x16xf32>,
      %swap3A_143 = vector.shape_cast %swap3A_142 : vector<1x16xf32> to vector<16xf32>
      %swap3A_144 = vector.shape_cast %broadcast_in_dim3A_139 : vector<16xf32> to vector<1x16xf32>
      tpu.vector_store %arg9[%swap3A_140, %swap3A_141], %swap3A_144 {strides = array<i32>} : memref<128x128xf32, #tpu.memory_space<vmem>>, vector<1x16xf32>,
      %broadcast_in_dim3A_145 = arith.constant 0.000000e+00 : f32
      %broadcast_in_dim3A_146 = vector.broadcast %broadcast_in_dim3A_145 : f32 to vector<16xf32>
      %swap3A_147 = arith.index_cast %scan3A_97 : i32 to index
      %swap3A_148 = arith.constant 112 : index
      %swap3A_149 = tpu.vector_load %arg9[%swap3A_147, %swap3A_148] {strides = array<i32>} : memref<128x128xf32, #tpu.memory_space<vmem>>, vector<1x16xf32>,
      %swap3A_150 = vector.shape_cast %swap3A_149 : vector<1x16xf32> to vector<16xf32>
      %swap3A_151 = vector.shape_cast %broadcast_in_dim3A_146 : vector<16xf32> to vector<1x16xf32>
      tpu.vector_store %arg9[%swap3A_147, %swap3A_148], %swap3A_151 {strides = array<i32>} : memref<128x128xf32, #tpu.memory_space<vmem>>, vector<1x16xf32>,
    }
    %scan3A_16 = arith.constant 128 : i32
    %mul3A_17 = arith.constant 624 : i32
    %mul3A_18 = arith.muli %arg1, %mul3A_17 : i32
    %add3A_19 = arith.constant 0 : i32
    %add3A_20 = arith.addi %mul3A_18, %add3A_19 : i32
    "tpu.region"() ({
      %run_scoped3A = tpu.sem_alloc : memref<!tpu.dma_semaphore, #tpu.memory_space<semaphore_mem>>
      %dma_start3A_97 = arith.constant 0 : i32
      %dma_start3A_98 = tpu.memref_slice %arg11[%add3A_20, %dma_start3A_97] : memref<10000x128xf32, #tpu.memory_space<vmem_shared>> -> memref<128x128xf32, #tpu.memory_space<vmem_shared>>
      %dma_start3A_99 = arith.constant 0 : i32
      %dma_start3A_100 = tpu.memref_slice %arg11[%add3A_20, %dma_start3A_99] : memref<10000x128xf32, #tpu.memory_space<vmem_shared>> -> memref<128x128xf32, #tpu.memory_space<vmem_shared>>
      tpu.enqueue_dma source(%arg9 : memref<128x128xf32, #tpu.memory_space<vmem>>) target(%dma_start3A_100 : memref<128x128xf32, #tpu.memory_space<vmem_shared>>) target_semaphore(%run_scoped3A : memref<!tpu.dma_semaphore, #tpu.memory_space<semaphore_mem>>)
      %dma_wait3A = arith.constant 0 : i32
      %dma_wait3A_101 = tpu.memref_slice %arg11[%add3A_20, %dma_wait3A] : memref<10000x128xf32, #tpu.memory_space<vmem_shared>> -> memref<128x128xf32, #tpu.memory_space<vmem_shared>>
      %dma_wait3A_102 = arith.constant 0 : i32
      %dma_wait3A_103 = tpu.memref_slice %arg11[%add3A_20, %dma_wait3A_102] : memref<10000x128xf32, #tpu.memory_space<vmem_shared>> -> memref<128x128xf32, #tpu.memory_space<vmem_shared>>
      tpu.wait_dma2 semaphore(%run_scoped3A : memref<!tpu.dma_semaphore, #tpu.memory_space<semaphore_mem>>) src(%arg9 : memref<128x128xf32, #tpu.memory_space<vmem>>) dst(%dma_wait3A_103 : memref<128x128xf32, #tpu.memory_space<vmem_shared>>)
      tpu.yield
    }) : () -> ()
    %mul3A_21 = arith.constant 624 : i32
    %mul3A_22 = arith.muli %arg1, %mul3A_21 : i32
    %add3A_23 = arith.constant 128 : i32
    %add3A_24 = arith.addi %mul3A_22, %add3A_23 : i32
    "tpu.region"() ({
      %run_scoped3A = tpu.sem_alloc : memref<!tpu.dma_semaphore, #tpu.memory_space<semaphore_mem>>
      %dma_start3A_97 = arith.constant 0 : i32
      %dma_start3A_98 = tpu.memref_slice %arg11[%add3A_24, %dma_start3A_97] : memref<10000x128xf32, #tpu.memory_space<vmem_shared>> -> memref<128x128xf32, #tpu.memory_space<vmem_shared>>
      %dma_start3A_99 = arith.constant 0 : i32
      %dma_start3A_100 = tpu.memref_slice %arg11[%add3A_24, %dma_start3A_99] : memref<10000x128xf32, #tpu.memory_space<vmem_shared>> -> memref<128x128xf32, #tpu.memory_space<vmem_shared>>
      tpu.enqueue_dma source(%arg9 : memref<128x128xf32, #tpu.memory_space<vmem>>) target(%dma_start3A_100 : memref<128x128xf32, #tpu.memory_space<vmem_shared>>) target_semaphore(%run_scoped3A : memref<!tpu.dma_semaphore, #tpu.memory_space<semaphore_mem>>)
      %dma_wait3A = arith.constant 0 : i32
      %dma_wait3A_101 = tpu.memref_slice %arg11[%add3A_24, %dma_wait3A] : memref<10000x128xf32, #tpu.memory_space<vmem_shared>> -> memref<128x128xf32, #tpu.memory_space<vmem_shared>>
      %dma_wait3A_102 = arith.constant 0 : i32
      %dma_wait3A_103 = tpu.memref_slice %arg11[%add3A_24, %dma_wait3A_102] : memref<10000x128xf32, #tpu.memory_space<vmem_shared>> -> memref<128x128xf32, #tpu.memory_space<vmem_shared>>
      tpu.wait_dma2 semaphore(%run_scoped3A : memref<!tpu.dma_semaphore, #tpu.memory_space<semaphore_mem>>) src(%arg9 : memref<128x128xf32, #tpu.memory_space<vmem>>) dst(%dma_wait3A_103 : memref<128x128xf32, #tpu.memory_space<vmem_shared>>)
      tpu.yield
    }) : () -> ()
    %mul3A_25 = arith.constant 624 : i32
    %mul3A_26 = arith.muli %arg1, %mul3A_25 : i32
    %add3A_27 = arith.constant 256 : i32
    %add3A_28 = arith.addi %mul3A_26, %add3A_27 : i32
    "tpu.region"() ({
      %run_scoped3A = tpu.sem_alloc : memref<!tpu.dma_semaphore, #tpu.memory_space<semaphore_mem>>
      %dma_start3A_97 = arith.constant 0 : i32
      %dma_start3A_98 = tpu.memref_slice %arg11[%add3A_28, %dma_start3A_97] : memref<10000x128xf32, #tpu.memory_space<vmem_shared>> -> memref<128x128xf32, #tpu.memory_space<vmem_shared>>
      %dma_start3A_99 = arith.constant 0 : i32
      %dma_start3A_100 = tpu.memref_slice %arg11[%add3A_28, %dma_start3A_99] : memref<10000x128xf32, #tpu.memory_space<vmem_shared>> -> memref<128x128xf32, #tpu.memory_space<vmem_shared>>
      tpu.enqueue_dma source(%arg9 : memref<128x128xf32, #tpu.memory_space<vmem>>) target(%dma_start3A_100 : memref<128x128xf32, #tpu.memory_space<vmem_shared>>) target_semaphore(%run_scoped3A : memref<!tpu.dma_semaphore, #tpu.memory_space<semaphore_mem>>)
      %dma_wait3A = arith.constant 0 : i32
      %dma_wait3A_101 = tpu.memref_slice %arg11[%add3A_28, %dma_wait3A] : memref<10000x128xf32, #tpu.memory_space<vmem_shared>> -> memref<128x128xf32, #tpu.memory_space<vmem_shared>>
      %dma_wait3A_102 = arith.constant 0 : i32
      %dma_wait3A_103 = tpu.memref_slice %arg11[%add3A_28, %dma_wait3A_102] : memref<10000x128xf32, #tpu.memory_space<vmem_shared>> -> memref<128x128xf32, #tpu.memory_space<vmem_shared>>
      tpu.wait_dma2 semaphore(%run_scoped3A : memref<!tpu.dma_semaphore, #tpu.memory_space<semaphore_mem>>) src(%arg9 : memref<128x128xf32, #tpu.memory_space<vmem>>) dst(%dma_wait3A_103 : memref<128x128xf32, #tpu.memory_space<vmem_shared>>)
      tpu.yield
    }) : () -> ()
    %mul3A_29 = arith.constant 624 : i32
    %mul3A_30 = arith.muli %arg1, %mul3A_29 : i32
    %add3A_31 = arith.constant 384 : i32
    %add3A_32 = arith.addi %mul3A_30, %add3A_31 : i32
    "tpu.region"() ({
      %run_scoped3A = tpu.sem_alloc : memref<!tpu.dma_semaphore, #tpu.memory_space<semaphore_mem>>
      %dma_start3A_97 = arith.constant 0 : i32
      %dma_start3A_98 = tpu.memref_slice %arg11[%add3A_32, %dma_start3A_97] : memref<10000x128xf32, #tpu.memory_space<vmem_shared>> -> memref<128x128xf32, #tpu.memory_space<vmem_shared>>
      %dma_start3A_99 = arith.constant 0 : i32
      %dma_start3A_100 = tpu.memref_slice %arg11[%add3A_32, %dma_start3A_99] : memref<10000x128xf32, #tpu.memory_space<vmem_shared>> -> memref<128x128xf32, #tpu.memory_space<vmem_shared>>
      tpu.enqueue_dma source(%arg9 : memref<128x128xf32, #tpu.memory_space<vmem>>) target(%dma_start3A_100 : memref<128x128xf32, #tpu.memory_space<vmem_shared>>) target_semaphore(%run_scoped3A : memref<!tpu.dma_semaphore, #tpu.memory_space<semaphore_mem>>)
      %dma_wait3A = arith.constant 0 : i32
      %dma_wait3A_101 = tpu.memref_slice %arg11[%add3A_32, %dma_wait3A] : memref<10000x128xf32, #tpu.memory_space<vmem_shared>> -> memref<128x128xf32, #tpu.memory_space<vmem_shared>>
      %dma_wait3A_102 = arith.constant 0 : i32
      %dma_wait3A_103 = tpu.memref_slice %arg11[%add3A_32, %dma_wait3A_102] : memref<10000x128xf32, #tpu.memory_space<vmem_shared>> -> memref<128x128xf32, #tpu.memory_space<vmem_shared>>
      tpu.wait_dma2 semaphore(%run_scoped3A : memref<!tpu.dma_semaphore, #tpu.memory_space<semaphore_mem>>) src(%arg9 : memref<128x128xf32, #tpu.memory_space<vmem>>) dst(%dma_wait3A_103 : memref<128x128xf32, #tpu.memory_space<vmem_shared>>)
      tpu.yield
    }) : () -> ()
    %mul3A_33 = arith.constant 624 : i32
    %mul3A_34 = arith.muli %arg1, %mul3A_33 : i32
    %add3A_35 = arith.constant 512 : i32
    %add3A_36 = arith.addi %mul3A_34, %add3A_35 : i32
    "tpu.region"() ({
      %run_scoped3A = tpu.sem_alloc : memref<!tpu.dma_semaphore, #tpu.memory_space<semaphore_mem>>
      %dma_start3A_97 = arith.constant 0 : i32
      %dma_start3A_98 = arith.constant 0 : i32
      %dma_start3A_99 = tpu.memref_slice %arg9[%dma_start3A_97, %dma_start3A_98] : memref<128x128xf32, #tpu.memory_space<vmem>> -> memref<112x128xf32, #tpu.memory_space<vmem>>
      %dma_start3A_100 = arith.constant 0 : i32
      %dma_start3A_101 = tpu.memref_slice %arg11[%add3A_36, %dma_start3A_100] : memref<10000x128xf32, #tpu.memory_space<vmem_shared>> -> memref<112x128xf32, #tpu.memory_space<vmem_shared>>
      %dma_start3A_102 = arith.constant 0 : i32
      %dma_start3A_103 = tpu.memref_slice %arg11[%add3A_36, %dma_start3A_102] : memref<10000x128xf32, #tpu.memory_space<vmem_shared>> -> memref<112x128xf32, #tpu.memory_space<vmem_shared>>
      %dma_start3A_104 = arith.constant 0 : i32
      %dma_start3A_105 = arith.constant 0 : i32
      %dma_start3A_106 = tpu.memref_slice %arg9[%dma_start3A_104, %dma_start3A_105] : memref<128x128xf32, #tpu.memory_space<vmem>> -> memref<112x128xf32, #tpu.memory_space<vmem>>
      tpu.enqueue_dma source(%dma_start3A_106 : memref<112x128xf32, #tpu.memory_space<vmem>>) target(%dma_start3A_103 : memref<112x128xf32, #tpu.memory_space<vmem_shared>>) target_semaphore(%run_scoped3A : memref<!tpu.dma_semaphore, #tpu.memory_space<semaphore_mem>>)
      %dma_wait3A = arith.constant 0 : i32
      %dma_wait3A_107 = arith.constant 0 : i32
      %dma_wait3A_108 = tpu.memref_slice %arg9[%dma_wait3A, %dma_wait3A_107] : memref<128x128xf32, #tpu.memory_space<vmem>> -> memref<112x128xf32, #tpu.memory_space<vmem>>
      %dma_wait3A_109 = arith.constant 0 : i32
      %dma_wait3A_110 = tpu.memref_slice %arg11[%add3A_36, %dma_wait3A_109] : memref<10000x128xf32, #tpu.memory_space<vmem_shared>> -> memref<112x128xf32, #tpu.memory_space<vmem_shared>>
      %dma_wait3A_111 = arith.constant 0 : i32
      %dma_wait3A_112 = tpu.memref_slice %arg11[%add3A_36, %dma_wait3A_111] : memref<10000x128xf32, #tpu.memory_space<vmem_shared>> -> memref<112x128xf32, #tpu.memory_space<vmem_shared>>
      %dma_wait3A_113 = arith.constant 0 : i32
      %dma_wait3A_114 = arith.constant 0 : i32
      %dma_wait3A_115 = tpu.memref_slice %arg9[%dma_wait3A_113, %dma_wait3A_114] : memref<128x128xf32, #tpu.memory_space<vmem>> -> memref<112x128xf32, #tpu.memory_space<vmem>>
      tpu.wait_dma2 semaphore(%run_scoped3A : memref<!tpu.dma_semaphore, #tpu.memory_space<semaphore_mem>>) src(%dma_wait3A_115 : memref<112x128xf32, #tpu.memory_space<vmem>>) dst(%dma_wait3A_112 : memref<112x128xf32, #tpu.memory_space<vmem_shared>>)
      tpu.yield
    }) : () -> ()
    %eq3A_37 = arith.constant 15 : i32
    %eq3A_38 = arith.cmpi eq, %arg1, %eq3A_37 : i32
    %convert_element_type3A = arith.extui %eq3A_38 : i1 to i32
    %cond3A = arith.constant 0 : i32
    %cond3A_39 = arith.cmpi ne, %convert_element_type3A, %cond3A : i32
    scf.if %cond3A_39 {
      "tpu.region"() ({
        %run_scoped3A = tpu.sem_alloc : memref<!tpu.dma_semaphore, #tpu.memory_space<semaphore_mem>>
        %dma_start3A_97 = arith.constant 0 : i32
        %dma_start3A_98 = arith.constant 0 : i32
        %dma_start3A_99 = tpu.memref_slice %arg9[%dma_start3A_97, %dma_start3A_98] : memref<128x128xf32, #tpu.memory_space<vmem>> -> memref<16x128xf32, #tpu.memory_space<vmem>>
        %dma_start3A_100 = arith.constant 9984 : i32
        %dma_start3A_101 = arith.constant 0 : i32
        %dma_start3A_102 = tpu.memref_slice %arg11[%dma_start3A_100, %dma_start3A_101] : memref<10000x128xf32, #tpu.memory_space<vmem_shared>> -> memref<16x128xf32, #tpu.memory_space<vmem_shared>>
        %dma_start3A_103 = arith.constant 9984 : i32
        %dma_start3A_104 = arith.constant 0 : i32
        %dma_start3A_105 = tpu.memref_slice %arg11[%dma_start3A_103, %dma_start3A_104] : memref<10000x128xf32, #tpu.memory_space<vmem_shared>> -> memref<16x128xf32, #tpu.memory_space<vmem_shared>>
        %dma_start3A_106 = arith.constant 0 : i32
        %dma_start3A_107 = arith.constant 0 : i32
        %dma_start3A_108 = tpu.memref_slice %arg9[%dma_start3A_106, %dma_start3A_107] : memref<128x128xf32, #tpu.memory_space<vmem>> -> memref<16x128xf32, #tpu.memory_space<vmem>>
        tpu.enqueue_dma source(%dma_start3A_108 : memref<16x128xf32, #tpu.memory_space<vmem>>) target(%dma_start3A_105 : memref<16x128xf32, #tpu.memory_space<vmem_shared>>) target_semaphore(%run_scoped3A : memref<!tpu.dma_semaphore, #tpu.memory_space<semaphore_mem>>)
        %dma_wait3A = arith.constant 0 : i32
        %dma_wait3A_109 = arith.constant 0 : i32
        %dma_wait3A_110 = tpu.memref_slice %arg9[%dma_wait3A, %dma_wait3A_109] : memref<128x128xf32, #tpu.memory_space<vmem>> -> memref<16x128xf32, #tpu.memory_space<vmem>>
        %dma_wait3A_111 = arith.constant 9984 : i32
        %dma_wait3A_112 = arith.constant 0 : i32
        %dma_wait3A_113 = tpu.memref_slice %arg11[%dma_wait3A_111, %dma_wait3A_112] : memref<10000x128xf32, #tpu.memory_space<vmem_shared>> -> memref<16x128xf32, #tpu.memory_space<vmem_shared>>
        %dma_wait3A_114 = arith.constant 9984 : i32
        %dma_wait3A_115 = arith.constant 0 : i32
        %dma_wait3A_116 = tpu.memref_slice %arg11[%dma_wait3A_114, %dma_wait3A_115] : memref<10000x128xf32, #tpu.memory_space<vmem_shared>> -> memref<16x128xf32, #tpu.memory_space<vmem_shared>>
        %dma_wait3A_117 = arith.constant 0 : i32
        %dma_wait3A_118 = arith.constant 0 : i32
        %dma_wait3A_119 = tpu.memref_slice %arg9[%dma_wait3A_117, %dma_wait3A_118] : memref<128x128xf32, #tpu.memory_space<vmem>> -> memref<16x128xf32, #tpu.memory_space<vmem>>
        tpu.wait_dma2 semaphore(%run_scoped3A : memref<!tpu.dma_semaphore, #tpu.memory_space<semaphore_mem>>) src(%dma_wait3A_119 : memref<16x128xf32, #tpu.memory_space<vmem>>) dst(%dma_wait3A_116 : memref<16x128xf32, #tpu.memory_space<vmem_shared>>)
        tpu.yield
      }) : () -> ()
    } else {
    }
    %barrier3A = arith.constant 0 : index
    tpu.barrier barrier_id(%barrier3A)
    %add3A_40 = arith.constant 0 : i32
    %add3A_41 = arith.addi %mul3A_3, %add3A_40 : i32
    %dma_start3A = tpu.memref_slice %arg4[%add3A_41] : memref<160000xi32, #tpu.memory_space<hbm>> -> memref<128xi32, #tpu.memory_space<hbm>>
    %dma_start3A_42 = tpu.memref_slice %arg4[%add3A_41] : memref<160000xi32, #tpu.memory_space<hbm>> -> memref<128xi32, #tpu.memory_space<hbm>>
    tpu.enqueue_dma source(%dma_start3A_42 : memref<128xi32, #tpu.memory_space<hbm>>) target(%arg7 : memref<128xi32, #tpu.memory_space<vmem>>) target_semaphore(%arg14 : memref<!tpu.dma_semaphore, #tpu.memory_space<semaphore_mem>>)
    %dma_start3A_43 = arith.constant 0 : i32
    %dma_start3A_44 = tpu.memref_slice %arg6[%dma_start3A_43] : memref<10240xi32, #tpu.memory_space<vmem>> -> memref<128xi32, #tpu.memory_space<vmem>>
    %dma_start3A_45 = arith.constant 0 : i32
    %dma_start3A_46 = arith.constant 0 : i32
    %dma_start3A_47 = tpu.memref_slice %arg2[%dma_start3A_45, %dma_start3A_46] : memref<20000x128xf32, #tpu.memory_space<hbm>> -> memref<20000x128xf32, #tpu.memory_space<hbm>>
    tpu.enqueue_indirect_dma source(%dma_start3A_47 : memref<20000x128xf32, #tpu.memory_space<hbm>>) target(%arg9 : memref<128x128xf32, #tpu.memory_space<vmem>>) offsets(%dma_start3A_44 : memref<128xi32, #tpu.memory_space<vmem>>) semaphore(%arg12 : memref<!tpu.dma_semaphore, #tpu.memory_space<semaphore_mem>>)
    %add3A_48 = arith.constant 128 : i32
    %add3A_49 = arith.addi %mul3A_3, %add3A_48 : i32
    %dma_start3A_50 = tpu.memref_slice %arg4[%add3A_49] : memref<160000xi32, #tpu.memory_space<hbm>> -> memref<128xi32, #tpu.memory_space<hbm>>
    %dma_start3A_51 = tpu.memref_slice %arg4[%add3A_49] : memref<160000xi32, #tpu.memory_space<hbm>> -> memref<128xi32, #tpu.memory_space<hbm>>
    tpu.enqueue_dma source(%dma_start3A_51 : memref<128xi32, #tpu.memory_space<hbm>>) target(%arg8 : memref<128xi32, #tpu.memory_space<vmem>>) target_semaphore(%arg15 : memref<!tpu.dma_semaphore, #tpu.memory_space<semaphore_mem>>)
    %dma_start3A_52 = arith.constant 128 : i32
    %dma_start3A_53 = tpu.memref_slice %arg6[%dma_start3A_52] : memref<10240xi32, #tpu.memory_space<vmem>> -> memref<128xi32, #tpu.memory_space<vmem>>
    %dma_start3A_54 = arith.constant 0 : i32
    %dma_start3A_55 = arith.constant 0 : i32
    %dma_start3A_56 = tpu.memref_slice %arg2[%dma_start3A_54, %dma_start3A_55] : memref<20000x128xf32, #tpu.memory_space<hbm>> -> memref<20000x128xf32, #tpu.memory_space<hbm>>
    tpu.enqueue_indirect_dma source(%dma_start3A_56 : memref<20000x128xf32, #tpu.memory_space<hbm>>) target(%arg10 : memref<128x128xf32, #tpu.memory_space<vmem>>) offsets(%dma_start3A_53 : memref<128xi32, #tpu.memory_space<vmem>>) semaphore(%arg13 : memref<!tpu.dma_semaphore, #tpu.memory_space<semaphore_mem>>)
    %jit3A_57 = arith.constant 2 : i32
    %div3A = arith.divsi %add3A_2, %jit3A_57 : i32
    %sign3A = arith.constant 0 : i32
    %sign3A_58 = arith.cmpi sgt, %add3A_2, %sign3A : i32
    %sign3A_59 = arith.extui %sign3A_58 : i1 to i32
    %sign3A_60 = arith.constant 0 : i32
    %sign3A_61 = arith.cmpi slt, %add3A_2, %sign3A_60 : i32
    %sign3A_62 = arith.extui %sign3A_61 : i1 to i32
    %sign3A_63 = arith.subi %sign3A_59, %sign3A_62 : i32
    %sign3A_64 = arith.constant 0 : i32
    %sign3A_65 = arith.cmpi sgt, %jit3A_57, %sign3A_64 : i32
    %sign3A_66 = arith.extui %sign3A_65 : i1 to i32
    %sign3A_67 = arith.constant 0 : i32
    %sign3A_68 = arith.cmpi slt, %jit3A_57, %sign3A_67 : i32
    %sign3A_69 = arith.extui %sign3A_68 : i1 to i32
    %sign3A_70 = arith.subi %sign3A_66, %sign3A_69 : i32
    %ne3A = arith.cmpi ne, %sign3A_63, %sign3A_70 : i32
    %rem3A = arith.remsi %add3A_2, %jit3A_57 : i32
    %ne3A_71 = arith.constant 0 : i32
    %ne3A_72 = arith.cmpi ne, %rem3A, %ne3A_71 : i32
    %and3A = arith.andi %ne3A, %ne3A_72 : i1
    %sub3A = arith.constant 1 : i32
    %sub3A_73 = arith.subi %div3A, %sub3A : i32
    %select_n3A_74 = arith.select %and3A, %sub3A_73, %div3A : i32
    %while3A = arith.constant 0 : i32
    %while3A_75 = arith.constant 0 : i32
    %while3A_76 = arith.subi %select_n3A_74, %while3A_75 : i32
    %while3A_77 = arith.addi %while3A_75, %while3A_76 : i32
    %while3A_78 = arith.constant 1 : i32
    %while3A_79 = arith.divsi %while3A_76, %while3A_78 : i32
    %while3A_80 = arith.muli %while3A_79, %while3A_78 : i32
    %while3A_81 = arith.addi %while3A_75, %while3A_80 : i32
    %while3A_82 = arith.constant 1 : i32
    scf.for %while3A_97 = %while3A_75 to %while3A_81 step %while3A_82  : i32 {
      %mul3A_98 = arith.constant 2 : i32
      %mul3A_99 = arith.muli %while3A_97, %mul3A_98 : i32
      %add3A_100 = arith.constant 0 : i32
      %add3A_101 = arith.addi %mul3A_99, %add3A_100 : i32
      %dma_wait3A = arith.constant 0 : i32
      %dma_wait3A_102 = tpu.memref_slice %arg4[%dma_wait3A] : memref<160000xi32, #tpu.memory_space<hbm>> -> memref<128xi32, #tpu.memory_space<hbm>>
      %dma_wait3A_103 = arith.constant 0 : i32
      %dma_wait3A_104 = tpu.memref_slice %arg4[%dma_wait3A_103] : memref<160000xi32, #tpu.memory_space<hbm>> -> memref<128xi32, #tpu.memory_space<hbm>>
      tpu.wait_dma2 semaphore(%arg14 : memref<!tpu.dma_semaphore, #tpu.memory_space<semaphore_mem>>) src(%dma_wait3A_104 : memref<128xi32, #tpu.memory_space<hbm>>) dst(%arg7 : memref<128xi32, #tpu.memory_space<vmem>>)
      %dma_wait3A_105 = arith.constant 0 : i32
      %dma_wait3A_106 = tpu.memref_slice %arg6[%dma_wait3A_105] : memref<10240xi32, #tpu.memory_space<vmem>> -> memref<128xi32, #tpu.memory_space<vmem>>
      %dma_wait3A_107 = arith.constant 0 : i32
      %dma_wait3A_108 = arith.constant 0 : i32
      %dma_wait3A_109 = tpu.memref_slice %arg2[%dma_wait3A_107, %dma_wait3A_108] : memref<20000x128xf32, #tpu.memory_space<hbm>> -> memref<20000x128xf32, #tpu.memory_space<hbm>>
      tpu.wait_indirect_dma semaphore(%arg12 : memref<!tpu.dma_semaphore, #tpu.memory_space<semaphore_mem>>) src(%dma_wait3A_109 : memref<20000x128xf32, #tpu.memory_space<hbm>>) dst(%arg9 : memref<128x128xf32, #tpu.memory_space<vmem>>)
      "tpu.region"() ({
        %run_scoped3A = tpu.sem_alloc : memref<!tpu.dma_semaphore, #tpu.memory_space<semaphore_mem>>
        %dma_start3A_134 = arith.constant 0 : i32
        %dma_start3A_135 = arith.constant 0 : i32
        %dma_start3A_136 = tpu.memref_slice %arg11[%dma_start3A_134, %dma_start3A_135] : memref<10000x128xf32, #tpu.memory_space<vmem_shared>> -> memref<10000x128xf32, #tpu.memory_space<vmem_shared>>
        tpu.enqueue_indirect_dma source(%arg9 : memref<128x128xf32, #tpu.memory_space<vmem>>) target(%dma_start3A_136 : memref<10000x128xf32, #tpu.memory_space<vmem_shared>>) offsets(%arg7 : memref<128xi32, #tpu.memory_space<vmem>>) semaphore(%run_scoped3A : memref<!tpu.dma_semaphore, #tpu.memory_space<semaphore_mem>>) {add = true}
        %dma_wait3A_137 = arith.constant 0 : i32
        %dma_wait3A_138 = arith.constant 0 : i32
        %dma_wait3A_139 = tpu.memref_slice %arg11[%dma_wait3A_137, %dma_wait3A_138] : memref<10000x128xf32, #tpu.memory_space<vmem_shared>> -> memref<10000x128xf32, #tpu.memory_space<vmem_shared>>
        tpu.wait_indirect_dma semaphore(%run_scoped3A : memref<!tpu.dma_semaphore, #tpu.memory_space<semaphore_mem>>) src(%arg9 : memref<128x128xf32, #tpu.memory_space<vmem>>) dst(%dma_wait3A_139 : memref<10000x128xf32, #tpu.memory_space<vmem_shared>>)
        tpu.yield
      }) : () -> ()
      %add3A_110 = arith.constant 2 : i32
      %add3A_111 = arith.addi %add3A_101, %add3A_110 : i32
      %lt3A = arith.cmpi slt, %add3A_111, %add3A_2 : i32
      %convert_element_type3A_112 = arith.extui %lt3A : i1 to i32
      %cond3A_113 = arith.constant 0 : i32
      %cond3A_114 = arith.cmpi ne, %convert_element_type3A_112, %cond3A_113 : i32
      scf.if %cond3A_114 {
        %add3A_134 = arith.constant 2 : i32
        %add3A_135 = arith.addi %add3A_101, %add3A_134 : i32
        %mul3A_136 = arith.constant 128 : i32
        %mul3A_137 = arith.muli %add3A_135, %mul3A_136 : i32
        %add3A_138 = arith.addi %mul3A_3, %mul3A_137 : i32
        %dma_start3A_139 = tpu.memref_slice %arg4[%add3A_138] : memref<160000xi32, #tpu.memory_space<hbm>> -> memref<128xi32, #tpu.memory_space<hbm>>
        %dma_start3A_140 = tpu.memref_slice %arg4[%add3A_138] : memref<160000xi32, #tpu.memory_space<hbm>> -> memref<128xi32, #tpu.memory_space<hbm>>
        tpu.enqueue_dma source(%dma_start3A_140 : memref<128xi32, #tpu.memory_space<hbm>>) target(%arg7 : memref<128xi32, #tpu.memory_space<vmem>>) target_semaphore(%arg14 : memref<!tpu.dma_semaphore, #tpu.memory_space<semaphore_mem>>)
        %mul3A_141 = arith.constant 128 : i32
        %mul3A_142 = arith.muli %add3A_135, %mul3A_141 : i32
        %dma_start3A_143 = tpu.memref_slice %arg6[%mul3A_142] : memref<10240xi32, #tpu.memory_space<vmem>> -> memref<128xi32, #tpu.memory_space<vmem>>
        %dma_start3A_144 = arith.constant 0 : i32
        %dma_start3A_145 = arith.constant 0 : i32
        %dma_start3A_146 = tpu.memref_slice %arg2[%dma_start3A_144, %dma_start3A_145] : memref<20000x128xf32, #tpu.memory_space<hbm>> -> memref<20000x128xf32, #tpu.memory_space<hbm>>
        tpu.enqueue_indirect_dma source(%dma_start3A_146 : memref<20000x128xf32, #tpu.memory_space<hbm>>) target(%arg9 : memref<128x128xf32, #tpu.memory_space<vmem>>) offsets(%dma_start3A_143 : memref<128xi32, #tpu.memory_space<vmem>>) semaphore(%arg12 : memref<!tpu.dma_semaphore, #tpu.memory_space<semaphore_mem>>)
      } else {
      }
      %mul3A_115 = arith.constant 2 : i32
      %mul3A_116 = arith.muli %while3A_97, %mul3A_115 : i32
      %add3A_117 = arith.constant 1 : i32
      %add3A_118 = arith.addi %mul3A_116, %add3A_117 : i32
      %dma_wait3A_119 = arith.constant 0 : i32
      %dma_wait3A_120 = tpu.memref_slice %arg4[%dma_wait3A_119] : memref<160000xi32, #tpu.memory_space<hbm>> -> memref<128xi32, #tpu.memory_space<hbm>>
      %dma_wait3A_121 = arith.constant 0 : i32
      %dma_wait3A_122 = tpu.memref_slice %arg4[%dma_wait3A_121] : memref<160000xi32, #tpu.memory_space<hbm>> -> memref<128xi32, #tpu.memory_space<hbm>>
      tpu.wait_dma2 semaphore(%arg15 : memref<!tpu.dma_semaphore, #tpu.memory_space<semaphore_mem>>) src(%dma_wait3A_122 : memref<128xi32, #tpu.memory_space<hbm>>) dst(%arg8 : memref<128xi32, #tpu.memory_space<vmem>>)
      %dma_wait3A_123 = arith.constant 0 : i32
      %dma_wait3A_124 = tpu.memref_slice %arg6[%dma_wait3A_123] : memref<10240xi32, #tpu.memory_space<vmem>> -> memref<128xi32, #tpu.memory_space<vmem>>
      %dma_wait3A_125 = arith.constant 0 : i32
      %dma_wait3A_126 = arith.constant 0 : i32
      %dma_wait3A_127 = tpu.memref_slice %arg2[%dma_wait3A_125, %dma_wait3A_126] : memref<20000x128xf32, #tpu.memory_space<hbm>> -> memref<20000x128xf32, #tpu.memory_space<hbm>>
      tpu.wait_indirect_dma semaphore(%arg13 : memref<!tpu.dma_semaphore, #tpu.memory_space<semaphore_mem>>) src(%dma_wait3A_127 : memref<20000x128xf32, #tpu.memory_space<hbm>>) dst(%arg10 : memref<128x128xf32, #tpu.memory_space<vmem>>)
      "tpu.region"() ({
        %run_scoped3A = tpu.sem_alloc : memref<!tpu.dma_semaphore, #tpu.memory_space<semaphore_mem>>
        %dma_start3A_134 = arith.constant 0 : i32
        %dma_start3A_135 = arith.constant 0 : i32
        %dma_start3A_136 = tpu.memref_slice %arg11[%dma_start3A_134, %dma_start3A_135] : memref<10000x128xf32, #tpu.memory_space<vmem_shared>> -> memref<10000x128xf32, #tpu.memory_space<vmem_shared>>
        tpu.enqueue_indirect_dma source(%arg10 : memref<128x128xf32, #tpu.memory_space<vmem>>) target(%dma_start3A_136 : memref<10000x128xf32, #tpu.memory_space<vmem_shared>>) offsets(%arg8 : memref<128xi32, #tpu.memory_space<vmem>>) semaphore(%run_scoped3A : memref<!tpu.dma_semaphore, #tpu.memory_space<semaphore_mem>>) {add = true}
        %dma_wait3A_137 = arith.constant 0 : i32
        %dma_wait3A_138 = arith.constant 0 : i32
        %dma_wait3A_139 = tpu.memref_slice %arg11[%dma_wait3A_137, %dma_wait3A_138] : memref<10000x128xf32, #tpu.memory_space<vmem_shared>> -> memref<10000x128xf32, #tpu.memory_space<vmem_shared>>
        tpu.wait_indirect_dma semaphore(%run_scoped3A : memref<!tpu.dma_semaphore, #tpu.memory_space<semaphore_mem>>) src(%arg10 : memref<128x128xf32, #tpu.memory_space<vmem>>) dst(%dma_wait3A_139 : memref<10000x128xf32, #tpu.memory_space<vmem_shared>>)
        tpu.yield
      }) : () -> ()
      %add3A_128 = arith.constant 2 : i32
      %add3A_129 = arith.addi %add3A_118, %add3A_128 : i32
      %lt3A_130 = arith.cmpi slt, %add3A_129, %add3A_2 : i32
      %convert_element_type3A_131 = arith.extui %lt3A_130 : i1 to i32
      %cond3A_132 = arith.constant 0 : i32
      %cond3A_133 = arith.cmpi ne, %convert_element_type3A_131, %cond3A_132 : i32
      scf.if %cond3A_133 {
        %add3A_134 = arith.constant 2 : i32
        %add3A_135 = arith.addi %add3A_118, %add3A_134 : i32
        %mul3A_136 = arith.constant 128 : i32
        %mul3A_137 = arith.muli %add3A_135, %mul3A_136 : i32
        %add3A_138 = arith.addi %mul3A_3, %mul3A_137 : i32
        %dma_start3A_139 = tpu.memref_slice %arg4[%add3A_138] : memref<160000xi32, #tpu.memory_space<hbm>> -> memref<128xi32, #tpu.memory_space<hbm>>
        %dma_start3A_140 = tpu.memref_slice %arg4[%add3A_138] : memref<160000xi32, #tpu.memory_space<hbm>> -> memref<128xi32, #tpu.memory_space<hbm>>
        tpu.enqueue_dma source(%dma_start3A_140 : memref<128xi32, #tpu.memory_space<hbm>>) target(%arg8 : memref<128xi32, #tpu.memory_space<vmem>>) target_semaphore(%arg15 : memref<!tpu.dma_semaphore, #tpu.memory_space<semaphore_mem>>)
        %mul3A_141 = arith.constant 128 : i32
        %mul3A_142 = arith.muli %add3A_135, %mul3A_141 : i32
        %dma_start3A_143 = tpu.memref_slice %arg6[%mul3A_142] : memref<10240xi32, #tpu.memory_space<vmem>> -> memref<128xi32, #tpu.memory_space<vmem>>
        %dma_start3A_144 = arith.constant 0 : i32
        %dma_start3A_145 = arith.constant 0 : i32
        %dma_start3A_146 = tpu.memref_slice %arg2[%dma_start3A_144, %dma_start3A_145] : memref<20000x128xf32, #tpu.memory_space<hbm>> -> memref<20000x128xf32, #tpu.memory_space<hbm>>
        tpu.enqueue_indirect_dma source(%dma_start3A_146 : memref<20000x128xf32, #tpu.memory_space<hbm>>) target(%arg10 : memref<128x128xf32, #tpu.memory_space<vmem>>) offsets(%dma_start3A_143 : memref<128xi32, #tpu.memory_space<vmem>>) semaphore(%arg13 : memref<!tpu.dma_semaphore, #tpu.memory_space<semaphore_mem>>)
      } else {
      }
    }
    %while3A_83 = arith.constant 1 : i32
    scf.for %while3A_97 = %while3A_81 to %while3A_77 step %while3A_83  : i32 {
      %mul3A_98 = arith.constant 2 : i32
      %mul3A_99 = arith.muli %while3A_97, %mul3A_98 : i32
      %add3A_100 = arith.constant 0 : i32
      %add3A_101 = arith.addi %mul3A_99, %add3A_100 : i32
      %dma_wait3A = arith.constant 0 : i32
      %dma_wait3A_102 = tpu.memref_slice %arg4[%dma_wait3A] : memref<160000xi32, #tpu.memory_space<hbm>> -> memref<128xi32, #tpu.memory_space<hbm>>
      %dma_wait3A_103 = arith.constant 0 : i32
      %dma_wait3A_104 = tpu.memref_slice %arg4[%dma_wait3A_103] : memref<160000xi32, #tpu.memory_space<hbm>> -> memref<128xi32, #tpu.memory_space<hbm>>
      tpu.wait_dma2 semaphore(%arg14 : memref<!tpu.dma_semaphore, #tpu.memory_space<semaphore_mem>>) src(%dma_wait3A_104 : memref<128xi32, #tpu.memory_space<hbm>>) dst(%arg7 : memref<128xi32, #tpu.memory_space<vmem>>)
      %dma_wait3A_105 = arith.constant 0 : i32
      %dma_wait3A_106 = tpu.memref_slice %arg6[%dma_wait3A_105] : memref<10240xi32, #tpu.memory_space<vmem>> -> memref<128xi32, #tpu.memory_space<vmem>>
      %dma_wait3A_107 = arith.constant 0 : i32
      %dma_wait3A_108 = arith.constant 0 : i32
      %dma_wait3A_109 = tpu.memref_slice %arg2[%dma_wait3A_107, %dma_wait3A_108] : memref<20000x128xf32, #tpu.memory_space<hbm>> -> memref<20000x128xf32, #tpu.memory_space<hbm>>
      tpu.wait_indirect_dma semaphore(%arg12 : memref<!tpu.dma_semaphore, #tpu.memory_space<semaphore_mem>>) src(%dma_wait3A_109 : memref<20000x128xf32, #tpu.memory_space<hbm>>) dst(%arg9 : memref<128x128xf32, #tpu.memory_space<vmem>>)
      "tpu.region"() ({
        %run_scoped3A = tpu.sem_alloc : memref<!tpu.dma_semaphore, #tpu.memory_space<semaphore_mem>>
        %dma_start3A_134 = arith.constant 0 : i32
        %dma_start3A_135 = arith.constant 0 : i32
        %dma_start3A_136 = tpu.memref_slice %arg11[%dma_start3A_134, %dma_start3A_135] : memref<10000x128xf32, #tpu.memory_space<vmem_shared>> -> memref<10000x128xf32, #tpu.memory_space<vmem_shared>>
        tpu.enqueue_indirect_dma source(%arg9 : memref<128x128xf32, #tpu.memory_space<vmem>>) target(%dma_start3A_136 : memref<10000x128xf32, #tpu.memory_space<vmem_shared>>) offsets(%arg7 : memref<128xi32, #tpu.memory_space<vmem>>) semaphore(%run_scoped3A : memref<!tpu.dma_semaphore, #tpu.memory_space<semaphore_mem>>) {add = true}
        %dma_wait3A_137 = arith.constant 0 : i32
        %dma_wait3A_138 = arith.constant 0 : i32
        %dma_wait3A_139 = tpu.memref_slice %arg11[%dma_wait3A_137, %dma_wait3A_138] : memref<10000x128xf32, #tpu.memory_space<vmem_shared>> -> memref<10000x128xf32, #tpu.memory_space<vmem_shared>>
        tpu.wait_indirect_dma semaphore(%run_scoped3A : memref<!tpu.dma_semaphore, #tpu.memory_space<semaphore_mem>>) src(%arg9 : memref<128x128xf32, #tpu.memory_space<vmem>>) dst(%dma_wait3A_139 : memref<10000x128xf32, #tpu.memory_space<vmem_shared>>)
        tpu.yield
      }) : () -> ()
      %add3A_110 = arith.constant 2 : i32
      %add3A_111 = arith.addi %add3A_101, %add3A_110 : i32
      %lt3A = arith.cmpi slt, %add3A_111, %add3A_2 : i32
      %convert_element_type3A_112 = arith.extui %lt3A : i1 to i32
      %cond3A_113 = arith.constant 0 : i32
      %cond3A_114 = arith.cmpi ne, %convert_element_type3A_112, %cond3A_113 : i32
      scf.if %cond3A_114 {
        %add3A_134 = arith.constant 2 : i32
        %add3A_135 = arith.addi %add3A_101, %add3A_134 : i32
        %mul3A_136 = arith.constant 128 : i32
        %mul3A_137 = arith.muli %add3A_135, %mul3A_136 : i32
        %add3A_138 = arith.addi %mul3A_3, %mul3A_137 : i32
        %dma_start3A_139 = tpu.memref_slice %arg4[%add3A_138] : memref<160000xi32, #tpu.memory_space<hbm>> -> memref<128xi32, #tpu.memory_space<hbm>>
        %dma_start3A_140 = tpu.memref_slice %arg4[%add3A_138] : memref<160000xi32, #tpu.memory_space<hbm>> -> memref<128xi32, #tpu.memory_space<hbm>>
        tpu.enqueue_dma source(%dma_start3A_140 : memref<128xi32, #tpu.memory_space<hbm>>) target(%arg7 : memref<128xi32, #tpu.memory_space<vmem>>) target_semaphore(%arg14 : memref<!tpu.dma_semaphore, #tpu.memory_space<semaphore_mem>>)
        %mul3A_141 = arith.constant 128 : i32
        %mul3A_142 = arith.muli %add3A_135, %mul3A_141 : i32
        %dma_start3A_143 = tpu.memref_slice %arg6[%mul3A_142] : memref<10240xi32, #tpu.memory_space<vmem>> -> memref<128xi32, #tpu.memory_space<vmem>>
        %dma_start3A_144 = arith.constant 0 : i32
        %dma_start3A_145 = arith.constant 0 : i32
        %dma_start3A_146 = tpu.memref_slice %arg2[%dma_start3A_144, %dma_start3A_145] : memref<20000x128xf32, #tpu.memory_space<hbm>> -> memref<20000x128xf32, #tpu.memory_space<hbm>>
        tpu.enqueue_indirect_dma source(%dma_start3A_146 : memref<20000x128xf32, #tpu.memory_space<hbm>>) target(%arg9 : memref<128x128xf32, #tpu.memory_space<vmem>>) offsets(%dma_start3A_143 : memref<128xi32, #tpu.memory_space<vmem>>) semaphore(%arg12 : memref<!tpu.dma_semaphore, #tpu.memory_space<semaphore_mem>>)
      } else {
      }
      %mul3A_115 = arith.constant 2 : i32
      %mul3A_116 = arith.muli %while3A_97, %mul3A_115 : i32
      %add3A_117 = arith.constant 1 : i32
      %add3A_118 = arith.addi %mul3A_116, %add3A_117 : i32
      %dma_wait3A_119 = arith.constant 0 : i32
      %dma_wait3A_120 = tpu.memref_slice %arg4[%dma_wait3A_119] : memref<160000xi32, #tpu.memory_space<hbm>> -> memref<128xi32, #tpu.memory_space<hbm>>
      %dma_wait3A_121 = arith.constant 0 : i32
      %dma_wait3A_122 = tpu.memref_slice %arg4[%dma_wait3A_121] : memref<160000xi32, #tpu.memory_space<hbm>> -> memref<128xi32, #tpu.memory_space<hbm>>
      tpu.wait_dma2 semaphore(%arg15 : memref<!tpu.dma_semaphore, #tpu.memory_space<semaphore_mem>>) src(%dma_wait3A_122 : memref<128xi32, #tpu.memory_space<hbm>>) dst(%arg8 : memref<128xi32, #tpu.memory_space<vmem>>)
      %dma_wait3A_123 = arith.constant 0 : i32
      %dma_wait3A_124 = tpu.memref_slice %arg6[%dma_wait3A_123] : memref<10240xi32, #tpu.memory_space<vmem>> -> memref<128xi32, #tpu.memory_space<vmem>>
      %dma_wait3A_125 = arith.constant 0 : i32
      %dma_wait3A_126 = arith.constant 0 : i32
      %dma_wait3A_127 = tpu.memref_slice %arg2[%dma_wait3A_125, %dma_wait3A_126] : memref<20000x128xf32, #tpu.memory_space<hbm>> -> memref<20000x128xf32, #tpu.memory_space<hbm>>
      tpu.wait_indirect_dma semaphore(%arg13 : memref<!tpu.dma_semaphore, #tpu.memory_space<semaphore_mem>>) src(%dma_wait3A_127 : memref<20000x128xf32, #tpu.memory_space<hbm>>) dst(%arg10 : memref<128x128xf32, #tpu.memory_space<vmem>>)
      "tpu.region"() ({
        %run_scoped3A = tpu.sem_alloc : memref<!tpu.dma_semaphore, #tpu.memory_space<semaphore_mem>>
        %dma_start3A_134 = arith.constant 0 : i32
        %dma_start3A_135 = arith.constant 0 : i32
        %dma_start3A_136 = tpu.memref_slice %arg11[%dma_start3A_134, %dma_start3A_135] : memref<10000x128xf32, #tpu.memory_space<vmem_shared>> -> memref<10000x128xf32, #tpu.memory_space<vmem_shared>>
        tpu.enqueue_indirect_dma source(%arg10 : memref<128x128xf32, #tpu.memory_space<vmem>>) target(%dma_start3A_136 : memref<10000x128xf32, #tpu.memory_space<vmem_shared>>) offsets(%arg8 : memref<128xi32, #tpu.memory_space<vmem>>) semaphore(%run_scoped3A : memref<!tpu.dma_semaphore, #tpu.memory_space<semaphore_mem>>) {add = true}
        %dma_wait3A_137 = arith.constant 0 : i32
        %dma_wait3A_138 = arith.constant 0 : i32
        %dma_wait3A_139 = tpu.memref_slice %arg11[%dma_wait3A_137, %dma_wait3A_138] : memref<10000x128xf32, #tpu.memory_space<vmem_shared>> -> memref<10000x128xf32, #tpu.memory_space<vmem_shared>>
        tpu.wait_indirect_dma semaphore(%run_scoped3A : memref<!tpu.dma_semaphore, #tpu.memory_space<semaphore_mem>>) src(%arg10 : memref<128x128xf32, #tpu.memory_space<vmem>>) dst(%dma_wait3A_139 : memref<10000x128xf32, #tpu.memory_space<vmem_shared>>)
        tpu.yield
      }) : () -> ()
      %add3A_128 = arith.constant 2 : i32
      %add3A_129 = arith.addi %add3A_118, %add3A_128 : i32
      %lt3A_130 = arith.cmpi slt, %add3A_129, %add3A_2 : i32
      %convert_element_type3A_131 = arith.extui %lt3A_130 : i1 to i32
      %cond3A_132 = arith.constant 0 : i32
      %cond3A_133 = arith.cmpi ne, %convert_element_type3A_131, %cond3A_132 : i32
      scf.if %cond3A_133 {
        %add3A_134 = arith.constant 2 : i32
        %add3A_135 = arith.addi %add3A_118, %add3A_134 : i32
        %mul3A_136 = arith.constant 128 : i32
        %mul3A_137 = arith.muli %add3A_135, %mul3A_136 : i32
        %add3A_138 = arith.addi %mul3A_3, %mul3A_137 : i32
        %dma_start3A_139 = tpu.memref_slice %arg4[%add3A_138] : memref<160000xi32, #tpu.memory_space<hbm>> -> memref<128xi32, #tpu.memory_space<hbm>>
        %dma_start3A_140 = tpu.memref_slice %arg4[%add3A_138] : memref<160000xi32, #tpu.memory_space<hbm>> -> memref<128xi32, #tpu.memory_space<hbm>>
        tpu.enqueue_dma source(%dma_start3A_140 : memref<128xi32, #tpu.memory_space<hbm>>) target(%arg8 : memref<128xi32, #tpu.memory_space<vmem>>) target_semaphore(%arg15 : memref<!tpu.dma_semaphore, #tpu.memory_space<semaphore_mem>>)
        %mul3A_141 = arith.constant 128 : i32
        %mul3A_142 = arith.muli %add3A_135, %mul3A_141 : i32
        %dma_start3A_143 = tpu.memref_slice %arg6[%mul3A_142] : memref<10240xi32, #tpu.memory_space<vmem>> -> memref<128xi32, #tpu.memory_space<vmem>>
        %dma_start3A_144 = arith.constant 0 : i32
        %dma_start3A_145 = arith.constant 0 : i32
        %dma_start3A_146 = tpu.memref_slice %arg2[%dma_start3A_144, %dma_start3A_145] : memref<20000x128xf32, #tpu.memory_space<hbm>> -> memref<20000x128xf32, #tpu.memory_space<hbm>>
        tpu.enqueue_indirect_dma source(%dma_start3A_146 : memref<20000x128xf32, #tpu.memory_space<hbm>>) target(%arg10 : memref<128x128xf32, #tpu.memory_space<vmem>>) offsets(%dma_start3A_143 : memref<128xi32, #tpu.memory_space<vmem>>) semaphore(%arg13 : memref<!tpu.dma_semaphore, #tpu.memory_space<semaphore_mem>>)
      } else {
      }
    }
    %barrier3A_84 = arith.constant 0 : index
    tpu.barrier barrier_id(%barrier3A_84)
    %mul3A_85 = arith.constant 624 : i32
    %mul3A_86 = arith.muli %arg1, %mul3A_85 : i32
    %mul3A_87 = arith.constant 10000 : i32
    %mul3A_88 = arith.muli %arg0, %mul3A_87 : i32
    %mul3A_89 = arith.constant 624 : i32
    %mul3A_90 = arith.muli %arg1, %mul3A_89 : i32
    %add3A_91 = arith.addi %mul3A_88, %mul3A_90 : i32
    "tpu.region"() ({
      %run_scoped3A = tpu.sem_alloc : memref<!tpu.dma_semaphore, #tpu.memory_space<semaphore_mem>>
      %dma_start3A_97 = arith.constant 0 : i32
      %dma_start3A_98 = tpu.memref_slice %arg5[%add3A_91, %dma_start3A_97] : memref<20000x128xf32, #tpu.memory_space<hbm>> -> memref<624x128xf32, #tpu.memory_space<hbm>>
      %dma_start3A_99 = arith.constant 0 : i32
      %dma_start3A_100 = tpu.memref_slice %arg11[%mul3A_86, %dma_start3A_99] : memref<10000x128xf32, #tpu.memory_space<vmem_shared>> -> memref<624x128xf32, #tpu.memory_space<vmem_shared>>
      tpu.enqueue_dma source(%dma_start3A_100 : memref<624x128xf32, #tpu.memory_space<vmem_shared>>) target(%dma_start3A_98 : memref<624x128xf32, #tpu.memory_space<hbm>>) target_semaphore(%run_scoped3A : memref<!tpu.dma_semaphore, #tpu.memory_space<semaphore_mem>>)
      %dma_wait3A = arith.constant 0 : i32
      %dma_wait3A_101 = tpu.memref_slice %arg5[%add3A_91, %dma_wait3A] : memref<20000x128xf32, #tpu.memory_space<hbm>> -> memref<624x128xf32, #tpu.memory_space<hbm>>
      %dma_wait3A_102 = arith.constant 0 : i32
      %dma_wait3A_103 = tpu.memref_slice %arg11[%mul3A_86, %dma_wait3A_102] : memref<10000x128xf32, #tpu.memory_space<vmem_shared>> -> memref<624x128xf32, #tpu.memory_space<vmem_shared>>
      tpu.wait_dma2 semaphore(%run_scoped3A : memref<!tpu.dma_semaphore, #tpu.memory_space<semaphore_mem>>) src(%dma_wait3A_103 : memref<624x128xf32, #tpu.memory_space<vmem_shared>>) dst(%dma_wait3A_101 : memref<624x128xf32, #tpu.memory_space<hbm>>)
      tpu.yield
    }) : () -> ()
    %eq3A_92 = arith.constant 15 : i32
    %eq3A_93 = arith.cmpi eq, %arg1, %eq3A_92 : i32
    %convert_element_type3A_94 = arith.extui %eq3A_93 : i1 to i32
    %cond3A_95 = arith.constant 0 : i32
    %cond3A_96 = arith.cmpi ne, %convert_element_type3A_94, %cond3A_95 : i32
    scf.if %cond3A_96 {
      %mul3A_97 = arith.constant 10000 : i32
      %mul3A_98 = arith.muli %arg0, %mul3A_97 : i32
      %add3A_99 = arith.constant 9984 : i32
      %add3A_100 = arith.addi %mul3A_98, %add3A_99 : i32
      "tpu.region"() ({
        %run_scoped3A = tpu.sem_alloc : memref<!tpu.dma_semaphore, #tpu.memory_space<semaphore_mem>>
        %dma_start3A_101 = arith.constant 0 : i32
        %dma_start3A_102 = tpu.memref_slice %arg5[%add3A_100, %dma_start3A_101] : memref<20000x128xf32, #tpu.memory_space<hbm>> -> memref<16x128xf32, #tpu.memory_space<hbm>>
        %dma_start3A_103 = arith.constant 9984 : i32
        %dma_start3A_104 = arith.constant 0 : i32
        %dma_start3A_105 = tpu.memref_slice %arg11[%dma_start3A_103, %dma_start3A_104] : memref<10000x128xf32, #tpu.memory_space<vmem_shared>> -> memref<16x128xf32, #tpu.memory_space<vmem_shared>>
        tpu.enqueue_dma source(%dma_start3A_105 : memref<16x128xf32, #tpu.memory_space<vmem_shared>>) target(%dma_start3A_102 : memref<16x128xf32, #tpu.memory_space<hbm>>) target_semaphore(%run_scoped3A : memref<!tpu.dma_semaphore, #tpu.memory_space<semaphore_mem>>)
        %dma_wait3A = arith.constant 0 : i32
        %dma_wait3A_106 = tpu.memref_slice %arg5[%add3A_100, %dma_wait3A] : memref<20000x128xf32, #tpu.memory_space<hbm>> -> memref<16x128xf32, #tpu.memory_space<hbm>>
        %dma_wait3A_107 = arith.constant 9984 : i32
        %dma_wait3A_108 = arith.constant 0 : i32
        %dma_wait3A_109 = tpu.memref_slice %arg11[%dma_wait3A_107, %dma_wait3A_108] : memref<10000x128xf32, #tpu.memory_space<vmem_shared>> -> memref<16x128xf32, #tpu.memory_space<vmem_shared>>
        tpu.wait_dma2 semaphore(%run_scoped3A : memref<!tpu.dma_semaphore, #tpu.memory_space<semaphore_mem>>) src(%dma_wait3A_109 : memref<16x128xf32, #tpu.memory_space<vmem_shared>>) dst(%dma_wait3A_106 : memref<16x128xf32, #tpu.memory_space<hbm>>)
        tpu.yield
      }) : () -> ()
    } else {
    }
    return
  }
}

#map = affine_map<(d0, d1) -> (0)>
#map1 = affine_map<(d0, d1) -> (0, 0)>
module attributes {stable_mosaic.version = 14 : i64} {
  func.func @_deg_body(%arg0: i32, %arg1: i32, %arg2: memref<160000xi32, #tpu.memory_space<hbm>>, %arg3: memref<20000x128xf32, #tpu.memory_space<hbm>>, %arg4: memref<5120xi32, #tpu.memory_space<vmem>>, %arg5: memref<128xi32, #tpu.memory_space<vmem>>, %arg6: memref<128x128xf32, #tpu.memory_space<vmem>>, %arg7: memref<48x128xf32, #tpu.memory_space<vmem>>, %arg8: memref<10000x128xf32, #tpu.memory_space<vmem_shared>>) attributes {dimension_semantics = [#tpu.dimension_semantics<core_parallel>, #tpu.dimension_semantics<subcore_parallel>], iteration_bounds = array<i64: 2, 16>, scalar_prefetch = 0 : i64, scratch_operands = 5 : i64, tpu.core_type = #tpu.core_type<sc_vector_subcore>, window_params = [{transform_indices = #map}, {transform_indices = #map1}]} {
    %mul3A = arith.constant 80000 : i32
    %mul3A_0 = arith.muli %arg0, %mul3A : i32
    %mul3A_1 = arith.constant 4992 : i32
    %mul3A_2 = arith.muli %arg1, %mul3A_1 : i32
    %add3A = arith.addi %mul3A_0, %mul3A_2 : i32
    "tpu.region"() ({
      %run_scoped3A = tpu.sem_alloc : memref<!tpu.dma_semaphore, #tpu.memory_space<semaphore_mem>>
      %dma_start3A = tpu.memref_slice %arg2[%add3A] : memref<160000xi32, #tpu.memory_space<hbm>> -> memref<5120xi32, #tpu.memory_space<hbm>>
      %dma_start3A_95 = tpu.memref_slice %arg2[%add3A] : memref<160000xi32, #tpu.memory_space<hbm>> -> memref<5120xi32, #tpu.memory_space<hbm>>
      tpu.enqueue_dma source(%dma_start3A_95 : memref<5120xi32, #tpu.memory_space<hbm>>) target(%arg4 : memref<5120xi32, #tpu.memory_space<vmem>>) target_semaphore(%run_scoped3A : memref<!tpu.dma_semaphore, #tpu.memory_space<semaphore_mem>>)
      %dma_wait3A = tpu.memref_slice %arg2[%add3A] : memref<160000xi32, #tpu.memory_space<hbm>> -> memref<5120xi32, #tpu.memory_space<hbm>>
      %dma_wait3A_96 = tpu.memref_slice %arg2[%add3A] : memref<160000xi32, #tpu.memory_space<hbm>> -> memref<5120xi32, #tpu.memory_space<hbm>>
      tpu.wait_dma2 semaphore(%run_scoped3A : memref<!tpu.dma_semaphore, #tpu.memory_space<semaphore_mem>>) src(%dma_wait3A_96 : memref<5120xi32, #tpu.memory_space<hbm>>) dst(%arg4 : memref<5120xi32, #tpu.memory_space<vmem>>)
      tpu.yield
    }) : () -> ()
    %scan3A = arith.constant 0 : i32
    %scan3A_3 = arith.constant 0 : i32
    %scan3A_4 = arith.constant 128 : i32
    %scan3A_5 = arith.addi %scan3A_3, %scan3A_4 : i32
    %scan3A_6 = arith.constant 1 : i32
    scf.for %scan3A_95 = %scan3A_3 to %scan3A_5 step %scan3A_6  : i32 {
      %broadcast_in_dim3A = arith.constant 1.000000e+00 : f32
      %broadcast_in_dim3A_96 = vector.broadcast %broadcast_in_dim3A : f32 to vector<16xf32>
      %swap3A = arith.index_cast %scan3A_95 : i32 to index
      %swap3A_97 = arith.constant 0 : index
      %swap3A_98 = tpu.vector_load %arg6[%swap3A, %swap3A_97] {strides = array<i32>} : memref<128x128xf32, #tpu.memory_space<vmem>>, vector<1x16xf32>,
      %swap3A_99 = vector.shape_cast %swap3A_98 : vector<1x16xf32> to vector<16xf32>
      %swap3A_100 = vector.shape_cast %broadcast_in_dim3A_96 : vector<16xf32> to vector<1x16xf32>
      tpu.vector_store %arg6[%swap3A, %swap3A_97], %swap3A_100 {strides = array<i32>} : memref<128x128xf32, #tpu.memory_space<vmem>>, vector<1x16xf32>,
      %broadcast_in_dim3A_101 = arith.constant 1.000000e+00 : f32
      %broadcast_in_dim3A_102 = vector.broadcast %broadcast_in_dim3A_101 : f32 to vector<16xf32>
      %swap3A_103 = arith.index_cast %scan3A_95 : i32 to index
      %swap3A_104 = arith.constant 16 : index
      %swap3A_105 = tpu.vector_load %arg6[%swap3A_103, %swap3A_104] {strides = array<i32>} : memref<128x128xf32, #tpu.memory_space<vmem>>, vector<1x16xf32>,
      %swap3A_106 = vector.shape_cast %swap3A_105 : vector<1x16xf32> to vector<16xf32>
      %swap3A_107 = vector.shape_cast %broadcast_in_dim3A_102 : vector<16xf32> to vector<1x16xf32>
      tpu.vector_store %arg6[%swap3A_103, %swap3A_104], %swap3A_107 {strides = array<i32>} : memref<128x128xf32, #tpu.memory_space<vmem>>, vector<1x16xf32>,
      %broadcast_in_dim3A_108 = arith.constant 1.000000e+00 : f32
      %broadcast_in_dim3A_109 = vector.broadcast %broadcast_in_dim3A_108 : f32 to vector<16xf32>
      %swap3A_110 = arith.index_cast %scan3A_95 : i32 to index
      %swap3A_111 = arith.constant 32 : index
      %swap3A_112 = tpu.vector_load %arg6[%swap3A_110, %swap3A_111] {strides = array<i32>} : memref<128x128xf32, #tpu.memory_space<vmem>>, vector<1x16xf32>,
      %swap3A_113 = vector.shape_cast %swap3A_112 : vector<1x16xf32> to vector<16xf32>
      %swap3A_114 = vector.shape_cast %broadcast_in_dim3A_109 : vector<16xf32> to vector<1x16xf32>
      tpu.vector_store %arg6[%swap3A_110, %swap3A_111], %swap3A_114 {strides = array<i32>} : memref<128x128xf32, #tpu.memory_space<vmem>>, vector<1x16xf32>,
      %broadcast_in_dim3A_115 = arith.constant 1.000000e+00 : f32
      %broadcast_in_dim3A_116 = vector.broadcast %broadcast_in_dim3A_115 : f32 to vector<16xf32>
      %swap3A_117 = arith.index_cast %scan3A_95 : i32 to index
      %swap3A_118 = arith.constant 48 : index
      %swap3A_119 = tpu.vector_load %arg6[%swap3A_117, %swap3A_118] {strides = array<i32>} : memref<128x128xf32, #tpu.memory_space<vmem>>, vector<1x16xf32>,
      %swap3A_120 = vector.shape_cast %swap3A_119 : vector<1x16xf32> to vector<16xf32>
      %swap3A_121 = vector.shape_cast %broadcast_in_dim3A_116 : vector<16xf32> to vector<1x16xf32>
      tpu.vector_store %arg6[%swap3A_117, %swap3A_118], %swap3A_121 {strides = array<i32>} : memref<128x128xf32, #tpu.memory_space<vmem>>, vector<1x16xf32>,
      %broadcast_in_dim3A_122 = arith.constant 1.000000e+00 : f32
      %broadcast_in_dim3A_123 = vector.broadcast %broadcast_in_dim3A_122 : f32 to vector<16xf32>
      %swap3A_124 = arith.index_cast %scan3A_95 : i32 to index
      %swap3A_125 = arith.constant 64 : index
      %swap3A_126 = tpu.vector_load %arg6[%swap3A_124, %swap3A_125] {strides = array<i32>} : memref<128x128xf32, #tpu.memory_space<vmem>>, vector<1x16xf32>,
      %swap3A_127 = vector.shape_cast %swap3A_126 : vector<1x16xf32> to vector<16xf32>
      %swap3A_128 = vector.shape_cast %broadcast_in_dim3A_123 : vector<16xf32> to vector<1x16xf32>
      tpu.vector_store %arg6[%swap3A_124, %swap3A_125], %swap3A_128 {strides = array<i32>} : memref<128x128xf32, #tpu.memory_space<vmem>>, vector<1x16xf32>,
      %broadcast_in_dim3A_129 = arith.constant 1.000000e+00 : f32
      %broadcast_in_dim3A_130 = vector.broadcast %broadcast_in_dim3A_129 : f32 to vector<16xf32>
      %swap3A_131 = arith.index_cast %scan3A_95 : i32 to index
      %swap3A_132 = arith.constant 80 : index
      %swap3A_133 = tpu.vector_load %arg6[%swap3A_131, %swap3A_132] {strides = array<i32>} : memref<128x128xf32, #tpu.memory_space<vmem>>, vector<1x16xf32>,
      %swap3A_134 = vector.shape_cast %swap3A_133 : vector<1x16xf32> to vector<16xf32>
      %swap3A_135 = vector.shape_cast %broadcast_in_dim3A_130 : vector<16xf32> to vector<1x16xf32>
      tpu.vector_store %arg6[%swap3A_131, %swap3A_132], %swap3A_135 {strides = array<i32>} : memref<128x128xf32, #tpu.memory_space<vmem>>, vector<1x16xf32>,
      %broadcast_in_dim3A_136 = arith.constant 1.000000e+00 : f32
      %broadcast_in_dim3A_137 = vector.broadcast %broadcast_in_dim3A_136 : f32 to vector<16xf32>
      %swap3A_138 = arith.index_cast %scan3A_95 : i32 to index
      %swap3A_139 = arith.constant 96 : index
      %swap3A_140 = tpu.vector_load %arg6[%swap3A_138, %swap3A_139] {strides = array<i32>} : memref<128x128xf32, #tpu.memory_space<vmem>>, vector<1x16xf32>,
      %swap3A_141 = vector.shape_cast %swap3A_140 : vector<1x16xf32> to vector<16xf32>
      %swap3A_142 = vector.shape_cast %broadcast_in_dim3A_137 : vector<16xf32> to vector<1x16xf32>
      tpu.vector_store %arg6[%swap3A_138, %swap3A_139], %swap3A_142 {strides = array<i32>} : memref<128x128xf32, #tpu.memory_space<vmem>>, vector<1x16xf32>,
      %broadcast_in_dim3A_143 = arith.constant 1.000000e+00 : f32
      %broadcast_in_dim3A_144 = vector.broadcast %broadcast_in_dim3A_143 : f32 to vector<16xf32>
      %swap3A_145 = arith.index_cast %scan3A_95 : i32 to index
      %swap3A_146 = arith.constant 112 : index
      %swap3A_147 = tpu.vector_load %arg6[%swap3A_145, %swap3A_146] {strides = array<i32>} : memref<128x128xf32, #tpu.memory_space<vmem>>, vector<1x16xf32>,
      %swap3A_148 = vector.shape_cast %swap3A_147 : vector<1x16xf32> to vector<16xf32>
      %swap3A_149 = vector.shape_cast %broadcast_in_dim3A_144 : vector<16xf32> to vector<1x16xf32>
      tpu.vector_store %arg6[%swap3A_145, %swap3A_146], %swap3A_149 {strides = array<i32>} : memref<128x128xf32, #tpu.memory_space<vmem>>, vector<1x16xf32>,
    }
    %scan3A_7 = arith.constant 128 : i32
    %scan3A_8 = arith.constant 0 : i32
    %scan3A_9 = arith.constant 0 : i32
    %scan3A_10 = arith.constant 48 : i32
    %scan3A_11 = arith.addi %scan3A_9, %scan3A_10 : i32
    %scan3A_12 = arith.constant 1 : i32
    scf.for %scan3A_95 = %scan3A_9 to %scan3A_11 step %scan3A_12  : i32 {
      %broadcast_in_dim3A = arith.constant 0.000000e+00 : f32
      %broadcast_in_dim3A_96 = vector.broadcast %broadcast_in_dim3A : f32 to vector<16xf32>
      %swap3A = arith.index_cast %scan3A_95 : i32 to index
      %swap3A_97 = arith.constant 0 : index
      %swap3A_98 = tpu.vector_load %arg7[%swap3A, %swap3A_97] {strides = array<i32>} : memref<48x128xf32, #tpu.memory_space<vmem>>, vector<1x16xf32>,
      %swap3A_99 = vector.shape_cast %swap3A_98 : vector<1x16xf32> to vector<16xf32>
      %swap3A_100 = vector.shape_cast %broadcast_in_dim3A_96 : vector<16xf32> to vector<1x16xf32>
      tpu.vector_store %arg7[%swap3A, %swap3A_97], %swap3A_100 {strides = array<i32>} : memref<48x128xf32, #tpu.memory_space<vmem>>, vector<1x16xf32>,
      %broadcast_in_dim3A_101 = arith.constant 0.000000e+00 : f32
      %broadcast_in_dim3A_102 = vector.broadcast %broadcast_in_dim3A_101 : f32 to vector<16xf32>
      %swap3A_103 = arith.index_cast %scan3A_95 : i32 to index
      %swap3A_104 = arith.constant 16 : index
      %swap3A_105 = tpu.vector_load %arg7[%swap3A_103, %swap3A_104] {strides = array<i32>} : memref<48x128xf32, #tpu.memory_space<vmem>>, vector<1x16xf32>,
      %swap3A_106 = vector.shape_cast %swap3A_105 : vector<1x16xf32> to vector<16xf32>
      %swap3A_107 = vector.shape_cast %broadcast_in_dim3A_102 : vector<16xf32> to vector<1x16xf32>
      tpu.vector_store %arg7[%swap3A_103, %swap3A_104], %swap3A_107 {strides = array<i32>} : memref<48x128xf32, #tpu.memory_space<vmem>>, vector<1x16xf32>,
      %broadcast_in_dim3A_108 = arith.constant 0.000000e+00 : f32
      %broadcast_in_dim3A_109 = vector.broadcast %broadcast_in_dim3A_108 : f32 to vector<16xf32>
      %swap3A_110 = arith.index_cast %scan3A_95 : i32 to index
      %swap3A_111 = arith.constant 32 : index
      %swap3A_112 = tpu.vector_load %arg7[%swap3A_110, %swap3A_111] {strides = array<i32>} : memref<48x128xf32, #tpu.memory_space<vmem>>, vector<1x16xf32>,
      %swap3A_113 = vector.shape_cast %swap3A_112 : vector<1x16xf32> to vector<16xf32>
      %swap3A_114 = vector.shape_cast %broadcast_in_dim3A_109 : vector<16xf32> to vector<1x16xf32>
      tpu.vector_store %arg7[%swap3A_110, %swap3A_111], %swap3A_114 {strides = array<i32>} : memref<48x128xf32, #tpu.memory_space<vmem>>, vector<1x16xf32>,
      %broadcast_in_dim3A_115 = arith.constant 0.000000e+00 : f32
      %broadcast_in_dim3A_116 = vector.broadcast %broadcast_in_dim3A_115 : f32 to vector<16xf32>
      %swap3A_117 = arith.index_cast %scan3A_95 : i32 to index
      %swap3A_118 = arith.constant 48 : index
      %swap3A_119 = tpu.vector_load %arg7[%swap3A_117, %swap3A_118] {strides = array<i32>} : memref<48x128xf32, #tpu.memory_space<vmem>>, vector<1x16xf32>,
      %swap3A_120 = vector.shape_cast %swap3A_119 : vector<1x16xf32> to vector<16xf32>
      %swap3A_121 = vector.shape_cast %broadcast_in_dim3A_116 : vector<16xf32> to vector<1x16xf32>
      tpu.vector_store %arg7[%swap3A_117, %swap3A_118], %swap3A_121 {strides = array<i32>} : memref<48x128xf32, #tpu.memory_space<vmem>>, vector<1x16xf32>,
      %broadcast_in_dim3A_122 = arith.constant 0.000000e+00 : f32
      %broadcast_in_dim3A_123 = vector.broadcast %broadcast_in_dim3A_122 : f32 to vector<16xf32>
      %swap3A_124 = arith.index_cast %scan3A_95 : i32 to index
      %swap3A_125 = arith.constant 64 : index
      %swap3A_126 = tpu.vector_load %arg7[%swap3A_124, %swap3A_125] {strides = array<i32>} : memref<48x128xf32, #tpu.memory_space<vmem>>, vector<1x16xf32>,
      %swap3A_127 = vector.shape_cast %swap3A_126 : vector<1x16xf32> to vector<16xf32>
      %swap3A_128 = vector.shape_cast %broadcast_in_dim3A_123 : vector<16xf32> to vector<1x16xf32>
      tpu.vector_store %arg7[%swap3A_124, %swap3A_125], %swap3A_128 {strides = array<i32>} : memref<48x128xf32, #tpu.memory_space<vmem>>, vector<1x16xf32>,
      %broadcast_in_dim3A_129 = arith.constant 0.000000e+00 : f32
      %broadcast_in_dim3A_130 = vector.broadcast %broadcast_in_dim3A_129 : f32 to vector<16xf32>
      %swap3A_131 = arith.index_cast %scan3A_95 : i32 to index
      %swap3A_132 = arith.constant 80 : index
      %swap3A_133 = tpu.vector_load %arg7[%swap3A_131, %swap3A_132] {strides = array<i32>} : memref<48x128xf32, #tpu.memory_space<vmem>>, vector<1x16xf32>,
      %swap3A_134 = vector.shape_cast %swap3A_133 : vector<1x16xf32> to vector<16xf32>
      %swap3A_135 = vector.shape_cast %broadcast_in_dim3A_130 : vector<16xf32> to vector<1x16xf32>
      tpu.vector_store %arg7[%swap3A_131, %swap3A_132], %swap3A_135 {strides = array<i32>} : memref<48x128xf32, #tpu.memory_space<vmem>>, vector<1x16xf32>,
      %broadcast_in_dim3A_136 = arith.constant 0.000000e+00 : f32
      %broadcast_in_dim3A_137 = vector.broadcast %broadcast_in_dim3A_136 : f32 to vector<16xf32>
      %swap3A_138 = arith.index_cast %scan3A_95 : i32 to index
      %swap3A_139 = arith.constant 96 : index
      %swap3A_140 = tpu.vector_load %arg7[%swap3A_138, %swap3A_139] {strides = array<i32>} : memref<48x128xf32, #tpu.memory_space<vmem>>, vector<1x16xf32>,
      %swap3A_141 = vector.shape_cast %swap3A_140 : vector<1x16xf32> to vector<16xf32>
      %swap3A_142 = vector.shape_cast %broadcast_in_dim3A_137 : vector<16xf32> to vector<1x16xf32>
      tpu.vector_store %arg7[%swap3A_138, %swap3A_139], %swap3A_142 {strides = array<i32>} : memref<48x128xf32, #tpu.memory_space<vmem>>, vector<1x16xf32>,
      %broadcast_in_dim3A_143 = arith.constant 0.000000e+00 : f32
      %broadcast_in_dim3A_144 = vector.broadcast %broadcast_in_dim3A_143 : f32 to vector<16xf32>
      %swap3A_145 = arith.index_cast %scan3A_95 : i32 to index
      %swap3A_146 = arith.constant 112 : index
      %swap3A_147 = tpu.vector_load %arg7[%swap3A_145, %swap3A_146] {strides = array<i32>} : memref<48x128xf32, #tpu.memory_space<vmem>>, vector<1x16xf32>,
      %swap3A_148 = vector.shape_cast %swap3A_147 : vector<1x16xf32> to vector<16xf32>
      %swap3A_149 = vector.shape_cast %broadcast_in_dim3A_144 : vector<16xf32> to vector<1x16xf32>
      tpu.vector_store %arg7[%swap3A_145, %swap3A_146], %swap3A_149 {strides = array<i32>} : memref<48x128xf32, #tpu.memory_space<vmem>>, vector<1x16xf32>,
    }
    %scan3A_13 = arith.constant 48 : i32
    %mul3A_14 = arith.constant 624 : i32
    %mul3A_15 = arith.muli %arg1, %mul3A_14 : i32
    %add3A_16 = arith.constant 0 : i32
    %add3A_17 = arith.addi %mul3A_15, %add3A_16 : i32
    "tpu.region"() ({
      %run_scoped3A = tpu.sem_alloc : memref<!tpu.dma_semaphore, #tpu.memory_space<semaphore_mem>>
      %dma_start3A = arith.constant 0 : i32
      %dma_start3A_95 = tpu.memref_slice %arg8[%add3A_17, %dma_start3A] : memref<10000x128xf32, #tpu.memory_space<vmem_shared>> -> memref<48x128xf32, #tpu.memory_space<vmem_shared>>
      %dma_start3A_96 = arith.constant 0 : i32
      %dma_start3A_97 = tpu.memref_slice %arg8[%add3A_17, %dma_start3A_96] : memref<10000x128xf32, #tpu.memory_space<vmem_shared>> -> memref<48x128xf32, #tpu.memory_space<vmem_shared>>
      tpu.enqueue_dma source(%arg7 : memref<48x128xf32, #tpu.memory_space<vmem>>) target(%dma_start3A_97 : memref<48x128xf32, #tpu.memory_space<vmem_shared>>) target_semaphore(%run_scoped3A : memref<!tpu.dma_semaphore, #tpu.memory_space<semaphore_mem>>)
      %dma_wait3A = arith.constant 0 : i32
      %dma_wait3A_98 = tpu.memref_slice %arg8[%add3A_17, %dma_wait3A] : memref<10000x128xf32, #tpu.memory_space<vmem_shared>> -> memref<48x128xf32, #tpu.memory_space<vmem_shared>>
      %dma_wait3A_99 = arith.constant 0 : i32
      %dma_wait3A_100 = tpu.memref_slice %arg8[%add3A_17, %dma_wait3A_99] : memref<10000x128xf32, #tpu.memory_space<vmem_shared>> -> memref<48x128xf32, #tpu.memory_space<vmem_shared>>
      tpu.wait_dma2 semaphore(%run_scoped3A : memref<!tpu.dma_semaphore, #tpu.memory_space<semaphore_mem>>) src(%arg7 : memref<48x128xf32, #tpu.memory_space<vmem>>) dst(%dma_wait3A_100 : memref<48x128xf32, #tpu.memory_space<vmem_shared>>)
      tpu.yield
    }) : () -> ()
    %mul3A_18 = arith.constant 624 : i32
    %mul3A_19 = arith.muli %arg1, %mul3A_18 : i32
    %add3A_20 = arith.constant 48 : i32
    %add3A_21 = arith.addi %mul3A_19, %add3A_20 : i32
    "tpu.region"() ({
      %run_scoped3A = tpu.sem_alloc : memref<!tpu.dma_semaphore, #tpu.memory_space<semaphore_mem>>
      %dma_start3A = arith.constant 0 : i32
      %dma_start3A_95 = tpu.memref_slice %arg8[%add3A_21, %dma_start3A] : memref<10000x128xf32, #tpu.memory_space<vmem_shared>> -> memref<48x128xf32, #tpu.memory_space<vmem_shared>>
      %dma_start3A_96 = arith.constant 0 : i32
      %dma_start3A_97 = tpu.memref_slice %arg8[%add3A_21, %dma_start3A_96] : memref<10000x128xf32, #tpu.memory_space<vmem_shared>> -> memref<48x128xf32, #tpu.memory_space<vmem_shared>>
      tpu.enqueue_dma source(%arg7 : memref<48x128xf32, #tpu.memory_space<vmem>>) target(%dma_start3A_97 : memref<48x128xf32, #tpu.memory_space<vmem_shared>>) target_semaphore(%run_scoped3A : memref<!tpu.dma_semaphore, #tpu.memory_space<semaphore_mem>>)
      %dma_wait3A = arith.constant 0 : i32
      %dma_wait3A_98 = tpu.memref_slice %arg8[%add3A_21, %dma_wait3A] : memref<10000x128xf32, #tpu.memory_space<vmem_shared>> -> memref<48x128xf32, #tpu.memory_space<vmem_shared>>
      %dma_wait3A_99 = arith.constant 0 : i32
      %dma_wait3A_100 = tpu.memref_slice %arg8[%add3A_21, %dma_wait3A_99] : memref<10000x128xf32, #tpu.memory_space<vmem_shared>> -> memref<48x128xf32, #tpu.memory_space<vmem_shared>>
      tpu.wait_dma2 semaphore(%run_scoped3A : memref<!tpu.dma_semaphore, #tpu.memory_space<semaphore_mem>>) src(%arg7 : memref<48x128xf32, #tpu.memory_space<vmem>>) dst(%dma_wait3A_100 : memref<48x128xf32, #tpu.memory_space<vmem_shared>>)
      tpu.yield
    }) : () -> ()
    %mul3A_22 = arith.constant 624 : i32
    %mul3A_23 = arith.muli %arg1, %mul3A_22 : i32
    %add3A_24 = arith.constant 96 : i32
    %add3A_25 = arith.addi %mul3A_23, %add3A_24 : i32
    "tpu.region"() ({
      %run_scoped3A = tpu.sem_alloc : memref<!tpu.dma_semaphore, #tpu.memory_space<semaphore_mem>>
      %dma_start3A = arith.constant 0 : i32
      %dma_start3A_95 = tpu.memref_slice %arg8[%add3A_25, %dma_start3A] : memref<10000x128xf32, #tpu.memory_space<vmem_shared>> -> memref<48x128xf32, #tpu.memory_space<vmem_shared>>
      %dma_start3A_96 = arith.constant 0 : i32
      %dma_start3A_97 = tpu.memref_slice %arg8[%add3A_25, %dma_start3A_96] : memref<10000x128xf32, #tpu.memory_space<vmem_shared>> -> memref<48x128xf32, #tpu.memory_space<vmem_shared>>
      tpu.enqueue_dma source(%arg7 : memref<48x128xf32, #tpu.memory_space<vmem>>) target(%dma_start3A_97 : memref<48x128xf32, #tpu.memory_space<vmem_shared>>) target_semaphore(%run_scoped3A : memref<!tpu.dma_semaphore, #tpu.memory_space<semaphore_mem>>)
      %dma_wait3A = arith.constant 0 : i32
      %dma_wait3A_98 = tpu.memref_slice %arg8[%add3A_25, %dma_wait3A] : memref<10000x128xf32, #tpu.memory_space<vmem_shared>> -> memref<48x128xf32, #tpu.memory_space<vmem_shared>>
      %dma_wait3A_99 = arith.constant 0 : i32
      %dma_wait3A_100 = tpu.memref_slice %arg8[%add3A_25, %dma_wait3A_99] : memref<10000x128xf32, #tpu.memory_space<vmem_shared>> -> memref<48x128xf32, #tpu.memory_space<vmem_shared>>
      tpu.wait_dma2 semaphore(%run_scoped3A : memref<!tpu.dma_semaphore, #tpu.memory_space<semaphore_mem>>) src(%arg7 : memref<48x128xf32, #tpu.memory_space<vmem>>) dst(%dma_wait3A_100 : memref<48x128xf32, #tpu.memory_space<vmem_shared>>)
      tpu.yield
    }) : () -> ()
    %mul3A_26 = arith.constant 624 : i32
    %mul3A_27 = arith.muli %arg1, %mul3A_26 : i32
    %add3A_28 = arith.constant 144 : i32
    %add3A_29 = arith.addi %mul3A_27, %add3A_28 : i32
    "tpu.region"() ({
      %run_scoped3A = tpu.sem_alloc : memref<!tpu.dma_semaphore, #tpu.memory_space<semaphore_mem>>
      %dma_start3A = arith.constant 0 : i32
      %dma_start3A_95 = tpu.memref_slice %arg8[%add3A_29, %dma_start3A] : memref<10000x128xf32, #tpu.memory_space<vmem_shared>> -> memref<48x128xf32, #tpu.memory_space<vmem_shared>>
      %dma_start3A_96 = arith.constant 0 : i32
      %dma_start3A_97 = tpu.memref_slice %arg8[%add3A_29, %dma_start3A_96] : memref<10000x128xf32, #tpu.memory_space<vmem_shared>> -> memref<48x128xf32, #tpu.memory_space<vmem_shared>>
      tpu.enqueue_dma source(%arg7 : memref<48x128xf32, #tpu.memory_space<vmem>>) target(%dma_start3A_97 : memref<48x128xf32, #tpu.memory_space<vmem_shared>>) target_semaphore(%run_scoped3A : memref<!tpu.dma_semaphore, #tpu.memory_space<semaphore_mem>>)
      %dma_wait3A = arith.constant 0 : i32
      %dma_wait3A_98 = tpu.memref_slice %arg8[%add3A_29, %dma_wait3A] : memref<10000x128xf32, #tpu.memory_space<vmem_shared>> -> memref<48x128xf32, #tpu.memory_space<vmem_shared>>
      %dma_wait3A_99 = arith.constant 0 : i32
      %dma_wait3A_100 = tpu.memref_slice %arg8[%add3A_29, %dma_wait3A_99] : memref<10000x128xf32, #tpu.memory_space<vmem_shared>> -> memref<48x128xf32, #tpu.memory_space<vmem_shared>>
      tpu.wait_dma2 semaphore(%run_scoped3A : memref<!tpu.dma_semaphore, #tpu.memory_space<semaphore_mem>>) src(%arg7 : memref<48x128xf32, #tpu.memory_space<vmem>>) dst(%dma_wait3A_100 : memref<48x128xf32, #tpu.memory_space<vmem_shared>>)
      tpu.yield
    }) : () -> ()
    %mul3A_30 = arith.constant 624 : i32
    %mul3A_31 = arith.muli %arg1, %mul3A_30 : i32
    %add3A_32 = arith.constant 192 : i32
    %add3A_33 = arith.addi %mul3A_31, %add3A_32 : i32
    "tpu.region"() ({
      %run_scoped3A = tpu.sem_alloc : memref<!tpu.dma_semaphore, #tpu.memory_space<semaphore_mem>>
      %dma_start3A = arith.constant 0 : i32
      %dma_start3A_95 = tpu.memref_slice %arg8[%add3A_33, %dma_start3A] : memref<10000x128xf32, #tpu.memory_space<vmem_shared>> -> memref<48x128xf32, #tpu.memory_space<vmem_shared>>
      %dma_start3A_96 = arith.constant 0 : i32
      %dma_start3A_97 = tpu.memref_slice %arg8[%add3A_33, %dma_start3A_96] : memref<10000x128xf32, #tpu.memory_space<vmem_shared>> -> memref<48x128xf32, #tpu.memory_space<vmem_shared>>
      tpu.enqueue_dma source(%arg7 : memref<48x128xf32, #tpu.memory_space<vmem>>) target(%dma_start3A_97 : memref<48x128xf32, #tpu.memory_space<vmem_shared>>) target_semaphore(%run_scoped3A : memref<!tpu.dma_semaphore, #tpu.memory_space<semaphore_mem>>)
      %dma_wait3A = arith.constant 0 : i32
      %dma_wait3A_98 = tpu.memref_slice %arg8[%add3A_33, %dma_wait3A] : memref<10000x128xf32, #tpu.memory_space<vmem_shared>> -> memref<48x128xf32, #tpu.memory_space<vmem_shared>>
      %dma_wait3A_99 = arith.constant 0 : i32
      %dma_wait3A_100 = tpu.memref_slice %arg8[%add3A_33, %dma_wait3A_99] : memref<10000x128xf32, #tpu.memory_space<vmem_shared>> -> memref<48x128xf32, #tpu.memory_space<vmem_shared>>
      tpu.wait_dma2 semaphore(%run_scoped3A : memref<!tpu.dma_semaphore, #tpu.memory_space<semaphore_mem>>) src(%arg7 : memref<48x128xf32, #tpu.memory_space<vmem>>) dst(%dma_wait3A_100 : memref<48x128xf32, #tpu.memory_space<vmem_shared>>)
      tpu.yield
    }) : () -> ()
    %mul3A_34 = arith.constant 624 : i32
    %mul3A_35 = arith.muli %arg1, %mul3A_34 : i32
    %add3A_36 = arith.constant 240 : i32
    %add3A_37 = arith.addi %mul3A_35, %add3A_36 : i32
    "tpu.region"() ({
      %run_scoped3A = tpu.sem_alloc : memref<!tpu.dma_semaphore, #tpu.memory_space<semaphore_mem>>
      %dma_start3A = arith.constant 0 : i32
      %dma_start3A_95 = tpu.memref_slice %arg8[%add3A_37, %dma_start3A] : memref<10000x128xf32, #tpu.memory_space<vmem_shared>> -> memref<48x128xf32, #tpu.memory_space<vmem_shared>>
      %dma_start3A_96 = arith.constant 0 : i32
      %dma_start3A_97 = tpu.memref_slice %arg8[%add3A_37, %dma_start3A_96] : memref<10000x128xf32, #tpu.memory_space<vmem_shared>> -> memref<48x128xf32, #tpu.memory_space<vmem_shared>>
      tpu.enqueue_dma source(%arg7 : memref<48x128xf32, #tpu.memory_space<vmem>>) target(%dma_start3A_97 : memref<48x128xf32, #tpu.memory_space<vmem_shared>>) target_semaphore(%run_scoped3A : memref<!tpu.dma_semaphore, #tpu.memory_space<semaphore_mem>>)
      %dma_wait3A = arith.constant 0 : i32
      %dma_wait3A_98 = tpu.memref_slice %arg8[%add3A_37, %dma_wait3A] : memref<10000x128xf32, #tpu.memory_space<vmem_shared>> -> memref<48x128xf32, #tpu.memory_space<vmem_shared>>
      %dma_wait3A_99 = arith.constant 0 : i32
      %dma_wait3A_100 = tpu.memref_slice %arg8[%add3A_37, %dma_wait3A_99] : memref<10000x128xf32, #tpu.memory_space<vmem_shared>> -> memref<48x128xf32, #tpu.memory_space<vmem_shared>>
      tpu.wait_dma2 semaphore(%run_scoped3A : memref<!tpu.dma_semaphore, #tpu.memory_space<semaphore_mem>>) src(%arg7 : memref<48x128xf32, #tpu.memory_space<vmem>>) dst(%dma_wait3A_100 : memref<48x128xf32, #tpu.memory_space<vmem_shared>>)
      tpu.yield
    }) : () -> ()
    %mul3A_38 = arith.constant 624 : i32
    %mul3A_39 = arith.muli %arg1, %mul3A_38 : i32
    %add3A_40 = arith.constant 288 : i32
    %add3A_41 = arith.addi %mul3A_39, %add3A_40 : i32
    "tpu.region"() ({
      %run_scoped3A = tpu.sem_alloc : memref<!tpu.dma_semaphore, #tpu.memory_space<semaphore_mem>>
      %dma_start3A = arith.constant 0 : i32
      %dma_start3A_95 = tpu.memref_slice %arg8[%add3A_41, %dma_start3A] : memref<10000x128xf32, #tpu.memory_space<vmem_shared>> -> memref<48x128xf32, #tpu.memory_space<vmem_shared>>
      %dma_start3A_96 = arith.constant 0 : i32
      %dma_start3A_97 = tpu.memref_slice %arg8[%add3A_41, %dma_start3A_96] : memref<10000x128xf32, #tpu.memory_space<vmem_shared>> -> memref<48x128xf32, #tpu.memory_space<vmem_shared>>
      tpu.enqueue_dma source(%arg7 : memref<48x128xf32, #tpu.memory_space<vmem>>) target(%dma_start3A_97 : memref<48x128xf32, #tpu.memory_space<vmem_shared>>) target_semaphore(%run_scoped3A : memref<!tpu.dma_semaphore, #tpu.memory_space<semaphore_mem>>)
      %dma_wait3A = arith.constant 0 : i32
      %dma_wait3A_98 = tpu.memref_slice %arg8[%add3A_41, %dma_wait3A] : memref<10000x128xf32, #tpu.memory_space<vmem_shared>> -> memref<48x128xf32, #tpu.memory_space<vmem_shared>>
      %dma_wait3A_99 = arith.constant 0 : i32
      %dma_wait3A_100 = tpu.memref_slice %arg8[%add3A_41, %dma_wait3A_99] : memref<10000x128xf32, #tpu.memory_space<vmem_shared>> -> memref<48x128xf32, #tpu.memory_space<vmem_shared>>
      tpu.wait_dma2 semaphore(%run_scoped3A : memref<!tpu.dma_semaphore, #tpu.memory_space<semaphore_mem>>) src(%arg7 : memref<48x128xf32, #tpu.memory_space<vmem>>) dst(%dma_wait3A_100 : memref<48x128xf32, #tpu.memory_space<vmem_shared>>)
      tpu.yield
    }) : () -> ()
    %mul3A_42 = arith.constant 624 : i32
    %mul3A_43 = arith.muli %arg1, %mul3A_42 : i32
    %add3A_44 = arith.constant 336 : i32
    %add3A_45 = arith.addi %mul3A_43, %add3A_44 : i32
    "tpu.region"() ({
      %run_scoped3A = tpu.sem_alloc : memref<!tpu.dma_semaphore, #tpu.memory_space<semaphore_mem>>
      %dma_start3A = arith.constant 0 : i32
      %dma_start3A_95 = tpu.memref_slice %arg8[%add3A_45, %dma_start3A] : memref<10000x128xf32, #tpu.memory_space<vmem_shared>> -> memref<48x128xf32, #tpu.memory_space<vmem_shared>>
      %dma_start3A_96 = arith.constant 0 : i32
      %dma_start3A_97 = tpu.memref_slice %arg8[%add3A_45, %dma_start3A_96] : memref<10000x128xf32, #tpu.memory_space<vmem_shared>> -> memref<48x128xf32, #tpu.memory_space<vmem_shared>>
      tpu.enqueue_dma source(%arg7 : memref<48x128xf32, #tpu.memory_space<vmem>>) target(%dma_start3A_97 : memref<48x128xf32, #tpu.memory_space<vmem_shared>>) target_semaphore(%run_scoped3A : memref<!tpu.dma_semaphore, #tpu.memory_space<semaphore_mem>>)
      %dma_wait3A = arith.constant 0 : i32
      %dma_wait3A_98 = tpu.memref_slice %arg8[%add3A_45, %dma_wait3A] : memref<10000x128xf32, #tpu.memory_space<vmem_shared>> -> memref<48x128xf32, #tpu.memory_space<vmem_shared>>
      %dma_wait3A_99 = arith.constant 0 : i32
      %dma_wait3A_100 = tpu.memref_slice %arg8[%add3A_45, %dma_wait3A_99] : memref<10000x128xf32, #tpu.memory_space<vmem_shared>> -> memref<48x128xf32, #tpu.memory_space<vmem_shared>>
      tpu.wait_dma2 semaphore(%run_scoped3A : memref<!tpu.dma_semaphore, #tpu.memory_space<semaphore_mem>>) src(%arg7 : memref<48x128xf32, #tpu.memory_space<vmem>>) dst(%dma_wait3A_100 : memref<48x128xf32, #tpu.memory_space<vmem_shared>>)
      tpu.yield
    }) : () -> ()
    %mul3A_46 = arith.constant 624 : i32
    %mul3A_47 = arith.muli %arg1, %mul3A_46 : i32
    %add3A_48 = arith.constant 384 : i32
    %add3A_49 = arith.addi %mul3A_47, %add3A_48 : i32
    "tpu.region"() ({
      %run_scoped3A = tpu.sem_alloc : memref<!tpu.dma_semaphore, #tpu.memory_space<semaphore_mem>>
      %dma_start3A = arith.constant 0 : i32
      %dma_start3A_95 = tpu.memref_slice %arg8[%add3A_49, %dma_start3A] : memref<10000x128xf32, #tpu.memory_space<vmem_shared>> -> memref<48x128xf32, #tpu.memory_space<vmem_shared>>
      %dma_start3A_96 = arith.constant 0 : i32
      %dma_start3A_97 = tpu.memref_slice %arg8[%add3A_49, %dma_start3A_96] : memref<10000x128xf32, #tpu.memory_space<vmem_shared>> -> memref<48x128xf32, #tpu.memory_space<vmem_shared>>
      tpu.enqueue_dma source(%arg7 : memref<48x128xf32, #tpu.memory_space<vmem>>) target(%dma_start3A_97 : memref<48x128xf32, #tpu.memory_space<vmem_shared>>) target_semaphore(%run_scoped3A : memref<!tpu.dma_semaphore, #tpu.memory_space<semaphore_mem>>)
      %dma_wait3A = arith.constant 0 : i32
      %dma_wait3A_98 = tpu.memref_slice %arg8[%add3A_49, %dma_wait3A] : memref<10000x128xf32, #tpu.memory_space<vmem_shared>> -> memref<48x128xf32, #tpu.memory_space<vmem_shared>>
      %dma_wait3A_99 = arith.constant 0 : i32
      %dma_wait3A_100 = tpu.memref_slice %arg8[%add3A_49, %dma_wait3A_99] : memref<10000x128xf32, #tpu.memory_space<vmem_shared>> -> memref<48x128xf32, #tpu.memory_space<vmem_shared>>
      tpu.wait_dma2 semaphore(%run_scoped3A : memref<!tpu.dma_semaphore, #tpu.memory_space<semaphore_mem>>) src(%arg7 : memref<48x128xf32, #tpu.memory_space<vmem>>) dst(%dma_wait3A_100 : memref<48x128xf32, #tpu.memory_space<vmem_shared>>)
      tpu.yield
    }) : () -> ()
    %mul3A_50 = arith.constant 624 : i32
    %mul3A_51 = arith.muli %arg1, %mul3A_50 : i32
    %add3A_52 = arith.constant 432 : i32
    %add3A_53 = arith.addi %mul3A_51, %add3A_52 : i32
    "tpu.region"() ({
      %run_scoped3A = tpu.sem_alloc : memref<!tpu.dma_semaphore, #tpu.memory_space<semaphore_mem>>
      %dma_start3A = arith.constant 0 : i32
      %dma_start3A_95 = tpu.memref_slice %arg8[%add3A_53, %dma_start3A] : memref<10000x128xf32, #tpu.memory_space<vmem_shared>> -> memref<48x128xf32, #tpu.memory_space<vmem_shared>>
      %dma_start3A_96 = arith.constant 0 : i32
      %dma_start3A_97 = tpu.memref_slice %arg8[%add3A_53, %dma_start3A_96] : memref<10000x128xf32, #tpu.memory_space<vmem_shared>> -> memref<48x128xf32, #tpu.memory_space<vmem_shared>>
      tpu.enqueue_dma source(%arg7 : memref<48x128xf32, #tpu.memory_space<vmem>>) target(%dma_start3A_97 : memref<48x128xf32, #tpu.memory_space<vmem_shared>>) target_semaphore(%run_scoped3A : memref<!tpu.dma_semaphore, #tpu.memory_space<semaphore_mem>>)
      %dma_wait3A = arith.constant 0 : i32
      %dma_wait3A_98 = tpu.memref_slice %arg8[%add3A_53, %dma_wait3A] : memref<10000x128xf32, #tpu.memory_space<vmem_shared>> -> memref<48x128xf32, #tpu.memory_space<vmem_shared>>
      %dma_wait3A_99 = arith.constant 0 : i32
      %dma_wait3A_100 = tpu.memref_slice %arg8[%add3A_53, %dma_wait3A_99] : memref<10000x128xf32, #tpu.memory_space<vmem_shared>> -> memref<48x128xf32, #tpu.memory_space<vmem_shared>>
      tpu.wait_dma2 semaphore(%run_scoped3A : memref<!tpu.dma_semaphore, #tpu.memory_space<semaphore_mem>>) src(%arg7 : memref<48x128xf32, #tpu.memory_space<vmem>>) dst(%dma_wait3A_100 : memref<48x128xf32, #tpu.memory_space<vmem_shared>>)
      tpu.yield
    }) : () -> ()
    %mul3A_54 = arith.constant 624 : i32
    %mul3A_55 = arith.muli %arg1, %mul3A_54 : i32
    %add3A_56 = arith.constant 480 : i32
    %add3A_57 = arith.addi %mul3A_55, %add3A_56 : i32
    "tpu.region"() ({
      %run_scoped3A = tpu.sem_alloc : memref<!tpu.dma_semaphore, #tpu.memory_space<semaphore_mem>>
      %dma_start3A = arith.constant 0 : i32
      %dma_start3A_95 = tpu.memref_slice %arg8[%add3A_57, %dma_start3A] : memref<10000x128xf32, #tpu.memory_space<vmem_shared>> -> memref<48x128xf32, #tpu.memory_space<vmem_shared>>
      %dma_start3A_96 = arith.constant 0 : i32
      %dma_start3A_97 = tpu.memref_slice %arg8[%add3A_57, %dma_start3A_96] : memref<10000x128xf32, #tpu.memory_space<vmem_shared>> -> memref<48x128xf32, #tpu.memory_space<vmem_shared>>
      tpu.enqueue_dma source(%arg7 : memref<48x128xf32, #tpu.memory_space<vmem>>) target(%dma_start3A_97 : memref<48x128xf32, #tpu.memory_space<vmem_shared>>) target_semaphore(%run_scoped3A : memref<!tpu.dma_semaphore, #tpu.memory_space<semaphore_mem>>)
      %dma_wait3A = arith.constant 0 : i32
      %dma_wait3A_98 = tpu.memref_slice %arg8[%add3A_57, %dma_wait3A] : memref<10000x128xf32, #tpu.memory_space<vmem_shared>> -> memref<48x128xf32, #tpu.memory_space<vmem_shared>>
      %dma_wait3A_99 = arith.constant 0 : i32
      %dma_wait3A_100 = tpu.memref_slice %arg8[%add3A_57, %dma_wait3A_99] : memref<10000x128xf32, #tpu.memory_space<vmem_shared>> -> memref<48x128xf32, #tpu.memory_space<vmem_shared>>
      tpu.wait_dma2 semaphore(%run_scoped3A : memref<!tpu.dma_semaphore, #tpu.memory_space<semaphore_mem>>) src(%arg7 : memref<48x128xf32, #tpu.memory_space<vmem>>) dst(%dma_wait3A_100 : memref<48x128xf32, #tpu.memory_space<vmem_shared>>)
      tpu.yield
    }) : () -> ()
    %mul3A_58 = arith.constant 624 : i32
    %mul3A_59 = arith.muli %arg1, %mul3A_58 : i32
    %add3A_60 = arith.constant 528 : i32
    %add3A_61 = arith.addi %mul3A_59, %add3A_60 : i32
    "tpu.region"() ({
      %run_scoped3A = tpu.sem_alloc : memref<!tpu.dma_semaphore, #tpu.memory_space<semaphore_mem>>
      %dma_start3A = arith.constant 0 : i32
      %dma_start3A_95 = tpu.memref_slice %arg8[%add3A_61, %dma_start3A] : memref<10000x128xf32, #tpu.memory_space<vmem_shared>> -> memref<48x128xf32, #tpu.memory_space<vmem_shared>>
      %dma_start3A_96 = arith.constant 0 : i32
      %dma_start3A_97 = tpu.memref_slice %arg8[%add3A_61, %dma_start3A_96] : memref<10000x128xf32, #tpu.memory_space<vmem_shared>> -> memref<48x128xf32, #tpu.memory_space<vmem_shared>>
      tpu.enqueue_dma source(%arg7 : memref<48x128xf32, #tpu.memory_space<vmem>>) target(%dma_start3A_97 : memref<48x128xf32, #tpu.memory_space<vmem_shared>>) target_semaphore(%run_scoped3A : memref<!tpu.dma_semaphore, #tpu.memory_space<semaphore_mem>>)
      %dma_wait3A = arith.constant 0 : i32
      %dma_wait3A_98 = tpu.memref_slice %arg8[%add3A_61, %dma_wait3A] : memref<10000x128xf32, #tpu.memory_space<vmem_shared>> -> memref<48x128xf32, #tpu.memory_space<vmem_shared>>
      %dma_wait3A_99 = arith.constant 0 : i32
      %dma_wait3A_100 = tpu.memref_slice %arg8[%add3A_61, %dma_wait3A_99] : memref<10000x128xf32, #tpu.memory_space<vmem_shared>> -> memref<48x128xf32, #tpu.memory_space<vmem_shared>>
      tpu.wait_dma2 semaphore(%run_scoped3A : memref<!tpu.dma_semaphore, #tpu.memory_space<semaphore_mem>>) src(%arg7 : memref<48x128xf32, #tpu.memory_space<vmem>>) dst(%dma_wait3A_100 : memref<48x128xf32, #tpu.memory_space<vmem_shared>>)
      tpu.yield
    }) : () -> ()
    %mul3A_62 = arith.constant 624 : i32
    %mul3A_63 = arith.muli %arg1, %mul3A_62 : i32
    %add3A_64 = arith.constant 576 : i32
    %add3A_65 = arith.addi %mul3A_63, %add3A_64 : i32
    "tpu.region"() ({
      %run_scoped3A = tpu.sem_alloc : memref<!tpu.dma_semaphore, #tpu.memory_space<semaphore_mem>>
      %dma_start3A = arith.constant 0 : i32
      %dma_start3A_95 = tpu.memref_slice %arg8[%add3A_65, %dma_start3A] : memref<10000x128xf32, #tpu.memory_space<vmem_shared>> -> memref<48x128xf32, #tpu.memory_space<vmem_shared>>
      %dma_start3A_96 = arith.constant 0 : i32
      %dma_start3A_97 = tpu.memref_slice %arg8[%add3A_65, %dma_start3A_96] : memref<10000x128xf32, #tpu.memory_space<vmem_shared>> -> memref<48x128xf32, #tpu.memory_space<vmem_shared>>
      tpu.enqueue_dma source(%arg7 : memref<48x128xf32, #tpu.memory_space<vmem>>) target(%dma_start3A_97 : memref<48x128xf32, #tpu.memory_space<vmem_shared>>) target_semaphore(%run_scoped3A : memref<!tpu.dma_semaphore, #tpu.memory_space<semaphore_mem>>)
      %dma_wait3A = arith.constant 0 : i32
      %dma_wait3A_98 = tpu.memref_slice %arg8[%add3A_65, %dma_wait3A] : memref<10000x128xf32, #tpu.memory_space<vmem_shared>> -> memref<48x128xf32, #tpu.memory_space<vmem_shared>>
      %dma_wait3A_99 = arith.constant 0 : i32
      %dma_wait3A_100 = tpu.memref_slice %arg8[%add3A_65, %dma_wait3A_99] : memref<10000x128xf32, #tpu.memory_space<vmem_shared>> -> memref<48x128xf32, #tpu.memory_space<vmem_shared>>
      tpu.wait_dma2 semaphore(%run_scoped3A : memref<!tpu.dma_semaphore, #tpu.memory_space<semaphore_mem>>) src(%arg7 : memref<48x128xf32, #tpu.memory_space<vmem>>) dst(%dma_wait3A_100 : memref<48x128xf32, #tpu.memory_space<vmem_shared>>)
      tpu.yield
    }) : () -> ()
    %eq3A = arith.constant 15 : i32
    %eq3A_66 = arith.cmpi eq, %arg1, %eq3A : i32
    %convert_element_type3A = arith.extui %eq3A_66 : i1 to i32
    %cond3A = arith.constant 0 : i32
    %cond3A_67 = arith.cmpi ne, %convert_element_type3A, %cond3A : i32
    scf.if %cond3A_67 {
      "tpu.region"() ({
        %run_scoped3A = tpu.sem_alloc : memref<!tpu.dma_semaphore, #tpu.memory_space<semaphore_mem>>
        %dma_start3A = arith.constant 0 : i32
        %dma_start3A_95 = arith.constant 0 : i32
        %dma_start3A_96 = tpu.memref_slice %arg7[%dma_start3A, %dma_start3A_95] : memref<48x128xf32, #tpu.memory_space<vmem>> -> memref<16x128xf32, #tpu.memory_space<vmem>>
        %dma_start3A_97 = arith.constant 9984 : i32
        %dma_start3A_98 = arith.constant 0 : i32
        %dma_start3A_99 = tpu.memref_slice %arg8[%dma_start3A_97, %dma_start3A_98] : memref<10000x128xf32, #tpu.memory_space<vmem_shared>> -> memref<16x128xf32, #tpu.memory_space<vmem_shared>>
        %dma_start3A_100 = arith.constant 9984 : i32
        %dma_start3A_101 = arith.constant 0 : i32
        %dma_start3A_102 = tpu.memref_slice %arg8[%dma_start3A_100, %dma_start3A_101] : memref<10000x128xf32, #tpu.memory_space<vmem_shared>> -> memref<16x128xf32, #tpu.memory_space<vmem_shared>>
        %dma_start3A_103 = arith.constant 0 : i32
        %dma_start3A_104 = arith.constant 0 : i32
        %dma_start3A_105 = tpu.memref_slice %arg7[%dma_start3A_103, %dma_start3A_104] : memref<48x128xf32, #tpu.memory_space<vmem>> -> memref<16x128xf32, #tpu.memory_space<vmem>>
        tpu.enqueue_dma source(%dma_start3A_105 : memref<16x128xf32, #tpu.memory_space<vmem>>) target(%dma_start3A_102 : memref<16x128xf32, #tpu.memory_space<vmem_shared>>) target_semaphore(%run_scoped3A : memref<!tpu.dma_semaphore, #tpu.memory_space<semaphore_mem>>)
        %dma_wait3A = arith.constant 0 : i32
        %dma_wait3A_106 = arith.constant 0 : i32
        %dma_wait3A_107 = tpu.memref_slice %arg7[%dma_wait3A, %dma_wait3A_106] : memref<48x128xf32, #tpu.memory_space<vmem>> -> memref<16x128xf32, #tpu.memory_space<vmem>>
        %dma_wait3A_108 = arith.constant 9984 : i32
        %dma_wait3A_109 = arith.constant 0 : i32
        %dma_wait3A_110 = tpu.memref_slice %arg8[%dma_wait3A_108, %dma_wait3A_109] : memref<10000x128xf32, #tpu.memory_space<vmem_shared>> -> memref<16x128xf32, #tpu.memory_space<vmem_shared>>
        %dma_wait3A_111 = arith.constant 9984 : i32
        %dma_wait3A_112 = arith.constant 0 : i32
        %dma_wait3A_113 = tpu.memref_slice %arg8[%dma_wait3A_111, %dma_wait3A_112] : memref<10000x128xf32, #tpu.memory_space<vmem_shared>> -> memref<16x128xf32, #tpu.memory_space<vmem_shared>>
        %dma_wait3A_114 = arith.constant 0 : i32
        %dma_wait3A_115 = arith.constant 0 : i32
        %dma_wait3A_116 = tpu.memref_slice %arg7[%dma_wait3A_114, %dma_wait3A_115] : memref<48x128xf32, #tpu.memory_space<vmem>> -> memref<16x128xf32, #tpu.memory_space<vmem>>
        tpu.wait_dma2 semaphore(%run_scoped3A : memref<!tpu.dma_semaphore, #tpu.memory_space<semaphore_mem>>) src(%dma_wait3A_116 : memref<16x128xf32, #tpu.memory_space<vmem>>) dst(%dma_wait3A_113 : memref<16x128xf32, #tpu.memory_space<vmem_shared>>)
        tpu.yield
      }) : () -> ()
    } else {
    }
    %barrier3A = arith.constant 0 : index
    tpu.barrier barrier_id(%barrier3A)
    %eq3A_68 = arith.constant 15 : i32
    %eq3A_69 = arith.cmpi eq, %arg1, %eq3A_68 : i32
    %jit3A = arith.constant 1 : i32
    %jit3A_70 = arith.constant 0 : i32
    %select_n3A = arith.select %eq3A_69, %jit3A, %jit3A_70 : i32
    %add3A_71 = arith.constant 39 : i32
    %add3A_72 = arith.addi %add3A_71, %select_n3A : i32
    %while3A = arith.constant 0 : i32
    %while3A_73 = arith.constant 0 : i32
    %while3A_74 = arith.subi %add3A_72, %while3A_73 : i32
    %while3A_75 = arith.addi %while3A_73, %while3A_74 : i32
    %while3A_76 = arith.constant 1 : i32
    %while3A_77 = arith.divsi %while3A_74, %while3A_76 : i32
    %while3A_78 = arith.muli %while3A_77, %while3A_76 : i32
    %while3A_79 = arith.addi %while3A_73, %while3A_78 : i32
    %while3A_80 = arith.constant 1 : i32
    scf.for %while3A_95 = %while3A_73 to %while3A_79 step %while3A_80  : i32 {
      %mul3A_96 = arith.constant 128 : i32
      %mul3A_97 = arith.muli %while3A_95, %mul3A_96 : i32
      %add3A_98 = arith.constant 0 : i32
      %add3A_99 = arith.addi %mul3A_97, %add3A_98 : i32
      %get3A = arith.index_cast %add3A_99 : i32 to index
      %get3A_100 = tpu.vector_load %arg4[%get3A] {strides = array<i32>} : memref<5120xi32, #tpu.memory_space<vmem>>, vector<16xi32>,
      %get3A_101 = vector.shape_cast %get3A_100 : vector<16xi32> to vector<16xi32>
      %swap3A = arith.constant 0 : index
      %swap3A_102 = tpu.vector_load %arg5[%swap3A] {strides = array<i32>} : memref<128xi32, #tpu.memory_space<vmem>>, vector<16xi32>,
      %swap3A_103 = vector.shape_cast %swap3A_102 : vector<16xi32> to vector<16xi32>
      %swap3A_104 = vector.shape_cast %get3A_101 : vector<16xi32> to vector<16xi32>
      tpu.vector_store %arg5[%swap3A], %swap3A_104 {strides = array<i32>} : memref<128xi32, #tpu.memory_space<vmem>>, vector<16xi32>,
      %mul3A_105 = arith.constant 128 : i32
      %mul3A_106 = arith.muli %while3A_95, %mul3A_105 : i32
      %add3A_107 = arith.constant 16 : i32
      %add3A_108 = arith.addi %mul3A_106, %add3A_107 : i32
      %get3A_109 = arith.index_cast %add3A_108 : i32 to index
      %get3A_110 = tpu.vector_load %arg4[%get3A_109] {strides = array<i32>} : memref<5120xi32, #tpu.memory_space<vmem>>, vector<16xi32>,
      %get3A_111 = vector.shape_cast %get3A_110 : vector<16xi32> to vector<16xi32>
      %swap3A_112 = arith.constant 16 : index
      %swap3A_113 = tpu.vector_load %arg5[%swap3A_112] {strides = array<i32>} : memref<128xi32, #tpu.memory_space<vmem>>, vector<16xi32>,
      %swap3A_114 = vector.shape_cast %swap3A_113 : vector<16xi32> to vector<16xi32>
      %swap3A_115 = vector.shape_cast %get3A_111 : vector<16xi32> to vector<16xi32>
      tpu.vector_store %arg5[%swap3A_112], %swap3A_115 {strides = array<i32>} : memref<128xi32, #tpu.memory_space<vmem>>, vector<16xi32>,
      %mul3A_116 = arith.constant 128 : i32
      %mul3A_117 = arith.muli %while3A_95, %mul3A_116 : i32
      %add3A_118 = arith.constant 32 : i32
      %add3A_119 = arith.addi %mul3A_117, %add3A_118 : i32
      %get3A_120 = arith.index_cast %add3A_119 : i32 to index
      %get3A_121 = tpu.vector_load %arg4[%get3A_120] {strides = array<i32>} : memref<5120xi32, #tpu.memory_space<vmem>>, vector<16xi32>,
      %get3A_122 = vector.shape_cast %get3A_121 : vector<16xi32> to vector<16xi32>
      %swap3A_123 = arith.constant 32 : index
      %swap3A_124 = tpu.vector_load %arg5[%swap3A_123] {strides = array<i32>} : memref<128xi32, #tpu.memory_space<vmem>>, vector<16xi32>,
      %swap3A_125 = vector.shape_cast %swap3A_124 : vector<16xi32> to vector<16xi32>
      %swap3A_126 = vector.shape_cast %get3A_122 : vector<16xi32> to vector<16xi32>
      tpu.vector_store %arg5[%swap3A_123], %swap3A_126 {strides = array<i32>} : memref<128xi32, #tpu.memory_space<vmem>>, vector<16xi32>,
      %mul3A_127 = arith.constant 128 : i32
      %mul3A_128 = arith.muli %while3A_95, %mul3A_127 : i32
      %add3A_129 = arith.constant 48 : i32
      %add3A_130 = arith.addi %mul3A_128, %add3A_129 : i32
      %get3A_131 = arith.index_cast %add3A_130 : i32 to index
      %get3A_132 = tpu.vector_load %arg4[%get3A_131] {strides = array<i32>} : memref<5120xi32, #tpu.memory_space<vmem>>, vector<16xi32>,
      %get3A_133 = vector.shape_cast %get3A_132 : vector<16xi32> to vector<16xi32>
      %swap3A_134 = arith.constant 48 : index
      %swap3A_135 = tpu.vector_load %arg5[%swap3A_134] {strides = array<i32>} : memref<128xi32, #tpu.memory_space<vmem>>, vector<16xi32>,
      %swap3A_136 = vector.shape_cast %swap3A_135 : vector<16xi32> to vector<16xi32>
      %swap3A_137 = vector.shape_cast %get3A_133 : vector<16xi32> to vector<16xi32>
      tpu.vector_store %arg5[%swap3A_134], %swap3A_137 {strides = array<i32>} : memref<128xi32, #tpu.memory_space<vmem>>, vector<16xi32>,
      %mul3A_138 = arith.constant 128 : i32
      %mul3A_139 = arith.muli %while3A_95, %mul3A_138 : i32
      %add3A_140 = arith.constant 64 : i32
      %add3A_141 = arith.addi %mul3A_139, %add3A_140 : i32
      %get3A_142 = arith.index_cast %add3A_141 : i32 to index
      %get3A_143 = tpu.vector_load %arg4[%get3A_142] {strides = array<i32>} : memref<5120xi32, #tpu.memory_space<vmem>>, vector<16xi32>,
      %get3A_144 = vector.shape_cast %get3A_143 : vector<16xi32> to vector<16xi32>
      %swap3A_145 = arith.constant 64 : index
      %swap3A_146 = tpu.vector_load %arg5[%swap3A_145] {strides = array<i32>} : memref<128xi32, #tpu.memory_space<vmem>>, vector<16xi32>,
      %swap3A_147 = vector.shape_cast %swap3A_146 : vector<16xi32> to vector<16xi32>
      %swap3A_148 = vector.shape_cast %get3A_144 : vector<16xi32> to vector<16xi32>
      tpu.vector_store %arg5[%swap3A_145], %swap3A_148 {strides = array<i32>} : memref<128xi32, #tpu.memory_space<vmem>>, vector<16xi32>,
      %mul3A_149 = arith.constant 128 : i32
      %mul3A_150 = arith.muli %while3A_95, %mul3A_149 : i32
      %add3A_151 = arith.constant 80 : i32
      %add3A_152 = arith.addi %mul3A_150, %add3A_151 : i32
      %get3A_153 = arith.index_cast %add3A_152 : i32 to index
      %get3A_154 = tpu.vector_load %arg4[%get3A_153] {strides = array<i32>} : memref<5120xi32, #tpu.memory_space<vmem>>, vector<16xi32>,
      %get3A_155 = vector.shape_cast %get3A_154 : vector<16xi32> to vector<16xi32>
      %swap3A_156 = arith.constant 80 : index
      %swap3A_157 = tpu.vector_load %arg5[%swap3A_156] {strides = array<i32>} : memref<128xi32, #tpu.memory_space<vmem>>, vector<16xi32>,
      %swap3A_158 = vector.shape_cast %swap3A_157 : vector<16xi32> to vector<16xi32>
      %swap3A_159 = vector.shape_cast %get3A_155 : vector<16xi32> to vector<16xi32>
      tpu.vector_store %arg5[%swap3A_156], %swap3A_159 {strides = array<i32>} : memref<128xi32, #tpu.memory_space<vmem>>, vector<16xi32>,
      %mul3A_160 = arith.constant 128 : i32
      %mul3A_161 = arith.muli %while3A_95, %mul3A_160 : i32
      %add3A_162 = arith.constant 96 : i32
      %add3A_163 = arith.addi %mul3A_161, %add3A_162 : i32
      %get3A_164 = arith.index_cast %add3A_163 : i32 to index
      %get3A_165 = tpu.vector_load %arg4[%get3A_164] {strides = array<i32>} : memref<5120xi32, #tpu.memory_space<vmem>>, vector<16xi32>,
      %get3A_166 = vector.shape_cast %get3A_165 : vector<16xi32> to vector<16xi32>
      %swap3A_167 = arith.constant 96 : index
      %swap3A_168 = tpu.vector_load %arg5[%swap3A_167] {strides = array<i32>} : memref<128xi32, #tpu.memory_space<vmem>>, vector<16xi32>,
      %swap3A_169 = vector.shape_cast %swap3A_168 : vector<16xi32> to vector<16xi32>
      %swap3A_170 = vector.shape_cast %get3A_166 : vector<16xi32> to vector<16xi32>
      tpu.vector_store %arg5[%swap3A_167], %swap3A_170 {strides = array<i32>} : memref<128xi32, #tpu.memory_space<vmem>>, vector<16xi32>,
      %mul3A_171 = arith.constant 128 : i32
      %mul3A_172 = arith.muli %while3A_95, %mul3A_171 : i32
      %add3A_173 = arith.constant 112 : i32
      %add3A_174 = arith.addi %mul3A_172, %add3A_173 : i32
      %get3A_175 = arith.index_cast %add3A_174 : i32 to index
      %get3A_176 = tpu.vector_load %arg4[%get3A_175] {strides = array<i32>} : memref<5120xi32, #tpu.memory_space<vmem>>, vector<16xi32>,
      %get3A_177 = vector.shape_cast %get3A_176 : vector<16xi32> to vector<16xi32>
      %swap3A_178 = arith.constant 112 : index
      %swap3A_179 = tpu.vector_load %arg5[%swap3A_178] {strides = array<i32>} : memref<128xi32, #tpu.memory_space<vmem>>, vector<16xi32>,
      %swap3A_180 = vector.shape_cast %swap3A_179 : vector<16xi32> to vector<16xi32>
      %swap3A_181 = vector.shape_cast %get3A_177 : vector<16xi32> to vector<16xi32>
      tpu.vector_store %arg5[%swap3A_178], %swap3A_181 {strides = array<i32>} : memref<128xi32, #tpu.memory_space<vmem>>, vector<16xi32>,
      "tpu.region"() ({
        %run_scoped3A = tpu.sem_alloc : memref<!tpu.dma_semaphore, #tpu.memory_space<semaphore_mem>>
        %dma_start3A = arith.constant 0 : i32
        %dma_start3A_182 = arith.constant 0 : i32
        %dma_start3A_183 = tpu.memref_slice %arg8[%dma_start3A, %dma_start3A_182] : memref<10000x128xf32, #tpu.memory_space<vmem_shared>> -> memref<10000x128xf32, #tpu.memory_space<vmem_shared>>
        tpu.enqueue_indirect_dma source(%arg6 : memref<128x128xf32, #tpu.memory_space<vmem>>) target(%dma_start3A_183 : memref<10000x128xf32, #tpu.memory_space<vmem_shared>>) offsets(%arg5 : memref<128xi32, #tpu.memory_space<vmem>>) semaphore(%run_scoped3A : memref<!tpu.dma_semaphore, #tpu.memory_space<semaphore_mem>>) {add = true}
        %dma_wait3A = arith.constant 0 : i32
        %dma_wait3A_184 = arith.constant 0 : i32
        %dma_wait3A_185 = tpu.memref_slice %arg8[%dma_wait3A, %dma_wait3A_184] : memref<10000x128xf32, #tpu.memory_space<vmem_shared>> -> memref<10000x128xf32, #tpu.memory_space<vmem_shared>>
        tpu.wait_indirect_dma semaphore(%run_scoped3A : memref<!tpu.dma_semaphore, #tpu.memory_space<semaphore_mem>>) src(%arg6 : memref<128x128xf32, #tpu.memory_space<vmem>>) dst(%dma_wait3A_185 : memref<10000x128xf32, #tpu.memory_space<vmem_shared>>)
        tpu.yield
      }) : () -> ()
    }
    %while3A_81 = arith.constant 1 : i32
    scf.for %while3A_95 = %while3A_79 to %while3A_75 step %while3A_81  : i32 {
      %mul3A_96 = arith.constant 128 : i32
      %mul3A_97 = arith.muli %while3A_95, %mul3A_96 : i32
      %add3A_98 = arith.constant 0 : i32
      %add3A_99 = arith.addi %mul3A_97, %add3A_98 : i32
      %get3A = arith.index_cast %add3A_99 : i32 to index
      %get3A_100 = tpu.vector_load %arg4[%get3A] {strides = array<i32>} : memref<5120xi32, #tpu.memory_space<vmem>>, vector<16xi32>,
      %get3A_101 = vector.shape_cast %get3A_100 : vector<16xi32> to vector<16xi32>
      %swap3A = arith.constant 0 : index
      %swap3A_102 = tpu.vector_load %arg5[%swap3A] {strides = array<i32>} : memref<128xi32, #tpu.memory_space<vmem>>, vector<16xi32>,
      %swap3A_103 = vector.shape_cast %swap3A_102 : vector<16xi32> to vector<16xi32>
      %swap3A_104 = vector.shape_cast %get3A_101 : vector<16xi32> to vector<16xi32>
      tpu.vector_store %arg5[%swap3A], %swap3A_104 {strides = array<i32>} : memref<128xi32, #tpu.memory_space<vmem>>, vector<16xi32>,
      %mul3A_105 = arith.constant 128 : i32
      %mul3A_106 = arith.muli %while3A_95, %mul3A_105 : i32
      %add3A_107 = arith.constant 16 : i32
      %add3A_108 = arith.addi %mul3A_106, %add3A_107 : i32
      %get3A_109 = arith.index_cast %add3A_108 : i32 to index
      %get3A_110 = tpu.vector_load %arg4[%get3A_109] {strides = array<i32>} : memref<5120xi32, #tpu.memory_space<vmem>>, vector<16xi32>,
      %get3A_111 = vector.shape_cast %get3A_110 : vector<16xi32> to vector<16xi32>
      %swap3A_112 = arith.constant 16 : index
      %swap3A_113 = tpu.vector_load %arg5[%swap3A_112] {strides = array<i32>} : memref<128xi32, #tpu.memory_space<vmem>>, vector<16xi32>,
      %swap3A_114 = vector.shape_cast %swap3A_113 : vector<16xi32> to vector<16xi32>
      %swap3A_115 = vector.shape_cast %get3A_111 : vector<16xi32> to vector<16xi32>
      tpu.vector_store %arg5[%swap3A_112], %swap3A_115 {strides = array<i32>} : memref<128xi32, #tpu.memory_space<vmem>>, vector<16xi32>,
      %mul3A_116 = arith.constant 128 : i32
      %mul3A_117 = arith.muli %while3A_95, %mul3A_116 : i32
      %add3A_118 = arith.constant 32 : i32
      %add3A_119 = arith.addi %mul3A_117, %add3A_118 : i32
      %get3A_120 = arith.index_cast %add3A_119 : i32 to index
      %get3A_121 = tpu.vector_load %arg4[%get3A_120] {strides = array<i32>} : memref<5120xi32, #tpu.memory_space<vmem>>, vector<16xi32>,
      %get3A_122 = vector.shape_cast %get3A_121 : vector<16xi32> to vector<16xi32>
      %swap3A_123 = arith.constant 32 : index
      %swap3A_124 = tpu.vector_load %arg5[%swap3A_123] {strides = array<i32>} : memref<128xi32, #tpu.memory_space<vmem>>, vector<16xi32>,
      %swap3A_125 = vector.shape_cast %swap3A_124 : vector<16xi32> to vector<16xi32>
      %swap3A_126 = vector.shape_cast %get3A_122 : vector<16xi32> to vector<16xi32>
      tpu.vector_store %arg5[%swap3A_123], %swap3A_126 {strides = array<i32>} : memref<128xi32, #tpu.memory_space<vmem>>, vector<16xi32>,
      %mul3A_127 = arith.constant 128 : i32
      %mul3A_128 = arith.muli %while3A_95, %mul3A_127 : i32
      %add3A_129 = arith.constant 48 : i32
      %add3A_130 = arith.addi %mul3A_128, %add3A_129 : i32
      %get3A_131 = arith.index_cast %add3A_130 : i32 to index
      %get3A_132 = tpu.vector_load %arg4[%get3A_131] {strides = array<i32>} : memref<5120xi32, #tpu.memory_space<vmem>>, vector<16xi32>,
      %get3A_133 = vector.shape_cast %get3A_132 : vector<16xi32> to vector<16xi32>
      %swap3A_134 = arith.constant 48 : index
      %swap3A_135 = tpu.vector_load %arg5[%swap3A_134] {strides = array<i32>} : memref<128xi32, #tpu.memory_space<vmem>>, vector<16xi32>,
      %swap3A_136 = vector.shape_cast %swap3A_135 : vector<16xi32> to vector<16xi32>
      %swap3A_137 = vector.shape_cast %get3A_133 : vector<16xi32> to vector<16xi32>
      tpu.vector_store %arg5[%swap3A_134], %swap3A_137 {strides = array<i32>} : memref<128xi32, #tpu.memory_space<vmem>>, vector<16xi32>,
      %mul3A_138 = arith.constant 128 : i32
      %mul3A_139 = arith.muli %while3A_95, %mul3A_138 : i32
      %add3A_140 = arith.constant 64 : i32
      %add3A_141 = arith.addi %mul3A_139, %add3A_140 : i32
      %get3A_142 = arith.index_cast %add3A_141 : i32 to index
      %get3A_143 = tpu.vector_load %arg4[%get3A_142] {strides = array<i32>} : memref<5120xi32, #tpu.memory_space<vmem>>, vector<16xi32>,
      %get3A_144 = vector.shape_cast %get3A_143 : vector<16xi32> to vector<16xi32>
      %swap3A_145 = arith.constant 64 : index
      %swap3A_146 = tpu.vector_load %arg5[%swap3A_145] {strides = array<i32>} : memref<128xi32, #tpu.memory_space<vmem>>, vector<16xi32>,
      %swap3A_147 = vector.shape_cast %swap3A_146 : vector<16xi32> to vector<16xi32>
      %swap3A_148 = vector.shape_cast %get3A_144 : vector<16xi32> to vector<16xi32>
      tpu.vector_store %arg5[%swap3A_145], %swap3A_148 {strides = array<i32>} : memref<128xi32, #tpu.memory_space<vmem>>, vector<16xi32>,
      %mul3A_149 = arith.constant 128 : i32
      %mul3A_150 = arith.muli %while3A_95, %mul3A_149 : i32
      %add3A_151 = arith.constant 80 : i32
      %add3A_152 = arith.addi %mul3A_150, %add3A_151 : i32
      %get3A_153 = arith.index_cast %add3A_152 : i32 to index
      %get3A_154 = tpu.vector_load %arg4[%get3A_153] {strides = array<i32>} : memref<5120xi32, #tpu.memory_space<vmem>>, vector<16xi32>,
      %get3A_155 = vector.shape_cast %get3A_154 : vector<16xi32> to vector<16xi32>
      %swap3A_156 = arith.constant 80 : index
      %swap3A_157 = tpu.vector_load %arg5[%swap3A_156] {strides = array<i32>} : memref<128xi32, #tpu.memory_space<vmem>>, vector<16xi32>,
      %swap3A_158 = vector.shape_cast %swap3A_157 : vector<16xi32> to vector<16xi32>
      %swap3A_159 = vector.shape_cast %get3A_155 : vector<16xi32> to vector<16xi32>
      tpu.vector_store %arg5[%swap3A_156], %swap3A_159 {strides = array<i32>} : memref<128xi32, #tpu.memory_space<vmem>>, vector<16xi32>,
      %mul3A_160 = arith.constant 128 : i32
      %mul3A_161 = arith.muli %while3A_95, %mul3A_160 : i32
      %add3A_162 = arith.constant 96 : i32
      %add3A_163 = arith.addi %mul3A_161, %add3A_162 : i32
      %get3A_164 = arith.index_cast %add3A_163 : i32 to index
      %get3A_165 = tpu.vector_load %arg4[%get3A_164] {strides = array<i32>} : memref<5120xi32, #tpu.memory_space<vmem>>, vector<16xi32>,
      %get3A_166 = vector.shape_cast %get3A_165 : vector<16xi32> to vector<16xi32>
      %swap3A_167 = arith.constant 96 : index
      %swap3A_168 = tpu.vector_load %arg5[%swap3A_167] {strides = array<i32>} : memref<128xi32, #tpu.memory_space<vmem>>, vector<16xi32>,
      %swap3A_169 = vector.shape_cast %swap3A_168 : vector<16xi32> to vector<16xi32>
      %swap3A_170 = vector.shape_cast %get3A_166 : vector<16xi32> to vector<16xi32>
      tpu.vector_store %arg5[%swap3A_167], %swap3A_170 {strides = array<i32>} : memref<128xi32, #tpu.memory_space<vmem>>, vector<16xi32>,
      %mul3A_171 = arith.constant 128 : i32
      %mul3A_172 = arith.muli %while3A_95, %mul3A_171 : i32
      %add3A_173 = arith.constant 112 : i32
      %add3A_174 = arith.addi %mul3A_172, %add3A_173 : i32
      %get3A_175 = arith.index_cast %add3A_174 : i32 to index
      %get3A_176 = tpu.vector_load %arg4[%get3A_175] {strides = array<i32>} : memref<5120xi32, #tpu.memory_space<vmem>>, vector<16xi32>,
      %get3A_177 = vector.shape_cast %get3A_176 : vector<16xi32> to vector<16xi32>
      %swap3A_178 = arith.constant 112 : index
      %swap3A_179 = tpu.vector_load %arg5[%swap3A_178] {strides = array<i32>} : memref<128xi32, #tpu.memory_space<vmem>>, vector<16xi32>,
      %swap3A_180 = vector.shape_cast %swap3A_179 : vector<16xi32> to vector<16xi32>
      %swap3A_181 = vector.shape_cast %get3A_177 : vector<16xi32> to vector<16xi32>
      tpu.vector_store %arg5[%swap3A_178], %swap3A_181 {strides = array<i32>} : memref<128xi32, #tpu.memory_space<vmem>>, vector<16xi32>,
      "tpu.region"() ({
        %run_scoped3A = tpu.sem_alloc : memref<!tpu.dma_semaphore, #tpu.memory_space<semaphore_mem>>
        %dma_start3A = arith.constant 0 : i32
        %dma_start3A_182 = arith.constant 0 : i32
        %dma_start3A_183 = tpu.memref_slice %arg8[%dma_start3A, %dma_start3A_182] : memref<10000x128xf32, #tpu.memory_space<vmem_shared>> -> memref<10000x128xf32, #tpu.memory_space<vmem_shared>>
        tpu.enqueue_indirect_dma source(%arg6 : memref<128x128xf32, #tpu.memory_space<vmem>>) target(%dma_start3A_183 : memref<10000x128xf32, #tpu.memory_space<vmem_shared>>) offsets(%arg5 : memref<128xi32, #tpu.memory_space<vmem>>) semaphore(%run_scoped3A : memref<!tpu.dma_semaphore, #tpu.memory_space<semaphore_mem>>) {add = true}
        %dma_wait3A = arith.constant 0 : i32
        %dma_wait3A_184 = arith.constant 0 : i32
        %dma_wait3A_185 = tpu.memref_slice %arg8[%dma_wait3A, %dma_wait3A_184] : memref<10000x128xf32, #tpu.memory_space<vmem_shared>> -> memref<10000x128xf32, #tpu.memory_space<vmem_shared>>
        tpu.wait_indirect_dma semaphore(%run_scoped3A : memref<!tpu.dma_semaphore, #tpu.memory_space<semaphore_mem>>) src(%arg6 : memref<128x128xf32, #tpu.memory_space<vmem>>) dst(%dma_wait3A_185 : memref<10000x128xf32, #tpu.memory_space<vmem_shared>>)
        tpu.yield
      }) : () -> ()
    }
    %barrier3A_82 = arith.constant 0 : index
    tpu.barrier barrier_id(%barrier3A_82)
    %mul3A_83 = arith.constant 624 : i32
    %mul3A_84 = arith.muli %arg1, %mul3A_83 : i32
    %mul3A_85 = arith.constant 10000 : i32
    %mul3A_86 = arith.muli %arg0, %mul3A_85 : i32
    %mul3A_87 = arith.constant 624 : i32
    %mul3A_88 = arith.muli %arg1, %mul3A_87 : i32
    %add3A_89 = arith.addi %mul3A_86, %mul3A_88 : i32
    "tpu.region"() ({
      %run_scoped3A = tpu.sem_alloc : memref<!tpu.dma_semaphore, #tpu.memory_space<semaphore_mem>>
      %dma_start3A = arith.constant 0 : i32
      %dma_start3A_95 = tpu.memref_slice %arg3[%add3A_89, %dma_start3A] : memref<20000x128xf32, #tpu.memory_space<hbm>> -> memref<624x128xf32, #tpu.memory_space<hbm>>
      %dma_start3A_96 = arith.constant 0 : i32
      %dma_start3A_97 = tpu.memref_slice %arg8[%mul3A_84, %dma_start3A_96] : memref<10000x128xf32, #tpu.memory_space<vmem_shared>> -> memref<624x128xf32, #tpu.memory_space<vmem_shared>>
      tpu.enqueue_dma source(%dma_start3A_97 : memref<624x128xf32, #tpu.memory_space<vmem_shared>>) target(%dma_start3A_95 : memref<624x128xf32, #tpu.memory_space<hbm>>) target_semaphore(%run_scoped3A : memref<!tpu.dma_semaphore, #tpu.memory_space<semaphore_mem>>)
      %dma_wait3A = arith.constant 0 : i32
      %dma_wait3A_98 = tpu.memref_slice %arg3[%add3A_89, %dma_wait3A] : memref<20000x128xf32, #tpu.memory_space<hbm>> -> memref<624x128xf32, #tpu.memory_space<hbm>>
      %dma_wait3A_99 = arith.constant 0 : i32
      %dma_wait3A_100 = tpu.memref_slice %arg8[%mul3A_84, %dma_wait3A_99] : memref<10000x128xf32, #tpu.memory_space<vmem_shared>> -> memref<624x128xf32, #tpu.memory_space<vmem_shared>>
      tpu.wait_dma2 semaphore(%run_scoped3A : memref<!tpu.dma_semaphore, #tpu.memory_space<semaphore_mem>>) src(%dma_wait3A_100 : memref<624x128xf32, #tpu.memory_space<vmem_shared>>) dst(%dma_wait3A_98 : memref<624x128xf32, #tpu.memory_space<hbm>>)
      tpu.yield
    }) : () -> ()
    %eq3A_90 = arith.constant 15 : i32
    %eq3A_91 = arith.cmpi eq, %arg1, %eq3A_90 : i32
    %convert_element_type3A_92 = arith.extui %eq3A_91 : i1 to i32
    %cond3A_93 = arith.constant 0 : i32
    %cond3A_94 = arith.cmpi ne, %convert_element_type3A_92, %cond3A_93 : i32
    scf.if %cond3A_94 {
      %mul3A_95 = arith.constant 10000 : i32
      %mul3A_96 = arith.muli %arg0, %mul3A_95 : i32
      %add3A_97 = arith.constant 9984 : i32
      %add3A_98 = arith.addi %mul3A_96, %add3A_97 : i32
      "tpu.region"() ({
        %run_scoped3A = tpu.sem_alloc : memref<!tpu.dma_semaphore, #tpu.memory_space<semaphore_mem>>
        %dma_start3A = arith.constant 0 : i32
        %dma_start3A_99 = tpu.memref_slice %arg3[%add3A_98, %dma_start3A] : memref<20000x128xf32, #tpu.memory_space<hbm>> -> memref<16x128xf32, #tpu.memory_space<hbm>>
        %dma_start3A_100 = arith.constant 9984 : i32
        %dma_start3A_101 = arith.constant 0 : i32
        %dma_start3A_102 = tpu.memref_slice %arg8[%dma_start3A_100, %dma_start3A_101] : memref<10000x128xf32, #tpu.memory_space<vmem_shared>> -> memref<16x128xf32, #tpu.memory_space<vmem_shared>>
        tpu.enqueue_dma source(%dma_start3A_102 : memref<16x128xf32, #tpu.memory_space<vmem_shared>>) target(%dma_start3A_99 : memref<16x128xf32, #tpu.memory_space<hbm>>) target_semaphore(%run_scoped3A : memref<!tpu.dma_semaphore, #tpu.memory_space<semaphore_mem>>)
        %dma_wait3A = arith.constant 0 : i32
        %dma_wait3A_103 = tpu.memref_slice %arg3[%add3A_98, %dma_wait3A] : memref<20000x128xf32, #tpu.memory_space<hbm>> -> memref<16x128xf32, #tpu.memory_space<hbm>>
        %dma_wait3A_104 = arith.constant 9984 : i32
        %dma_wait3A_105 = arith.constant 0 : i32
        %dma_wait3A_106 = tpu.memref_slice %arg8[%dma_wait3A_104, %dma_wait3A_105] : memref<10000x128xf32, #tpu.memory_space<vmem_shared>> -> memref<16x128xf32, #tpu.memory_space<vmem_shared>>
        tpu.wait_dma2 semaphore(%run_scoped3A : memref<!tpu.dma_semaphore, #tpu.memory_space<semaphore_mem>>) src(%dma_wait3A_106 : memref<16x128xf32, #tpu.memory_space<vmem_shared>>) dst(%dma_wait3A_103 : memref<16x128xf32, #tpu.memory_space<hbm>>)
        tpu.yield
      }) : () -> ()
    } else {
    }
    return
  }
}

module attributes {stable_mosaic.version = 14 : i64} {
  func.func @_dense2_body(%arg0: i32, %arg1: memref<2x400x128xf32, #tpu.memory_space<vmem>>, %arg2: memref<2x400x128xf32, #tpu.memory_space<vmem>>, %arg3: memref<2x400x16xf32, #tpu.memory_space<vmem>>, %arg4: memref<2x128x256xf32, #tpu.memory_space<vmem>>, %arg5: memref<2x128xf32, #tpu.memory_space<vmem>>, %arg6: memref<2x400x128xf32, #tpu.memory_space<vmem>>) attributes {dimension_semantics = [#tpu.dimension_semantics<arbitrary>], iteration_bounds = array<i64: 25>, scalar_prefetch = 0 : i64, scratch_operands = 0 : i64, tpu.core_type = #tpu.core_type<tc>, window_params = [{transform_indices = @transform_0, window_bounds = array<i64: 2, 400, 128>}, {transform_indices = @transform_1, window_bounds = array<i64: 2, 400, 128>}, {transform_indices = @transform_2, window_bounds = array<i64: 2, 400, 16>}, {pipeline_mode = #tpu.pipeline_mode<synchronous>, transform_indices = @transform_3, window_bounds = array<i64: 2, 128, 256>}, {pipeline_mode = #tpu.pipeline_mode<synchronous>, transform_indices = @transform_4, window_bounds = array<i64: 2, 128>}, {transform_indices = @transform_5, window_bounds = array<i64: 2, 400, 128>}]} {
    %get3A = arith.constant 0 : index
    %get3A_0 = arith.constant 0 : index
    %get3A_1 = arith.constant 0 : index
    %get3A_2 = vector.load %arg3[%get3A, %get3A_0, %get3A_1] : memref<2x400x16xf32, #tpu.memory_space<vmem>>, vector<1x400x1xf32>
    %get3A_3 = vector.shape_cast %get3A_2 : vector<1x400x1xf32> to vector<400x1xf32>
    %get3A_4 = arith.constant 1 : index
    %get3A_5 = arith.constant 0 : index
    %get3A_6 = arith.constant 0 : index
    %get3A_7 = vector.load %arg3[%get3A_4, %get3A_5, %get3A_6] : memref<2x400x16xf32, #tpu.memory_space<vmem>>, vector<1x400x1xf32>
    %get3A_8 = vector.shape_cast %get3A_7 : vector<1x400x1xf32> to vector<400x1xf32>
    %add3A = arith.addf %get3A_3, %get3A_8 : vector<400x1xf32>
    %add3A_9 = arith.constant 1.000000e+00 : f32
    %add3A_10 = vector.broadcast %add3A_9 : f32 to vector<400x1xf32>
    %add3A_11 = arith.addf %add3A, %add3A_10 : vector<400x1xf32>
    %rsqrt3A = math.rsqrt %add3A_11 : vector<400x1xf32>
    %get3A_12 = arith.constant 0 : index
    %get3A_13 = arith.constant 0 : index
    %get3A_14 = arith.constant 0 : index
    %get3A_15 = vector.load %arg1[%get3A_12, %get3A_13, %get3A_14] : memref<2x400x128xf32, #tpu.memory_space<vmem>>, vector<1x400x128xf32>
    %get3A_16 = vector.shape_cast %get3A_15 : vector<1x400x128xf32> to vector<400x128xf32>
    %get3A_17 = arith.constant 0 : index
    %get3A_18 = arith.constant 0 : index
    %get3A_19 = arith.constant 0 : index
    %get3A_20 = vector.load %arg2[%get3A_17, %get3A_18, %get3A_19] : memref<2x400x128xf32, #tpu.memory_space<vmem>>, vector<1x400x128xf32>
    %get3A_21 = vector.shape_cast %get3A_20 : vector<1x400x128xf32> to vector<400x128xf32>
    %add3A_22 = arith.addf %get3A_16, %get3A_21 : vector<400x128xf32>
    %mul3A = vector.broadcast %rsqrt3A : vector<400x1xf32> to vector<400x128xf32>
    %mul3A_23 = arith.mulf %add3A_22, %mul3A : vector<400x128xf32>
    %get3A_24 = arith.constant 0 : index
    %get3A_25 = arith.constant 0 : index
    %get3A_26 = vector.load %arg5[%get3A_24, %get3A_25] : memref<2x128xf32, #tpu.memory_space<vmem>>, vector<1x128xf32>
    %add3A_27 = vector.broadcast %get3A_26 : vector<1x128xf32> to vector<400x128xf32>
    %add3A_28 = arith.addf %mul3A_23, %add3A_27 : vector<400x128xf32>
    %max3A = arith.constant 0.000000e+00 : f32
    %max3A_29 = vector.broadcast %max3A : f32 to vector<400x128xf32>
    %max3A_30 = arith.maximumf %add3A_28, %max3A_29 : vector<400x128xf32>
    %get3A_31 = arith.constant 1 : index
    %get3A_32 = arith.constant 0 : index
    %get3A_33 = arith.constant 0 : index
    %get3A_34 = vector.load %arg1[%get3A_31, %get3A_32, %get3A_33] : memref<2x400x128xf32, #tpu.memory_space<vmem>>, vector<1x400x128xf32>
    %get3A_35 = vector.shape_cast %get3A_34 : vector<1x400x128xf32> to vector<400x128xf32>
    %get3A_36 = arith.constant 1 : index
    %get3A_37 = arith.constant 0 : index
    %get3A_38 = arith.constant 0 : index
    %get3A_39 = vector.load %arg2[%get3A_36, %get3A_37, %get3A_38] : memref<2x400x128xf32, #tpu.memory_space<vmem>>, vector<1x400x128xf32>
    %get3A_40 = vector.shape_cast %get3A_39 : vector<1x400x128xf32> to vector<400x128xf32>
    %add3A_41 = arith.addf %get3A_35, %get3A_40 : vector<400x128xf32>
    %mul3A_42 = vector.broadcast %rsqrt3A : vector<400x1xf32> to vector<400x128xf32>
    %mul3A_43 = arith.mulf %add3A_41, %mul3A_42 : vector<400x128xf32>
    %get3A_44 = arith.constant 1 : index
    %get3A_45 = arith.constant 0 : index
    %get3A_46 = vector.load %arg5[%get3A_44, %get3A_45] : memref<2x128xf32, #tpu.memory_space<vmem>>, vector<1x128xf32>
    %add3A_47 = vector.broadcast %get3A_46 : vector<1x128xf32> to vector<400x128xf32>
    %add3A_48 = arith.addf %mul3A_43, %add3A_47 : vector<400x128xf32>
    %max3A_49 = arith.constant 0.000000e+00 : f32
    %max3A_50 = vector.broadcast %max3A_49 : f32 to vector<400x128xf32>
    %max3A_51 = arith.maximumf %add3A_48, %max3A_50 : vector<400x128xf32>
    %get3A_52 = arith.constant 0 : index
    %get3A_53 = arith.constant 0 : index
    %get3A_54 = arith.constant 0 : index
    %get3A_55 = vector.load %arg4[%get3A_52, %get3A_53, %get3A_54] : memref<2x128x256xf32, #tpu.memory_space<vmem>>, vector<1x128x256xf32>
    %get3A_56 = vector.shape_cast %get3A_55 : vector<1x128x256xf32> to vector<128x256xf32>
    %dot_general3A = arith.constant dense<0.000000e+00> : vector<400x256xf32>
    %dot_general3A_57 = tpu.matmul %max3A_30, %get3A_56, %dot_general3A {dimension_numbers = #tpu.dot_dimension_numbers<[1], [0], [0], [1], [0, 0, 1, 1], [], []>, transpose_lhs_hint = false} : vector<400x128xf32>, vector<128x256xf32>, vector<400x256xf32> -> vector<400x256xf32>
    %get3A_58 = arith.constant 1 : index
    %get3A_59 = arith.constant 0 : index
    %get3A_60 = arith.constant 0 : index
    %get3A_61 = vector.load %arg4[%get3A_58, %get3A_59, %get3A_60] : memref<2x128x256xf32, #tpu.memory_space<vmem>>, vector<1x128x256xf32>
    %get3A_62 = vector.shape_cast %get3A_61 : vector<1x128x256xf32> to vector<128x256xf32>
    %dot_general3A_63 = arith.constant dense<0.000000e+00> : vector<400x256xf32>
    %dot_general3A_64 = tpu.matmul %max3A_51, %get3A_62, %dot_general3A_63 {dimension_numbers = #tpu.dot_dimension_numbers<[1], [0], [0], [1], [0, 0, 1, 1], [], []>, transpose_lhs_hint = false} : vector<400x128xf32>, vector<128x256xf32>, vector<400x256xf32> -> vector<400x256xf32>
    %add3A_65 = arith.addf %dot_general3A_57, %dot_general3A_64 : vector<400x256xf32>
    %mul3A_66 = vector.broadcast %rsqrt3A : vector<400x1xf32> to vector<400x256xf32>
    %mul3A_67 = arith.mulf %add3A_65, %mul3A_66 : vector<400x256xf32>
    %slice3A = vector.extract_strided_slice %mul3A_67 {offsets = [0, 0], sizes = [400, 128], strides = [1, 1]} : vector<400x256xf32> to vector<400x128xf32>
    %swap3A = arith.constant 0 : index
    %swap3A_68 = arith.constant 0 : index
    %swap3A_69 = arith.constant 0 : index
    %swap3A_70 = vector.load %arg6[%swap3A, %swap3A_68, %swap3A_69] : memref<2x400x128xf32, #tpu.memory_space<vmem>>, vector<1x400x128xf32>
    %swap3A_71 = vector.shape_cast %swap3A_70 : vector<1x400x128xf32> to vector<400x128xf32>
    %swap3A_72 = vector.shape_cast %slice3A : vector<400x128xf32> to vector<1x400x128xf32>
    tpu.vector_store %arg6[%swap3A, %swap3A_68, %swap3A_69], %swap3A_72 {strides = array<i32>} : memref<2x400x128xf32, #tpu.memory_space<vmem>>, vector<1x400x128xf32>,
    %slice3A_73 = vector.extract_strided_slice %mul3A_67 {offsets = [0, 128], sizes = [400, 128], strides = [1, 1]} : vector<400x256xf32> to vector<400x128xf32>
    %swap3A_74 = arith.constant 1 : index
    %swap3A_75 = arith.constant 0 : index
    %swap3A_76 = arith.constant 0 : index
    %swap3A_77 = vector.load %arg6[%swap3A_74, %swap3A_75, %swap3A_76] : memref<2x400x128xf32, #tpu.memory_space<vmem>>, vector<1x400x128xf32>
    %swap3A_78 = vector.shape_cast %swap3A_77 : vector<1x400x128xf32> to vector<400x128xf32>
    %swap3A_79 = vector.shape_cast %slice3A_73 : vector<400x128xf32> to vector<1x400x128xf32>
    tpu.vector_store %arg6[%swap3A_74, %swap3A_75, %swap3A_76], %swap3A_79 {strides = array<i32>} : memref<2x400x128xf32, #tpu.memory_space<vmem>>, vector<1x400x128xf32>,
    return
  }
  func.func @transform_0(%arg0: i32) -> (i32, i32, i32) {
    %c0_i32 = arith.constant 0 : i32
    %c0_i32_0 = arith.constant 0 : i32
    %c0_i32_1 = arith.constant 0 : i32
    return %c0_i32, %arg0, %c0_i32_0 : i32, i32, i32
  }
  func.func @transform_1(%arg0: i32) -> (i32, i32, i32) {
    %c0_i32 = arith.constant 0 : i32
    %c0_i32_0 = arith.constant 0 : i32
    %c0_i32_1 = arith.constant 0 : i32
    return %c0_i32, %arg0, %c0_i32_0 : i32, i32, i32
  }
  func.func @transform_2(%arg0: i32) -> (i32, i32, i32) {
    %c0_i32 = arith.constant 0 : i32
    %c0_i32_0 = arith.constant 0 : i32
    %c0_i32_1 = arith.constant 0 : i32
    return %c0_i32, %arg0, %c0_i32_0 : i32, i32, i32
  }
  func.func @transform_3(%arg0: i32) -> (i32, i32, i32) {
    %c0_i32 = arith.constant 0 : i32
    %c0_i32_0 = arith.constant 0 : i32
    %c0_i32_1 = arith.constant 0 : i32
    %c0_i32_2 = arith.constant 0 : i32
    return %c0_i32, %c0_i32_0, %c0_i32_1 : i32, i32, i32
  }
  func.func @transform_4(%arg0: i32) -> (i32, i32) {
    %c0_i32 = arith.constant 0 : i32
    %c0_i32_0 = arith.constant 0 : i32
    %c0_i32_1 = arith.constant 0 : i32
    return %c0_i32, %c0_i32_0 : i32, i32
  }
  func.func @transform_5(%arg0: i32) -> (i32, i32, i32) {
    %c0_i32 = arith.constant 0 : i32
    %c0_i32_0 = arith.constant 0 : i32
    %c0_i32_1 = arith.constant 0 : i32
    return %c0_i32, %arg0, %c0_i32_0 : i32, i32, i32
  }
}

module attributes {stable_mosaic.version = 14 : i64} {
  func.func @_dense3_body(%arg0: i32, %arg1: memref<2x400x128xf32, #tpu.memory_space<vmem>>, %arg2: memref<2x400x128xf32, #tpu.memory_space<vmem>>, %arg3: memref<2x400x16xf32, #tpu.memory_space<vmem>>, %arg4: memref<400x256xf32, #tpu.memory_space<vmem>>, %arg5: memref<2x256x256xf32, #tpu.memory_space<vmem>>, %arg6: memref<2x128xf32, #tpu.memory_space<vmem>>, %arg7: memref<1x256xf32, #tpu.memory_space<vmem>>, %arg8: memref<400x256xf32, #tpu.memory_space<vmem>>) attributes {dimension_semantics = [#tpu.dimension_semantics<arbitrary>], iteration_bounds = array<i64: 25>, scalar_prefetch = 0 : i64, scratch_operands = 0 : i64, tpu.core_type = #tpu.core_type<tc>, window_params = [{transform_indices = @transform_0, window_bounds = array<i64: 2, 400, 128>}, {transform_indices = @transform_1, window_bounds = array<i64: 2, 400, 128>}, {transform_indices = @transform_2, window_bounds = array<i64: 2, 400, 16>}, {transform_indices = @transform_3, window_bounds = array<i64: 400, 256>}, {pipeline_mode = #tpu.pipeline_mode<synchronous>, transform_indices = @transform_4, window_bounds = array<i64: 2, 256, 256>}, {pipeline_mode = #tpu.pipeline_mode<synchronous>, transform_indices = @transform_5, window_bounds = array<i64: 2, 128>}, {pipeline_mode = #tpu.pipeline_mode<synchronous>, transform_indices = @transform_6, window_bounds = array<i64: 1, 256>}, {transform_indices = @transform_7, window_bounds = array<i64: 400, 256>}]} {
    %get3A = arith.constant 0 : index
    %get3A_0 = arith.constant 0 : index
    %get3A_1 = arith.constant 0 : index
    %get3A_2 = vector.load %arg3[%get3A, %get3A_0, %get3A_1] : memref<2x400x16xf32, #tpu.memory_space<vmem>>, vector<1x400x1xf32>
    %get3A_3 = vector.shape_cast %get3A_2 : vector<1x400x1xf32> to vector<400x1xf32>
    %get3A_4 = arith.constant 1 : index
    %get3A_5 = arith.constant 0 : index
    %get3A_6 = arith.constant 0 : index
    %get3A_7 = vector.load %arg3[%get3A_4, %get3A_5, %get3A_6] : memref<2x400x16xf32, #tpu.memory_space<vmem>>, vector<1x400x1xf32>
    %get3A_8 = vector.shape_cast %get3A_7 : vector<1x400x1xf32> to vector<400x1xf32>
    %add3A = arith.addf %get3A_3, %get3A_8 : vector<400x1xf32>
    %add3A_9 = arith.constant 1.000000e+00 : f32
    %add3A_10 = vector.broadcast %add3A_9 : f32 to vector<400x1xf32>
    %add3A_11 = arith.addf %add3A, %add3A_10 : vector<400x1xf32>
    %rsqrt3A = math.rsqrt %add3A_11 : vector<400x1xf32>
    %get3A_12 = arith.constant 0 : index
    %get3A_13 = arith.constant 0 : index
    %get3A_14 = arith.constant 0 : index
    %get3A_15 = vector.load %arg1[%get3A_12, %get3A_13, %get3A_14] : memref<2x400x128xf32, #tpu.memory_space<vmem>>, vector<1x400x128xf32>
    %get3A_16 = vector.shape_cast %get3A_15 : vector<1x400x128xf32> to vector<400x128xf32>
    %get3A_17 = arith.constant 0 : index
    %get3A_18 = arith.constant 0 : index
    %get3A_19 = arith.constant 0 : index
    %get3A_20 = vector.load %arg2[%get3A_17, %get3A_18, %get3A_19] : memref<2x400x128xf32, #tpu.memory_space<vmem>>, vector<1x400x128xf32>
    %get3A_21 = vector.shape_cast %get3A_20 : vector<1x400x128xf32> to vector<400x128xf32>
    %add3A_22 = arith.addf %get3A_16, %get3A_21 : vector<400x128xf32>
    %mul3A = vector.broadcast %rsqrt3A : vector<400x1xf32> to vector<400x128xf32>
    %mul3A_23 = arith.mulf %add3A_22, %mul3A : vector<400x128xf32>
    %get3A_24 = arith.constant 0 : index
    %get3A_25 = arith.constant 0 : index
    %get3A_26 = vector.load %arg6[%get3A_24, %get3A_25] : memref<2x128xf32, #tpu.memory_space<vmem>>, vector<1x128xf32>
    %add3A_27 = vector.broadcast %get3A_26 : vector<1x128xf32> to vector<400x128xf32>
    %add3A_28 = arith.addf %mul3A_23, %add3A_27 : vector<400x128xf32>
    %max3A = arith.constant 0.000000e+00 : f32
    %max3A_29 = vector.broadcast %max3A : f32 to vector<400x128xf32>
    %max3A_30 = arith.maximumf %add3A_28, %max3A_29 : vector<400x128xf32>
    %get3A_31 = arith.constant 1 : index
    %get3A_32 = arith.constant 0 : index
    %get3A_33 = arith.constant 0 : index
    %get3A_34 = vector.load %arg1[%get3A_31, %get3A_32, %get3A_33] : memref<2x400x128xf32, #tpu.memory_space<vmem>>, vector<1x400x128xf32>
    %get3A_35 = vector.shape_cast %get3A_34 : vector<1x400x128xf32> to vector<400x128xf32>
    %get3A_36 = arith.constant 1 : index
    %get3A_37 = arith.constant 0 : index
    %get3A_38 = arith.constant 0 : index
    %get3A_39 = vector.load %arg2[%get3A_36, %get3A_37, %get3A_38] : memref<2x400x128xf32, #tpu.memory_space<vmem>>, vector<1x400x128xf32>
    %get3A_40 = vector.shape_cast %get3A_39 : vector<1x400x128xf32> to vector<400x128xf32>
    %add3A_41 = arith.addf %get3A_35, %get3A_40 : vector<400x128xf32>
    %mul3A_42 = vector.broadcast %rsqrt3A : vector<400x1xf32> to vector<400x128xf32>
    %mul3A_43 = arith.mulf %add3A_41, %mul3A_42 : vector<400x128xf32>
    %get3A_44 = arith.constant 1 : index
    %get3A_45 = arith.constant 0 : index
    %get3A_46 = vector.load %arg6[%get3A_44, %get3A_45] : memref<2x128xf32, #tpu.memory_space<vmem>>, vector<1x128xf32>
    %add3A_47 = vector.broadcast %get3A_46 : vector<1x128xf32> to vector<400x128xf32>
    %add3A_48 = arith.addf %mul3A_43, %add3A_47 : vector<400x128xf32>
    %max3A_49 = arith.constant 0.000000e+00 : f32
    %max3A_50 = vector.broadcast %max3A_49 : f32 to vector<400x128xf32>
    %max3A_51 = arith.maximumf %add3A_48, %max3A_50 : vector<400x128xf32>
    %get3A_52 = arith.constant 0 : index
    %get3A_53 = arith.constant 0 : index
    %get3A_54 = vector.load %arg4[%get3A_52, %get3A_53] : memref<400x256xf32, #tpu.memory_space<vmem>>, vector<400x256xf32>
    %concatenate3A = tpu.concatenate %max3A_30, %max3A_51 in 1 : vector<400x128xf32>, vector<400x128xf32> -> vector<400x256xf32>
    %add3A_55 = arith.addf %concatenate3A, %get3A_54 : vector<400x256xf32>
    %get3A_56 = arith.constant 0 : index
    %get3A_57 = arith.constant 0 : index
    %get3A_58 = arith.constant 0 : index
    %get3A_59 = vector.load %arg5[%get3A_56, %get3A_57, %get3A_58] : memref<2x256x256xf32, #tpu.memory_space<vmem>>, vector<1x256x256xf32>
    %get3A_60 = vector.shape_cast %get3A_59 : vector<1x256x256xf32> to vector<256x256xf32>
    %dot_general3A = arith.constant dense<0.000000e+00> : vector<400x256xf32>
    %dot_general3A_61 = tpu.matmul %add3A_55, %get3A_60, %dot_general3A {dimension_numbers = #tpu.dot_dimension_numbers<[1], [0], [0], [1], [0, 0, 1, 1], [], []>, transpose_lhs_hint = false} : vector<400x256xf32>, vector<256x256xf32>, vector<400x256xf32> -> vector<400x256xf32>
    %get3A_62 = arith.constant 1 : index
    %get3A_63 = arith.constant 0 : index
    %get3A_64 = arith.constant 0 : index
    %get3A_65 = vector.load %arg5[%get3A_62, %get3A_63, %get3A_64] : memref<2x256x256xf32, #tpu.memory_space<vmem>>, vector<1x256x256xf32>
    %get3A_66 = vector.shape_cast %get3A_65 : vector<1x256x256xf32> to vector<256x256xf32>
    %dot_general3A_67 = arith.constant dense<0.000000e+00> : vector<400x256xf32>
    %dot_general3A_68 = tpu.matmul %get3A_54, %get3A_66, %dot_general3A_67 {dimension_numbers = #tpu.dot_dimension_numbers<[1], [0], [0], [1], [0, 0, 1, 1], [], []>, transpose_lhs_hint = false} : vector<400x256xf32>, vector<256x256xf32>, vector<400x256xf32> -> vector<400x256xf32>
    %add3A_69 = arith.addf %dot_general3A_61, %dot_general3A_68 : vector<400x256xf32>
    %get3A_70 = arith.constant 0 : index
    %get3A_71 = arith.constant 0 : index
    %get3A_72 = vector.load %arg7[%get3A_70, %get3A_71] : memref<1x256xf32, #tpu.memory_space<vmem>>, vector<1x256xf32>
    %add3A_73 = vector.broadcast %get3A_72 : vector<1x256xf32> to vector<400x256xf32>
    %add3A_74 = arith.addf %add3A_69, %add3A_73 : vector<400x256xf32>
    %logistic3A = arith.negf %add3A_74 : vector<400x256xf32>
    %logistic3A_75 = math.exp %logistic3A : vector<400x256xf32>
    %logistic3A_76 = arith.constant 1.000000e+00 : f32
    %logistic3A_77 = vector.broadcast %logistic3A_76 : f32 to vector<400x256xf32>
    %logistic3A_78 = arith.addf %logistic3A_77, %logistic3A_75 : vector<400x256xf32>
    %logistic3A_79 = arith.divf %logistic3A_77, %logistic3A_78 : vector<400x256xf32>
    %mul3A_80 = arith.mulf %add3A_55, %logistic3A_79 : vector<400x256xf32>
    %swap3A = arith.constant 0 : index
    %swap3A_81 = arith.constant 0 : index
    %swap3A_82 = vector.load %arg8[%swap3A, %swap3A_81] : memref<400x256xf32, #tpu.memory_space<vmem>>, vector<400x256xf32>
    tpu.vector_store %arg8[%swap3A, %swap3A_81], %mul3A_80 {strides = array<i32>} : memref<400x256xf32, #tpu.memory_space<vmem>>, vector<400x256xf32>,
    return
  }
  func.func @transform_0(%arg0: i32) -> (i32, i32, i32) {
    %c0_i32 = arith.constant 0 : i32
    %c0_i32_0 = arith.constant 0 : i32
    %c0_i32_1 = arith.constant 0 : i32
    return %c0_i32, %arg0, %c0_i32_0 : i32, i32, i32
  }
  func.func @transform_1(%arg0: i32) -> (i32, i32, i32) {
    %c0_i32 = arith.constant 0 : i32
    %c0_i32_0 = arith.constant 0 : i32
    %c0_i32_1 = arith.constant 0 : i32
    return %c0_i32, %arg0, %c0_i32_0 : i32, i32, i32
  }
  func.func @transform_2(%arg0: i32) -> (i32, i32, i32) {
    %c0_i32 = arith.constant 0 : i32
    %c0_i32_0 = arith.constant 0 : i32
    %c0_i32_1 = arith.constant 0 : i32
    return %c0_i32, %arg0, %c0_i32_0 : i32, i32, i32
  }
  func.func @transform_3(%arg0: i32) -> (i32, i32) {
    %c0_i32 = arith.constant 0 : i32
    %c0_i32_0 = arith.constant 0 : i32
    return %arg0, %c0_i32 : i32, i32
  }
  func.func @transform_4(%arg0: i32) -> (i32, i32, i32) {
    %c0_i32 = arith.constant 0 : i32
    %c0_i32_0 = arith.constant 0 : i32
    %c0_i32_1 = arith.constant 0 : i32
    %c0_i32_2 = arith.constant 0 : i32
    return %c0_i32, %c0_i32_0, %c0_i32_1 : i32, i32, i32
  }
  func.func @transform_5(%arg0: i32) -> (i32, i32) {
    %c0_i32 = arith.constant 0 : i32
    %c0_i32_0 = arith.constant 0 : i32
    %c0_i32_1 = arith.constant 0 : i32
    return %c0_i32, %c0_i32_0 : i32, i32
  }
  func.func @transform_6(%arg0: i32) -> (i32, i32) {
    %c0_i32 = arith.constant 0 : i32
    %c0_i32_0 = arith.constant 0 : i32
    %c0_i32_1 = arith.constant 0 : i32
    return %c0_i32, %c0_i32_0 : i32, i32
  }
  func.func @transform_7(%arg0: i32) -> (i32, i32) {
    %c0_i32 = arith.constant 0 : i32
    %c0_i32_0 = arith.constant 0 : i32
    return %arg0, %c0_i32 : i32, i32
  }
}

module attributes {stable_mosaic.version = 14 : i64} {
  func.func @_dense1_body(%arg0: i32, %arg1: memref<400x256xf32, #tpu.memory_space<vmem>>, %arg2: memref<256x256xf32, #tpu.memory_space<vmem>>, %arg3: memref<2x400x16xf32, #tpu.memory_space<vmem>>, %arg4: memref<2x400x128xf32, #tpu.memory_space<vmem>>) attributes {dimension_semantics = [#tpu.dimension_semantics<arbitrary>], iteration_bounds = array<i64: 25>, scalar_prefetch = 0 : i64, scratch_operands = 0 : i64, tpu.core_type = #tpu.core_type<tc>, window_params = [{transform_indices = @transform_0, window_bounds = array<i64: 400, 256>}, {pipeline_mode = #tpu.pipeline_mode<synchronous>, transform_indices = @transform_1, window_bounds = array<i64: 256, 256>}, {transform_indices = @transform_2, window_bounds = array<i64: 2, 400, 16>}, {transform_indices = @transform_3, window_bounds = array<i64: 2, 400, 128>}]} {
    %get3A = arith.constant 0 : index
    %get3A_0 = arith.constant 0 : index
    %get3A_1 = arith.constant 0 : index
    %get3A_2 = vector.load %arg3[%get3A, %get3A_0, %get3A_1] : memref<2x400x16xf32, #tpu.memory_space<vmem>>, vector<1x400x1xf32>
    %get3A_3 = vector.shape_cast %get3A_2 : vector<1x400x1xf32> to vector<400x1xf32>
    %get3A_4 = arith.constant 1 : index
    %get3A_5 = arith.constant 0 : index
    %get3A_6 = arith.constant 0 : index
    %get3A_7 = vector.load %arg3[%get3A_4, %get3A_5, %get3A_6] : memref<2x400x16xf32, #tpu.memory_space<vmem>>, vector<1x400x1xf32>
    %get3A_8 = vector.shape_cast %get3A_7 : vector<1x400x1xf32> to vector<400x1xf32>
    %add3A = arith.addf %get3A_3, %get3A_8 : vector<400x1xf32>
    %add3A_9 = arith.constant 1.000000e+00 : f32
    %add3A_10 = vector.broadcast %add3A_9 : f32 to vector<400x1xf32>
    %add3A_11 = arith.addf %add3A, %add3A_10 : vector<400x1xf32>
    %rsqrt3A = math.rsqrt %add3A_11 : vector<400x1xf32>
    %get3A_12 = arith.constant 0 : index
    %get3A_13 = arith.constant 0 : index
    %get3A_14 = vector.load %arg1[%get3A_12, %get3A_13] : memref<400x256xf32, #tpu.memory_space<vmem>>, vector<400x256xf32>
    %get3A_15 = arith.constant 0 : index
    %get3A_16 = arith.constant 0 : index
    %get3A_17 = vector.load %arg2[%get3A_15, %get3A_16] : memref<256x256xf32, #tpu.memory_space<vmem>>, vector<256x256xf32>
    %dot_general3A = arith.constant dense<0.000000e+00> : vector<400x256xf32>
    %dot_general3A_18 = tpu.matmul %get3A_14, %get3A_17, %dot_general3A {dimension_numbers = #tpu.dot_dimension_numbers<[1], [0], [0], [1], [0, 0, 1, 1], [], []>, transpose_lhs_hint = false} : vector<400x256xf32>, vector<256x256xf32>, vector<400x256xf32> -> vector<400x256xf32>
    %mul3A = vector.broadcast %rsqrt3A : vector<400x1xf32> to vector<400x256xf32>
    %mul3A_19 = arith.mulf %dot_general3A_18, %mul3A : vector<400x256xf32>
    %slice3A = vector.extract_strided_slice %mul3A_19 {offsets = [0, 0], sizes = [400, 128], strides = [1, 1]} : vector<400x256xf32> to vector<400x128xf32>
    %swap3A = arith.constant 0 : index
    %swap3A_20 = arith.constant 0 : index
    %swap3A_21 = arith.constant 0 : index
    %swap3A_22 = vector.load %arg4[%swap3A, %swap3A_20, %swap3A_21] : memref<2x400x128xf32, #tpu.memory_space<vmem>>, vector<1x400x128xf32>
    %swap3A_23 = vector.shape_cast %swap3A_22 : vector<1x400x128xf32> to vector<400x128xf32>
    %swap3A_24 = vector.shape_cast %slice3A : vector<400x128xf32> to vector<1x400x128xf32>
    tpu.vector_store %arg4[%swap3A, %swap3A_20, %swap3A_21], %swap3A_24 {strides = array<i32>} : memref<2x400x128xf32, #tpu.memory_space<vmem>>, vector<1x400x128xf32>,
    %slice3A_25 = vector.extract_strided_slice %mul3A_19 {offsets = [0, 128], sizes = [400, 128], strides = [1, 1]} : vector<400x256xf32> to vector<400x128xf32>
    %swap3A_26 = arith.constant 1 : index
    %swap3A_27 = arith.constant 0 : index
    %swap3A_28 = arith.constant 0 : index
    %swap3A_29 = vector.load %arg4[%swap3A_26, %swap3A_27, %swap3A_28] : memref<2x400x128xf32, #tpu.memory_space<vmem>>, vector<1x400x128xf32>
    %swap3A_30 = vector.shape_cast %swap3A_29 : vector<1x400x128xf32> to vector<400x128xf32>
    %swap3A_31 = vector.shape_cast %slice3A_25 : vector<400x128xf32> to vector<1x400x128xf32>
    tpu.vector_store %arg4[%swap3A_26, %swap3A_27, %swap3A_28], %swap3A_31 {strides = array<i32>} : memref<2x400x128xf32, #tpu.memory_space<vmem>>, vector<1x400x128xf32>,
    return
  }
  func.func @transform_0(%arg0: i32) -> (i32, i32) {
    %c0_i32 = arith.constant 0 : i32
    %c0_i32_0 = arith.constant 0 : i32
    return %arg0, %c0_i32 : i32, i32
  }
  func.func @transform_1(%arg0: i32) -> (i32, i32) {
    %c0_i32 = arith.constant 0 : i32
    %c0_i32_0 = arith.constant 0 : i32
    %c0_i32_1 = arith.constant 0 : i32
    return %c0_i32, %c0_i32_0 : i32, i32
  }
  func.func @transform_2(%arg0: i32) -> (i32, i32, i32) {
    %c0_i32 = arith.constant 0 : i32
    %c0_i32_0 = arith.constant 0 : i32
    %c0_i32_1 = arith.constant 0 : i32
    return %c0_i32, %arg0, %c0_i32_0 : i32, i32, i32
  }
  func.func @transform_3(%arg0: i32) -> (i32, i32, i32) {
    %c0_i32 = arith.constant 0 : i32
    %c0_i32_0 = arith.constant 0 : i32
    %c0_i32_1 = arith.constant 0 : i32
    return %c0_i32, %arg0, %c0_i32_0 : i32, i32, i32
  }
}

</mosaic_0001>

<sc_bundles>
// kernel: kernel.11.cloned.1.call-start
scs
__scs_entry_jumppad:
0x0: {  	(pc) =	sbr.rel $0x88, $3  }
0x1: {  	(tag) =	ssettag $0x0;
	lr =	simm.s32 $0x1  }
0x2: {  	[smem:$0x3F99] =	sst lr;
	_ =	strace $0xD0000000  }
0x3: {  	_ = 	snop  }
0x4: {  	_ = 	snop  }
0x5: {  	_ = 	snop  }
0x6: {  	_ = 	snop  }
0x7: {  	_ = 	snop  }
__scs_overlays_trampoline_lowered:
0x8: {  	[smem:$0x3FA8] =	sst s0  }
0x9: {  	[smem:$0x3FA9] =	sst s1  }
0xa: {  	[smem:$0x3FAA] =	sst s2  }
0xb: {  	[smem:$0x3FAB] =	sst s3  }
0xc: {  	[smem:$0x3FAC] =	sst s4  }
0xd: {  	[smem:$0x3FAD] =	sst s5  }
0xe: {  	[smem:$0x3FAE] =	sst s6  }
0xf: {  	[smem:$0x3FAF] =	sst s7  }
0x10: {  	[smem:$0x3FB0] =	sst s8  }
0x11: {  	[smem:$0x3FB1] =	sst s9;
	s0 =	simm.s32 @!p0 $0x0  }
0x12: {  	s1 =	sld [smem:$0x3F97];
	s0 =	simm.s32 @p0 $0x1  }
0x13: {  	[smem:$0x3FB2] =	sst s0;
	s0 =	simm.s32 @!p1 $0x0  }
0x14: {  	s2 =	sld [smem:$0x3F96];
	s0 =	simm.s32 @p1 $0x1  }
0x15: {  	[smem:$0x3FB3] =	sst s0;
	s0 =	simm.s32 @!p2 $0x0  }
0x16: {  	s3 =	sld [smem:$0x3FDB];
	s0 =	simm.s32 @p2 $0x1  }
0x17: {  	s4 =	simm.s32 $0x1BF5;
	[smem:$0x3FB5] =	sst s0  }
0x18: {  	s0 =	sld [smem:$0x3F98];
	_ =	swait.ge [sflag:s4], $0x0  }
0x19: {  	s7 =	sld [smem:$0x3F99]  }
0x1a: {  	s8 =	sadd.s32 $0xFFFFE003, lr  }
0x1b: {  	s9 =	sadd.s32 $0xFFFFFEF7, lr;
	s5 =	simm.s32 $0xFFFFFFFF;
	p2 =	slt.u32 s8, $0xFFFFF086  }
0x1c: {  	p1 =	slt.u32 s9, $0xF7A;
	s5 =	simm.s32 @!p2 $0x0  }
0x1d: {  	s5 =	simm.s32 @p1 $0x1;
	p0 =	seq.s32 s7, s2  }
0x1e: {  	s7 =	smul.u32 @!p0 $0xF7A, s2;
	p2 =	seq.s32 @!p0 s5, $0x0  }
0x1f: {  	s9 =	smul.u32 $0xF7A, s1;
	s8 =	simm.s32 @!p0 $0x1BF5;
	p2 =	por !p2, p0  }
0x20: {  	[sflag:s8] =	ssyncset.s32 @!p0 $0xFFFFF086;
	s6 =	sadd.s32 @!p0 s3, s7;
	s7 =	simm.s32 @!p0 $0x108  }
0x21: {  	s3 =	sadd.s32 s3, s9;
	s6 =	sadd.s32 @!p0 $0x88, s6;
	s7 =	simm.s32 @p2 $0x1082  }
0x22: {  	[simem:s7], [sflag:s8] =	dma.local @!p0 [hbm:s6], $0xF7A  }
0x23: {  	s9 =	sor.u32 $0xD0000000, s2;
	s6 =	simm.s32 $0x108;
	_ =	swait.ge @!p0 [sflag:s8], $0x0  }
0x24: {  	s3 =	sadd.s32 $0x88, s3;
	s6 =	simm.s32 @!p1 $0x1082;
	[sflag:s4] =	ssyncset.s32 $0xFFFFF086  }
0x25: {  	[simem:s6], [sflag:s4] =	dma.local [hbm:s3], $0xF7A  }
0x26: {  	[smem:$0x3F99] =	sst s1;
	(tag) =	ssettag s2;
	_ =	strace s9  }
0x27: {  	s1 =	sld [smem:$0x3FA9]  }
0x28: {  	s2 =	sld [smem:$0x3FAA]  }
0x29: {  	s4 =	sld [smem:$0x3FAC]  }
0x2a: {  	p0 =	seq.s32 s5, $0x0;
	s5 =	sld [smem:$0x3FAD]  }
0x2b: {  	s6 =	sld [smem:$0x3FAE]  }
0x2c: {  	s7 =	sld [smem:$0x3FAF]  }
0x2d: {  	s3 =	simm.s32 $0x108;
	s8 =	sld [smem:$0x3FB0]  }
0x2e: {  	s3 =	simm.s32 @!p0 $0x1082;
	s9 =	sld [smem:$0x3FB1]  }
0x2f: {  	lr =	sadd.s32 s0, s3;
	s0 =	sld [smem:$0x3FA8]  }
0x30: {  	s3 =	sld [smem:$0x3FAB]  }
0x31: {  	[smem:$0x3FB4] =	sst s10  }
0x32: {  	s10 =	sld [smem:$0x3FB2];
	_ =	sdelay $0x3  }
0x33: {  	p0 =	seq.s32 s10, $0x1;
	s10 =	sld [smem:$0x3FB4];
	_ =	sdelay $0x3  }
0x34: {  	[smem:$0x3FB4] =	sst s10  }
0x35: {  	s10 =	sld [smem:$0x3FB3];
	_ =	sdelay $0x3  }
0x36: {  	p1 =	seq.s32 s10, $0x1;
	s10 =	sld [smem:$0x3FB4];
	_ =	sdelay $0x3  }
0x37: {  	[smem:$0x3FB4] =	sst s10  }
0x38: {  	s10 =	sld [smem:$0x3FB5]  }
0x39: {  	_ = 	snop;
	(pc) =	sbr.ind lr, $3  }
0x3a: {  	_ = 	snop  }
0x3b: {  	_ = 	snop  }
0x3c: {  	p2 =	seq.s32 s10, $0x1;
	s10 =	sld [smem:$0x3FB4]  }
0x3d: {  	_ =	shalt  }
0x3e: {  	_ =	shalt  }
0x3f: {  	_ =	shalt  }
0x40: {  	_ =	shalt  }
0x41: {  	_ =	shalt  }
0x42: {  	_ =	shalt  }
0x43: {  	_ =	shalt  }
0x44: {  	_ =	shalt  }
0x45: {  	_ =	shalt  }
0x46: {  	_ =	shalt  }
0x47: {  	_ =	shalt  }
0x48: {  	_ =	shalt  }
0x49: {  	_ =	shalt  }
0x4a: {  	_ =	shalt  }
0x4b: {  	_ =	shalt  }
0x4c: {  	_ =	shalt  }
0x4d: {  	_ =	shalt  }
0x4e: {  	_ =	shalt  }
0x4f: {  	_ =	shalt  }
0x50: {  	_ =	shalt  }
0x51: {  	_ =	shalt  }
0x52: {  	_ =	shalt  }
0x53: {  	_ =	shalt  }
0x54: {  	_ =	shalt  }
0x55: {  	_ =	shalt  }
0x56: {  	_ =	shalt  }
0x57: {  	_ =	shalt  }
0x58: {  	_ =	shalt  }
0x59: {  	_ =	shalt  }
0x5a: {  	_ =	shalt  }
0x5b: {  	_ =	shalt  }
0x5c: {  	_ =	shalt  }
0x5d: {  	_ =	shalt  }
0x5e: {  	_ =	shalt  }
0x5f: {  	_ =	shalt  }
0x60: {  	_ =	shalt  }
0x61: {  	_ =	shalt  }
0x62: {  	_ =	shalt  }
0x63: {  	_ =	shalt  }
0x64: {  	_ =	shalt  }
0x65: {  	_ =	shalt  }
0x66: {  	_ =	shalt  }
0x67: {  	_ =	shalt  }
0x68: {  	_ =	shalt  }
0x69: {  	_ =	shalt  }
0x6a: {  	_ =	shalt  }
0x6b: {  	_ =	shalt  }
0x6c: {  	_ =	shalt  }
0x6d: {  	_ =	shalt  }
0x6e: {  	_ =	shalt  }
0x6f: {  	_ =	shalt  }
0x70: {  	_ =	shalt  }
0x71: {  	_ =	shalt  }
0x72: {  	_ =	shalt  }
0x73: {  	_ =	shalt  }
0x74: {  	_ =	shalt  }
0x75: {  	_ =	shalt  }
0x76: {  	_ =	shalt  }
0x77: {  	_ =	shalt  }
0x78: {  	_ =	shalt  }
0x79: {  	_ =	shalt  }
0x7a: {  	_ =	shalt  }
0x7b: {  	_ =	shalt  }
0x7c: {  	_ =	shalt  }
0x7d: {  	_ =	shalt  }
0x7e: {  	_ =	shalt  }
0x7f: {  	_ =	shalt  }
0x80: {  	_ =	shalt  }
0x81: {  	_ =	shalt  }
0x82: {  	_ =	shalt  }
0x83: {  	_ =	shalt  }
0x84: {  	_ =	shalt  }
0x85: {  	_ =	shalt  }
0x86: {  	_ =	shalt  }
0x87: {  	_ =	shalt  }
.Lfunc_end0:
.L_simem_size_0:
called_computation.1_lowered:
.L_overlay_start_0:
0x88: {  	s2 =	sld [smem:$0x3FD9]  }
0x89: {  	s3 =	sld [smem:$0x3FFE];
	_ =	sdelay $0x1  }
0x8a: {  	s1 =	srdreg.scid  }
0x8b: {  	s0 =	sand.u32 $0x1, s1  }
0x8c: {  	s17 =	sshll.u32 s0, $0xA;
	s2 =	sadd.s32 s3, s2  }
0x8d: {  	s2 =	sadd.s32 s2, s17  }
0x8e: {  	[smem:$0x3FC0] =	sst s2  }
0x8f: {  	_ = 	snop  }
0x90: {  	s2 =	sld [smem:$0x3FD0];
	(tm) =	ssettm $0x1  }
0x91: {  	s18 =	sld [smem:$0x3FFB];
	_ =	sdelay $0x3  }
0x92: {  	_ =	strace s18  }
0x93: {  	s3 =	sld [smem:$0x3FFC];
	_ =	sdelay $0x3  }
0x94: {  	_ =	strace s3  }
0x95: {  	s3 =	sld [smem:$0x3FFD];
	_ =	sdelay $0x3  }
0x96: {  	_ =	strace s3  }
0x97: {  	_ =	strace $0x8FFFFFFF  }
0x98: {  	s19 =	sld [smem:$0x3FDB];
	_ =	sdelay $0x1  }
0x99: {  	s4 =	simm.s32 $_scs_section_size  }
0x9a: {  	s5 =	simm.s32 $_size__tile_overlayer_lowered;
	s6 =	simm.s32 $_tile_overlayer_lowered  }
0x9b: {  	s22 =	simm.s32 $0x1BFF;
	s21 =	sshll.u32 s6, $0x1;
	s3 =	sadd.s32 s4, s19  }
0x9c: {  	s7 =	simm.s32 $0x0;
	s20 =	sshll.u32 s5, $0x1;
	s5 =	sadd.s32 s21, s3  }
0x9d: {  	[timem:s7], [sflag:s22] =	dma.local [hbm:s5], s20  }
0x9e: {  	_ =	swait.ge [sflag:s22], s20  }
0x9f: {  	s4 =	ssub.s32 $0x0, s20;
	[sflag:s22] =	ssyncset.done $0x0  }
0xa0: {  	[sflag:s22] =	ssyncadd.s32 s4;
	_ =	sdelay $0x1  }
0xa1: {  	s23 =	simm.s32 $0x1B8B  }
0xa2: {  	_ =	swait.ge [sflag:s23], $0x1  }
0xa3: {  	[sflag:s23] =	ssyncset.done $0x0  }
0xa4: {  	s25 =	simm.s32 $0x1B8E;
	s24 =	sld [smem:$0x3FFE];
	[sflag:s23] =	ssyncadd.s32 $0xFFFFFFFF  }
0xa5: {  	s26 =	simm.s32 $execute0_lowered;
	[smem:$0x3FD2] =	sst s25  }
0xa6: {  	s5 =	sshll.u32 s26, $0x1;
	_ =	strace $0x80000049;
	[dreg:$0x1] =	wrdreg $0xFFFFFFFF  }
0xa7: {  	s28 =	simm.s32 $_size_execute0_lowered;
	s3 =	sadd.s32 s3, s5;
	[dreg:$0x0] =	wrdreg $0x0  }
0xa8: {  	s5 =	sshll.u32 s28, $0x1;
	[dreg:$0x2] =	wrdreg s3  }
0xa9: {  	[dreg:$0x3] =	wrdreg s5  }
0xaa: {  	[dreg:$0x4] =	wrdreg $0xC0  }
0xab: {  	_ =	task [dreg:s7], $0x5FFFF  }
0xac: {  	[dreg:$0x1] =	wrdreg $0xFFFFFFFF  }
0xad: {  	[dreg:$0x0] =	wrdreg $0x60  }
0xae: {  	[dreg:$0x2] =	wrdreg s2  }
0xaf: {  	[dreg:$0x3] =	wrdreg s24  }
0xb0: {  	[dreg:$0x4] =	wrdreg $0xA9000  }
0xb1: {  	[dreg:$0x5] =	wrdreg $0x9  }
0xb2: {  	_ =	task.clear_ibuf [dreg:s7], $0x6FFFF;
	_ =	strace $0x90000049  }
0xb3: {  	s29 =	simm.s32 $0x9;
	_ =	strace $0x8000004B  }
0xb4: {  	_ =	swait.ge [sflag:s29], $0x1  }
0xb5: {  	[sflag:s29] =	ssyncadd.s32 $0xFFFFFFFF  }
0xb6: {  	_ =	strace $0x9000004B  }
0xb7: {  	_ =	sfence  }
0xb8: {  	s30 =	sld [smem:$0x0];
	_ =	sdelay $0x2  }
0xb9: {  	s31 =	sshll.u32 s1, $0xD;
	s1 =	sshrl.u32 s1, $0x2  }
0xba: {  	s3 =	sand.u32 $0x4000, s31;
	s1 =	sadd.s32 s1, s30  }
0xbb: {  	s0 =	sor.u32 s3, s0;
	s1 =	sshll.u32 s1, $0x11  }
0xbc: {  	s0 =	sor.u32 s1, s0  }
0xbd: {  	s0 =	sadd.s32 $0x8F2B, s0  }
0xbe: {  	[sflag:s0] =	ssyncadd.remote.s32 $0x1  }
0xbf: {  	_ =	sfence.sel $0xFFFF  }
0xc0: {  	[dreg:$0x0] =	wrdreg $0xFFFFFFFF;
	(pc) =	sbr.abs _section_cstart, $3  }
0xc1: {  	[dreg:$0x1] =	wrdreg $0xFFFFFFFF  }
0xc2: {  	_ =	task.clear_ibuf [dreg:s7], $0x2FFFF;
	_ =	strace $0x9FFFFFFF  }
0xc3: {  	(tm) =	ssettm $0x7FFFFFFF  }
tec
execute0_lowered:
.L_overlay_start_1:
0x0: {  	(tag) =	ssettag $0x1  }
0x1: {  	s2 =	rddreg [dreg:$0x0]  }
0x2: {  	s0 =	rddreg [dreg:$0x1]  }
0x3: {  	s3 =	rddreg [dreg:$0x2]  }
0x4: {  	s14 =	stileid.u32;
	s5 =	simm.s32 $0x0;
	s4 =	srdreg.scid  }
0x5: {  	s28 =	simm.s32 $0x6900;
	s29 =	simm.s32 $0x3;
	s30 =	simm.s32 $0x1  }
0x6: {  	s31 =	simm.s32 $0x4;
	s1 =	smul.u32 $0x2700, s14;
	[smem:$0x7FF] =	sst s5  }
0x7: {  	s4 =	sand.u32 $0x1, s4;
	s8 =	smul.u32 $0x4E000, s14;
	s9 =	sadd.s32 $0x7600, s0  }
0x8: {  	p0 =	seq.s32 s14, $0xF;
	s5 =	simm.s32 $0x50;
	s17 =	smul.u32 $0x270, s14  }
0x9: {  	s12 =	sadd.s32 $0x138000, s3;
	s22 =	smul.u32 $0x4E0, s14;
	_ =	strace $0x8000004A  }
0xa: {  	s13 =	ssub.s32 $0x2, s4;
	s5 =	simm.s32 @!p0 $0x4E;
	s16 =	smul.u32 $0x2710, s4  }
0xb: {  	s4 =	smul.u32 $0x138800, s4;
	p0 =	sne.s32 s14, $0xF;
	s1 =	sshrl.u32 s1, $0x3  }
0xc: {  	s6 =	sshrl.u32 s13, $0x1;
	s15 =	sshrl.u32 s8, $0x2;
	s23 =	sshrl.u32 s5, $0x1  }
0xd: {  	s26 =	sadd.s32 s22, s9;
	s22 =	simm.s32 $0x5;
	s7 =	sadd.s32 s1, s0  }
0xe: {  	s0 =	sadd.s32 $0x5A800, s0;
	s10 =	ssub.s32 s13, s6;
	s6 =	sadd.s32 s15, s3  }
0xf: {  	s13 =	sadd.s32 s9, s1;
	s21 =	sadd.s32 s17, s16;
	s7 =	sadd.s32 $0x2600, s7  }
0x10: {  	s4 =	sshrl.u32 s4, $0x3;
	s11 =	sadd.s32 $0x4000, s6;
	[dreg:$0x4] =	wrdreg s7  }
0x11: {  	s9 =	sadd.s32 $0x20, s26;
	s18 =	sadd.s32 $0x8000, s6;
	[dreg:$0x5] =	wrdreg s11  }
0x12: {  	s26 =	simm.s32 $0x2880;
	s19 =	sadd.s32 $0xC000, s6;
	[dreg:$0x6] =	wrdreg s18  }
0x13: {  	s20 =	sadd.s32 $0x10000, s6;
	s1 =	sadd.s32 $0x10, s13;
	[dreg:$0x7] =	wrdreg s19  }
0x14: {  	s4 =	sadd.s32 s0, s4;
	s25 =	smax.u32 s10, $0x1;
	[dreg:$0x8] =	wrdreg s20  }
0x15: {  	[dreg:$0x9] =	wrdreg s1;
	s1 =	sshll.u32 s21, $0x4;
	s24 =	sadd.s32 $0x27000, s4  }
0x16: {  	[dreg:$0xc] =	wrdreg s25;
	s18 =	sadd.s32 $0xFFFFFFFD, s5;
	s19 =	sadd.s32 $0x4F0, s13  }
0x17: {  	s20 =	sadd.s32 $0xFFFFFFFF, s23;
	s23 =	simm.s32 $0x2900;
	s25 =	simm.s32 $0x80  }
0x18: {  	s4 =	simm.s32 $0x0;
	s0 =	sadd.s32 s0, s1;
	[dreg:$0xb] =	wrdreg s24  }
0x19: {  	v1 =	vimm.f32 $0.0e+00;
	v0 =	vmov s16;
	s24 =	simm.s32 $0x2800;
	[dreg:$0xa] =	wrdreg s0;
	s0 =	simm.s32 $0x2  }
.LBB2_1:
0x1a: {  	s1 =	simm.s32 $0x0;
	s7 =	rddreg [dreg:$0x4]  }
0x1b: {  	[tilespmem:s1], [sflag:$0x5] =	stream.linear.gather [hbm4b:s7+s1], $0x2800, $0x38;
	[tilespmem:$0x1E180] =	vst v63  }
0x1c: {  	_ =	swait.ge [sflag:s22], $0x2800  }
0x1d: {  	[sflag:s22] =	ssyncset.done $0x0  }
0x1e: {  	s1 =	simm.s32 $0x0;
	s7 =	simm.s32 $0x40;
	[sflag:s22] =	ssyncadd.s32 $0xFFFFD800  }
.LBB2_2:
0x1f: {  	p1 =	sne.s32 s7, $0x9FC0;
	v2 =	vld [tilespmem:s1+$0x0];
	_ =	sdelay $0x1  }
.Ltmp0:
0x20: {  	(pc) =	sbr.rel @p1 .LBB2_2-.Ltmp0, $3  }
0x21: {  	_ =	sdelay $0x1  }
0x22: {  	v2 =	vadd.s32 v0, v2  }
0x23: {  	[tilespmem:s1+$0x0] =	vst v2;
	s1 =	sshra.s32 s7, $0x2;
	s7 =	sadd.s32 $0x40, s7  }
0x24: {  	v2 =	vld [tilespmem:s1+$0x0];
	_ =	sdelay $0x4  }
0x25: {  	v2 =	vadd.s32 v0, v2  }
0x26: {  	s7 =	simm.s32 $0x200;
	[tilespmem:s1+$0x0] =	vst v2;
	s1 =	simm.s32 $0x0  }
.LBB2_4:
0x27: {  	p1 =	sne.s32 s7, $0xFE00;
	[tilespmem:s1+$0x2970] =	vst v1  }
0x28: {  	[tilespmem:s1+$0x2900] =	vst v1  }
0x29: {  	[tilespmem:s1+$0x2910] =	vst v1  }
.Ltmp1:
0x2a: {  	[tilespmem:s1+$0x2920] =	vst v1;
	(pc) =	sbr.rel @p1 .LBB2_4-.Ltmp1, $4  }
0x2b: {  	[tilespmem:s1+$0x2930] =	vst v1  }
0x2c: {  	[tilespmem:s1+$0x2940] =	vst v1  }
0x2d: {  	[tilespmem:s1+$0x2950] =	vst v1  }
0x2e: {  	[tilespmem:s1+$0x2960] =	vst v1;
	s1 =	sshra.s32 s7, $0x2;
	s7 =	sadd.s32 $0x200, s7  }
0x2f: {  	[tilespmem:s1+$0x2970] =	vst v1  }
0x30: {  	[tilespmem:s1+$0x2900] =	vst v1  }
0x31: {  	[tilespmem:s1+$0x2910] =	vst v1  }
0x32: {  	[tilespmem:s1+$0x2920] =	vst v1  }
0x33: {  	[tilespmem:s1+$0x2930] =	vst v1  }
0x34: {  	[tilespmem:s1+$0x2940] =	vst v1  }
0x35: {  	[tilespmem:s1+$0x2950] =	vst v1  }
0x36: {  	[tilespmem:s1+$0x2960] =	vst v1  }
0x37: {  	[spmem:s6] =	stream.linear.scatter [tilespmem:s23], [sflag:$0x5], $0x4000, $0x38;
	[tilespmem:$0x1E180] =	vst v63  }
0x38: {  	_ =	swait.ge [sflag:s22], $0x4000  }
0x39: {  	[sflag:s22] =	ssyncset.done $0x0  }
0x3a: {  	s15 =	rddreg [dreg:$0x5];
	[sflag:s22] =	ssyncadd.s32 $0xFFFFC000  }
0x3b: {  	[spmem:s15] =	stream.linear.scatter [tilespmem:s23], [sflag:$0x5], $0x4000, $0x38;
	[tilespmem:$0x1E180] =	vst v63  }
0x3c: {  	_ =	swait.ge [sflag:s22], $0x4000  }
0x3d: {  	[sflag:s22] =	ssyncset.done $0x0  }
0x3e: {  	s16 =	rddreg [dreg:$0x6];
	[sflag:s22] =	ssyncadd.s32 $0xFFFFC000  }
0x3f: {  	[spmem:s16] =	stream.linear.scatter [tilespmem:s23], [sflag:$0x5], $0x4000, $0x38;
	[tilespmem:$0x1E180] =	vst v63  }
0x40: {  	_ =	swait.ge [sflag:s22], $0x4000  }
0x41: {  	[sflag:s22] =	ssyncset.done $0x0  }
0x42: {  	s17 =	rddreg [dreg:$0x7];
	[sflag:s22] =	ssyncadd.s32 $0xFFFFC000  }
0x43: {  	[spmem:s17] =	stream.linear.scatter [tilespmem:s23], [sflag:$0x5], $0x4000, $0x38;
	[tilespmem:$0x1E180] =	vst v63  }
0x44: {  	_ =	swait.ge [sflag:s22], $0x4000  }
0x45: {  	[sflag:s22] =	ssyncset.done $0x0  }
0x46: {  	s21 =	rddreg [dreg:$0x8];
	[sflag:s22] =	ssyncadd.s32 $0xFFFFC000  }
0x47: {  	[spmem:s21] =	stream.linear.scatter [tilespmem:s23], [sflag:$0x5], $0x3800, $0x38;
	[tilespmem:$0x1E180] =	vst v63  }
0x48: {  	_ =	swait.ge [sflag:s22], $0x3800  }
0x49: {  	[sflag:s22] =	ssyncset.done $0x0  }
0x4a: {  	s1 =	simm.s32 @!p0 $0x2900;
	[sflag:s22] =	ssyncadd.s32 $0xFFFFC800  }
0x4b: {  	[spmem:s12] =	stream.linear.scatter @!p0 [tilespmem:s1], [sflag:$0x5], $0x800, $0x38;
	[tilespmem:$0x1E180] =	vst v63  }
0x4c: {  	s1 =	simm.s32 @!p0 $0x5  }
0x4d: {  	_ =	swait.ge @!p0 [sflag:s1], $0x800  }
0x4e: {  	[sflag:s1] =	ssyncset.done @!p0 $0x0  }
0x4f: {  	[sflag:s1] =	ssyncadd.s32 @!p0 $0xFFFFF800  }
0x50: {  	s7 =	simm.s32 $0x0;
	[bflag:$0x0] =	sbarrier.arrive $0xFFFF  }
0x51: {  	[tilespmem:s24], [sflag:$0x3] =	stream.linear.gather [hbm4b:s13+s7], $0x80, $0x38;
	[tilespmem:$0x1E180] =	vst v63  }
0x52: {  	_ = 	snop  }
0x53: {  	[tilespmem:s23], [sflag:$0x1] =	stream.indirect.gather [hbm4b:s2+s25], $0x80, s7, s25, $0xb8;
	[tilespmem:$0x1E180] =	vst v63  }
0x54: {  	s8 =	rddreg [dreg:$0x9]  }
0x55: {  	[tilespmem:s26], [sflag:$0x4] =	stream.linear.gather [hbm4b:s8+s7], $0x80, $0x38;
	[tilespmem:$0x1E180] =	vst v63  }
0x56: {  	_ = 	snop  }
0x57: {  	[tilespmem:s28], [sflag:$0x2] =	stream.indirect.gather [hbm4b:s2+s25], $0x80, s25, s25, $0xb8;
	[tilespmem:$0x1E180] =	vst v63  }
0x58: {  	_ =	swait.ge [sflag:s29], $0x80  }
0x59: {  	[sflag:s29] =	ssyncset.done $0x0  }
0x5a: {  	[sflag:s29] =	ssyncadd.s32 $0xFFFFFF80  }
0x5b: {  	_ =	swait.ge [sflag:s30], $0x4000  }
0x5c: {  	[sflag:s30] =	ssyncset.done $0x0  }
0x5d: {  	[sflag:s30] =	ssyncadd.s32 $0xFFFFC000  }
0x5e: {  	[spmem:s3] =	stream.indirect.scatter.add.f32 [tilespmem:s23], [sflag:$0x5], $0x80, s24, s25, $0xb8;
	[tilespmem:$0x1E180] =	vst v63  }
0x5f: {  	_ =	swait.ge [sflag:s22], $0x4000  }
0x60: {  	p1 =	sle.u32 s5, $0x2;
	[sflag:s22] =	ssyncset.done $0x0  }
0x61: {  	s7 =	simm.s32 @!p1 $0x0;
	s8 =	simm.s32 @!p1 $0x2800;
	[sflag:s22] =	ssyncadd.s32 $0xFFFFC000  }
0x62: {  	[tilespmem:s8], [sflag:$0x3] =	stream.linear.gather @!p1 [hbm4b:s9+s7], $0x80, $0x38;
	[tilespmem:$0x1E180] =	vst v63  }
0x63: {  	s10 =	simm.s32 @!p1 $0x2900;
	s7 =	simm.s32 $0x100;
	s8 =	simm.s32 @!p1 $0x80  }
0x64: {  	[tilespmem:s10], [sflag:$0x1] =	stream.indirect.gather @!p1 [hbm4b:s2+s8], $0x80, s7, s8, $0xb8;
	[tilespmem:$0x1E180] =	vst v63  }
0x65: {  	_ =	swait.ge [sflag:s31], $0x80  }
0x66: {  	[sflag:s31] =	ssyncset.done $0x0  }
0x67: {  	[sflag:s31] =	ssyncadd.s32 $0xFFFFFF80  }
0x68: {  	_ =	swait.ge [sflag:s0], $0x4000  }
0x69: {  	s10 =	sadd.s32 $0xFFFFFFFF, s20;
	[sflag:s0] =	ssyncset.done $0x0  }
0x6a: {  	p2 =	sle.u32 s5, $0x3;
	p1 =	sne.s32 s10, $0x0;
	[sflag:s0] =	ssyncadd.s32 $0xFFFFC000  }
0x6b: {  	[spmem:s3] =	stream.indirect.scatter.add.f32 [tilespmem:s28], [sflag:$0x5], $0x80, s26, s25, $0xb8;
	[tilespmem:$0x1E180] =	vst v63  }
.Ltmp2:
0x6c: {  	s11 =	simm.s32 @!p2 $0x2880;
	_ =	swait.ge [sflag:s22], $0x4000;
	(pc) =	sbr.rel @!p1 .LBB2_7-.Ltmp2, $4  }
0x6d: {  	s14 =	simm.s32 @!p2 $0x180;
	s21 =	smov.u32 s9;
	[sflag:s22] =	ssyncset.done $0x0  }
0x6e: {  	s7 =	sadd.s32 @!p2 $0x10, s9;
	s8 =	simm.s32 @!p2 $0x0;
	[sflag:s22] =	ssyncadd.s32 $0xFFFFC000  }
0x6f: {  	[tilespmem:s11], [sflag:$0x4] =	stream.linear.gather @!p2 [hbm4b:s7+s8], $0x80, $0x38;
	[tilespmem:$0x1E180] =	vst v63  }
0x70: {  	s7 =	simm.s32 $0x2;
	s8 =	simm.s32 $0x200;
	s11 =	simm.s32 @!p2 $0x6900  }
.LBB2_6:
0x71: {  	s10 =	sadd.s32 $0xFFFFFFFF, s10;
	s15 =	simm.s32 @!p2 $0x80;
	s21 =	sadd.s32 $0x20, s21  }
0x72: {  	[tilespmem:s11], [sflag:$0x2] =	stream.indirect.gather @!p2 [hbm4b:s2+s15], $0x80, s14, s15, $0xb8;
	[tilespmem:$0x1E180] =	vst v63  }
0x73: {  	p1 =	sne.s32 s10, $0x0;
	s11 =	smov.u32 s7;
	_ =	swait.ge [sflag:s29], $0x80  }
0x74: {  	s14 =	smov.u32 s8;
	[sflag:s29] =	ssyncset.done $0x0  }
0x75: {  	[sflag:s29] =	ssyncadd.s32 $0xFFFFFF80  }
0x76: {  	_ =	swait.ge [sflag:s30], $0x4000  }
0x77: {  	[sflag:s30] =	ssyncset.done $0x0  }
0x78: {  	[sflag:s30] =	ssyncadd.s32 $0xFFFFC000  }
0x79: {  	[spmem:s3] =	stream.indirect.scatter.add.f32 [tilespmem:s23], [sflag:$0x5], $0x80, s24, s25, $0xb8;
	[tilespmem:$0x1E180] =	vst v63  }
0x7a: {  	s7 =	sadd.s32 $0x2, s7;
	_ =	swait.ge [sflag:s22], $0x4000  }
0x7b: {  	p2 =	sge.u32 s7, s5;
	[sflag:s22] =	ssyncset.done $0x0  }
0x7c: {  	s15 =	simm.s32 @!p2 $0x0;
	s16 =	simm.s32 @!p2 $0x2800;
	[sflag:s22] =	ssyncadd.s32 $0xFFFFC000  }
0x7d: {  	[tilespmem:s16], [sflag:$0x3] =	stream.linear.gather @!p2 [hbm4b:s21+s15], $0x80, $0x38;
	[tilespmem:$0x1E180] =	vst v63  }
0x7e: {  	s15 =	simm.s32 @!p2 $0x80;
	s16 =	simm.s32 @!p2 $0x2900  }
0x7f: {  	[tilespmem:s16], [sflag:$0x1] =	stream.indirect.gather @!p2 [hbm4b:s2+s15], $0x80, s8, s15, $0xb8;
	[tilespmem:$0x1E180] =	vst v63  }
0x80: {  	_ =	swait.ge [sflag:s31], $0x80  }
0x81: {  	[sflag:s31] =	ssyncset.done $0x0  }
0x82: {  	[sflag:s31] =	ssyncadd.s32 $0xFFFFFF80  }
0x83: {  	_ =	swait.ge [sflag:s0], $0x4000  }
0x84: {  	[sflag:s0] =	ssyncset.done $0x0  }
0x85: {  	[sflag:s0] =	ssyncadd.s32 $0xFFFFC000  }
0x86: {  	[spmem:s3] =	stream.indirect.scatter.add.f32 [tilespmem:s28], [sflag:$0x5], $0x80, s26, s25, $0xb8;
	[tilespmem:$0x1E180] =	vst v63  }
.Ltmp3:
0x87: {  	s11 =	sadd.s32 $0x3, s11;
	_ =	swait.ge [sflag:s22], $0x4000;
	(pc) =	sbr.rel @p1 .LBB2_6-.Ltmp3, $4  }
0x88: {  	p2 =	sge.u32 s11, s5;
	s8 =	sadd.s32 $0x100, s8;
	[sflag:s22] =	ssyncset.done $0x0  }
0x89: {  	s15 =	sadd.s32 @!p2 $0x10, s21;
	s11 =	simm.s32 @!p2 $0x6900;
	[sflag:s22] =	ssyncadd.s32 $0xFFFFC000  }
0x8a: {  	s16 =	simm.s32 @!p2 $0x0;
	s17 =	simm.s32 @!p2 $0x2880;
	s14 =	sadd.s32 @!p2 $0x80, s14  }
0x8b: {  	[tilespmem:s17], [sflag:$0x4] =	stream.linear.gather @!p2 [hbm4b:s15+s16], $0x80, $0x38;
	[tilespmem:$0x1E180] =	vst v63  }
.LBB2_7:
0x8c: {  	s10 =	simm.s32 @!p2 $0x80  }
0x8d: {  	[tilespmem:s11], [sflag:$0x2] =	stream.indirect.gather @!p2 [hbm4b:s2+s10], $0x80, s14, s10, $0xb8;
	[tilespmem:$0x1E180] =	vst v63  }
0x8e: {  	_ =	swait.ge [sflag:s29], $0x80  }
0x8f: {  	[sflag:s29] =	ssyncset.done $0x0  }
0x90: {  	[sflag:s29] =	ssyncadd.s32 $0xFFFFFF80  }
0x91: {  	_ =	swait.ge [sflag:s30], $0x4000  }
0x92: {  	[sflag:s30] =	ssyncset.done $0x0  }
0x93: {  	[sflag:s30] =	ssyncadd.s32 $0xFFFFC000  }
0x94: {  	[spmem:s3] =	stream.indirect.scatter.add.f32 [tilespmem:s23], [sflag:$0x5], $0x80, s24, s25, $0xb8;
	[tilespmem:$0x1E180] =	vst v63  }
0x95: {  	s14 =	sadd.s32 $0x2, s7;
	_ =	swait.ge [sflag:s22], $0x4000  }
0x96: {  	s11 =	sadd.s32 $0x20, s21;
	p1 =	sge.u32 s14, s5;
	[sflag:s22] =	ssyncset.done $0x0  }
0x97: {  	s10 =	simm.s32 @!p1 $0x0;
	s14 =	simm.s32 @!p1 $0x2800;
	[sflag:s22] =	ssyncadd.s32 $0xFFFFC000  }
0x98: {  	[tilespmem:s14], [sflag:$0x3] =	stream.linear.gather @!p1 [hbm4b:s11+s10], $0x80, $0x38;
	[tilespmem:$0x1E180] =	vst v63  }
0x99: {  	s10 =	simm.s32 @!p1 $0x80;
	s11 =	simm.s32 @!p1 $0x2900  }
0x9a: {  	[tilespmem:s11], [sflag:$0x1] =	stream.indirect.gather @!p1 [hbm4b:s2+s10], $0x80, s8, s10, $0xb8;
	[tilespmem:$0x1E180] =	vst v63  }
0x9b: {  	_ =	swait.ge [sflag:s31], $0x80  }
0x9c: {  	[sflag:s31] =	ssyncset.done $0x0  }
0x9d: {  	[sflag:s31] =	ssyncadd.s32 $0xFFFFFF80  }
0x9e: {  	_ =	swait.ge [sflag:s0], $0x4000  }
0x9f: {  	[sflag:s0] =	ssyncset.done $0x0  }
0xa0: {  	[sflag:s0] =	ssyncadd.s32 $0xFFFFC000  }
0xa1: {  	[spmem:s3] =	stream.indirect.scatter.add.f32 [tilespmem:s28], [sflag:$0x5], $0x80, s26, s25, $0xb8;
	[tilespmem:$0x1E180] =	vst v63  }
0xa2: {  	_ =	swait.ge [sflag:s22], $0x4000  }
0xa3: {  	s15 =	stileid.u32;
	p1 =	sge.u32 s7, s18;
	[sflag:s22] =	ssyncset.done $0x0  }
0xa4: {  	s7 =	simm.s32 @!p1 $0x0;
	s8 =	simm.s32 @!p1 $0x2880;
	[sflag:s22] =	ssyncadd.s32 $0xFFFFC000  }
0xa5: {  	[tilespmem:s8], [sflag:$0x4] =	stream.linear.gather @!p1 [hbm4b:s19+s7], $0x80, $0x38;
	[tilespmem:$0x1E180] =	vst v63  }
0xa6: {  	s10 =	simm.s32 @!p1 $0x6900;
	s7 =	simm.s32 @!p1 $0x80;
	s8 =	simm.s32 @!p1 $0x2780  }
0xa7: {  	[tilespmem:s10], [sflag:$0x2] =	stream.indirect.gather @!p1 [hbm4b:s2+s7], $0x80, s8, s7, $0xb8;
	[tilespmem:$0x1E180] =	vst v63  }
0xa8: {  	s7 =	sshll.u32 s15, $0x6;
	[bflag:$0x0] =	sbarrier.arrive $0xFFFF  }
0xa9: {  	s16 =	sshrl.u32 s6, $0x3;
	s7 =	sor.u32 $0x1C05, s7;
	s17 =	rddreg [dreg:$0xa]  }
0xaa: {  	[hbm:s17], [sflag:s7] =	dma.local [spmem:s16], $0x2700  }
0xab: {  	_ =	swait.ge [sflag:s22], $0x2700  }
0xac: {  	[sflag:s22] =	ssyncset.done $0x0  }
0xad: {  	s8 =	sshrl.u32 @!p0 s12, $0x3;
	s10 =	rddreg [dreg:$0xb];
	[sflag:s22] =	ssyncadd.s32 $0xFFFFD900  }
0xae: {  	[hbm:s10], [sflag:s7] =	dma.local @!p0 [spmem:s8], $0x100  }
0xaf: {  	_ =	swait.ge @!p0 [sflag:s1], $0x100  }
0xb0: {  	s4 =	sadd.s32 $0x1, s4;
	s21 =	rddreg [dreg:$0xc]  }
0xb1: {  	p1 =	sne.s32 s4, s21  }
.Ltmp4:
0xb2: {  	_ = 	snop;
	(pc) =	sbr.rel @p1 .LBB2_1-.Ltmp4, $3  }
0xb3: {  	_ =	sdelay $0x1  }
0xb4: {  	[sflag:s1] =	ssyncset.done @!p0 $0x0  }
0xb5: {  	[sflag:s1] =	ssyncadd.s32 @!p0 $0xFFFFFF00  }
0xb6: {  	_ =	sfence.sel $0x180000  }
0xb7: {  	[bflag:$0x0] =	sbarrier.arrive $0xFFFF  }
0xb8: {  	_ =	strace $0x9000004A  }
0xb9: {  	s0 =	stileid.u32;
	[bflag:$0x2] =	sbarrier.arrive $0xFFFF  }
0xba: {  	p0 =	sne.s32 s0, $0x0;
	s0 =	rddreg [dreg:$0x3]  }
0xbb: {  	s0 =	sadd.s32 @!p0 $0x100000, s0  }
0xbc: {  	[sflag:s0] =	ssyncadd.tile.s32 @!p0 $0x1;
	_ =	shalt  }
.Lfunc_end2:
_tile_overlayer_lowered:
.L_overlay_start_2:
0xbd: {  	(tag) =	ssettag $0x2  }
0xbe: {  	s0 =	rddreg [dreg:$0x0];
	s2 =	stileid.u32  }
0xbf: {  	s1 =	rddreg [dreg:$0x1];
	p0 =	sne.s32 s2, $0x0  }
0xc0: {  	s3 =	rddreg [dreg:$0x2];
	[bflag:$0x3] =	sbarrier.arrive $0xFFFF;
	s2 =	simm.s32 @!p0 $0x1C05  }
0xc1: {  	[timem:s3], [sflag:s2] =	dma.local @!p0 [hbm:s0], s1  }
0xc2: {  	s0 =	simm.s32 @!p0 $0x5  }
0xc3: {  	_ =	swait.ge @!p0 [sflag:s0], s1  }
0xc4: {  	s1 =	ssub.s32 @!p0 $0x0, s1;
	[sflag:s0] =	ssyncset.done @!p0 $0x0  }
0xc5: {  	[sflag:s0] =	ssyncadd.s32 @!p0 s1  }
0xc6: {  	[bflag:$0x3] =	sbarrier.arrive $0xFFFF  }
0xc7: {  	_ =	shalt  }

// kernel: kernel.14.cloned.1.call-start
scs
__scs_entry_jumppad:
0x0: {  	(pc) =	sbr.rel $0x88, $3  }
0x1: {  	(tag) =	ssettag $0x0;
	lr =	simm.s32 $0x1  }
0x2: {  	[smem:$0x3F99] =	sst lr;
	_ =	strace $0xD0000000  }
0x3: {  	_ = 	snop  }
0x4: {  	_ = 	snop  }
0x5: {  	_ = 	snop  }
0x6: {  	_ = 	snop  }
0x7: {  	_ = 	snop  }
__scs_overlays_trampoline_lowered:
0x8: {  	[smem:$0x3FA8] =	sst s0  }
0x9: {  	[smem:$0x3FA9] =	sst s1  }
0xa: {  	[smem:$0x3FAA] =	sst s2  }
0xb: {  	[smem:$0x3FAB] =	sst s3  }
0xc: {  	[smem:$0x3FAC] =	sst s4  }
0xd: {  	[smem:$0x3FAD] =	sst s5  }
0xe: {  	[smem:$0x3FAE] =	sst s6  }
0xf: {  	[smem:$0x3FAF] =	sst s7  }
0x10: {  	[smem:$0x3FB0] =	sst s8  }
0x11: {  	[smem:$0x3FB1] =	sst s9;
	s0 =	simm.s32 @!p0 $0x0  }
0x12: {  	s1 =	sld [smem:$0x3F97];
	s0 =	simm.s32 @p0 $0x1  }
0x13: {  	[smem:$0x3FB2] =	sst s0;
	s0 =	simm.s32 @!p1 $0x0  }
0x14: {  	s2 =	sld [smem:$0x3F96];
	s0 =	simm.s32 @p1 $0x1  }
0x15: {  	[smem:$0x3FB3] =	sst s0;
	s0 =	simm.s32 @!p2 $0x0  }
0x16: {  	s3 =	sld [smem:$0x3FDB];
	s0 =	simm.s32 @p2 $0x1  }
0x17: {  	s4 =	simm.s32 $0x1BF5;
	[smem:$0x3FB5] =	sst s0  }
0x18: {  	s0 =	sld [smem:$0x3F98];
	_ =	swait.ge [sflag:s4], $0x0  }
0x19: {  	s7 =	sld [smem:$0x3F99]  }
0x1a: {  	s8 =	sadd.s32 $0xFFFFE003, lr  }
0x1b: {  	s9 =	sadd.s32 $0xFFFFFEF7, lr;
	s5 =	simm.s32 $0xFFFFFFFF;
	p2 =	slt.u32 s8, $0xFFFFF086  }
0x1c: {  	p1 =	slt.u32 s9, $0xF7A;
	s5 =	simm.s32 @!p2 $0x0  }
0x1d: {  	s5 =	simm.s32 @p1 $0x1;
	p0 =	seq.s32 s7, s2  }
0x1e: {  	s7 =	smul.u32 @!p0 $0xF7A, s2;
	p2 =	seq.s32 @!p0 s5, $0x0  }
0x1f: {  	s9 =	smul.u32 $0xF7A, s1;
	s8 =	simm.s32 @!p0 $0x1BF5;
	p2 =	por !p2, p0  }
0x20: {  	[sflag:s8] =	ssyncset.s32 @!p0 $0xFFFFF086;
	s6 =	sadd.s32 @!p0 s3, s7;
	s7 =	simm.s32 @!p0 $0x108  }
0x21: {  	s3 =	sadd.s32 s3, s9;
	s6 =	sadd.s32 @!p0 $0x88, s6;
	s7 =	simm.s32 @p2 $0x1082  }
0x22: {  	[simem:s7], [sflag:s8] =	dma.local @!p0 [hbm:s6], $0xF7A  }
0x23: {  	s9 =	sor.u32 $0xD0000000, s2;
	s6 =	simm.s32 $0x108;
	_ =	swait.ge @!p0 [sflag:s8], $0x0  }
0x24: {  	s3 =	sadd.s32 $0x88, s3;
	s6 =	simm.s32 @!p1 $0x1082;
	[sflag:s4] =	ssyncset.s32 $0xFFFFF086  }
0x25: {  	[simem:s6], [sflag:s4] =	dma.local [hbm:s3], $0xF7A  }
0x26: {  	[smem:$0x3F99] =	sst s1;
	(tag) =	ssettag s2;
	_ =	strace s9  }
0x27: {  	s1 =	sld [smem:$0x3FA9]  }
0x28: {  	s2 =	sld [smem:$0x3FAA]  }
0x29: {  	s4 =	sld [smem:$0x3FAC]  }
0x2a: {  	p0 =	seq.s32 s5, $0x0;
	s5 =	sld [smem:$0x3FAD]  }
0x2b: {  	s6 =	sld [smem:$0x3FAE]  }
0x2c: {  	s7 =	sld [smem:$0x3FAF]  }
0x2d: {  	s3 =	simm.s32 $0x108;
	s8 =	sld [smem:$0x3FB0]  }
0x2e: {  	s3 =	simm.s32 @!p0 $0x1082;
	s9 =	sld [smem:$0x3FB1]  }
0x2f: {  	lr =	sadd.s32 s0, s3;
	s0 =	sld [smem:$0x3FA8]  }
0x30: {  	s3 =	sld [smem:$0x3FAB]  }
0x31: {  	[smem:$0x3FB4] =	sst s10  }
0x32: {  	s10 =	sld [smem:$0x3FB2];
	_ =	sdelay $0x3  }
0x33: {  	p0 =	seq.s32 s10, $0x1;
	s10 =	sld [smem:$0x3FB4];
	_ =	sdelay $0x3  }
0x34: {  	[smem:$0x3FB4] =	sst s10  }
0x35: {  	s10 =	sld [smem:$0x3FB3];
	_ =	sdelay $0x3  }
0x36: {  	p1 =	seq.s32 s10, $0x1;
	s10 =	sld [smem:$0x3FB4];
	_ =	sdelay $0x3  }
0x37: {  	[smem:$0x3FB4] =	sst s10  }
0x38: {  	s10 =	sld [smem:$0x3FB5]  }
0x39: {  	_ = 	snop;
	(pc) =	sbr.ind lr, $3  }
0x3a: {  	_ = 	snop  }
0x3b: {  	_ = 	snop  }
0x3c: {  	p2 =	seq.s32 s10, $0x1;
	s10 =	sld [smem:$0x3FB4]  }
0x3d: {  	_ =	shalt  }
0x3e: {  	_ =	shalt  }
0x3f: {  	_ =	shalt  }
0x40: {  	_ =	shalt  }
0x41: {  	_ =	shalt  }
0x42: {  	_ =	shalt  }
0x43: {  	_ =	shalt  }
0x44: {  	_ =	shalt  }
0x45: {  	_ =	shalt  }
0x46: {  	_ =	shalt  }
0x47: {  	_ =	shalt  }
0x48: {  	_ =	shalt  }
0x49: {  	_ =	shalt  }
0x4a: {  	_ =	shalt  }
0x4b: {  	_ =	shalt  }
0x4c: {  	_ =	shalt  }
0x4d: {  	_ =	shalt  }
0x4e: {  	_ =	shalt  }
0x4f: {  	_ =	shalt  }
0x50: {  	_ =	shalt  }
0x51: {  	_ =	shalt  }
0x52: {  	_ =	shalt  }
0x53: {  	_ =	shalt  }
0x54: {  	_ =	shalt  }
0x55: {  	_ =	shalt  }
0x56: {  	_ =	shalt  }
0x57: {  	_ =	shalt  }
0x58: {  	_ =	shalt  }
0x59: {  	_ =	shalt  }
0x5a: {  	_ =	shalt  }
0x5b: {  	_ =	shalt  }
0x5c: {  	_ =	shalt  }
0x5d: {  	_ =	shalt  }
0x5e: {  	_ =	shalt  }
0x5f: {  	_ =	shalt  }
0x60: {  	_ =	shalt  }
0x61: {  	_ =	shalt  }
0x62: {  	_ =	shalt  }
0x63: {  	_ =	shalt  }
0x64: {  	_ =	shalt  }
0x65: {  	_ =	shalt  }
0x66: {  	_ =	shalt  }
0x67: {  	_ =	shalt  }
0x68: {  	_ =	shalt  }
0x69: {  	_ =	shalt  }
0x6a: {  	_ =	shalt  }
0x6b: {  	_ =	shalt  }
0x6c: {  	_ =	shalt  }
0x6d: {  	_ =	shalt  }
0x6e: {  	_ =	shalt  }
0x6f: {  	_ =	shalt  }
0x70: {  	_ =	shalt  }
0x71: {  	_ =	shalt  }
0x72: {  	_ =	shalt  }
0x73: {  	_ =	shalt  }
0x74: {  	_ =	shalt  }
0x75: {  	_ =	shalt  }
0x76: {  	_ =	shalt  }
0x77: {  	_ =	shalt  }
0x78: {  	_ =	shalt  }
0x79: {  	_ =	shalt  }
0x7a: {  	_ =	shalt  }
0x7b: {  	_ =	shalt  }
0x7c: {  	_ =	shalt  }
0x7d: {  	_ =	shalt  }
0x7e: {  	_ =	shalt  }
0x7f: {  	_ =	shalt  }
0x80: {  	_ =	shalt  }
0x81: {  	_ =	shalt  }
0x82: {  	_ =	shalt  }
0x83: {  	_ =	shalt  }
0x84: {  	_ =	shalt  }
0x85: {  	_ =	shalt  }
0x86: {  	_ =	shalt  }
0x87: {  	_ =	shalt  }
.Lfunc_end0:
.L_simem_size_0:
called_computation.2_lowered:
.L_overlay_start_0:
0x88: {  	s2 =	sld [smem:$0x3FD9]  }
0x89: {  	s3 =	sld [smem:$0x3FFE];
	_ =	sdelay $0x1  }
0x8a: {  	s1 =	srdreg.scid  }
0x8b: {  	s0 =	sand.u32 $0x1, s1  }
0x8c: {  	s17 =	sshll.u32 s0, $0xA;
	s2 =	sadd.s32 s3, s2  }
0x8d: {  	s2 =	sadd.s32 s2, s17  }
0x8e: {  	[smem:$0x3FC0] =	sst s2  }
0x8f: {  	_ = 	snop  }
0x90: {  	s2 =	sld [smem:$0x3FD0];
	(tm) =	ssettm $0x1  }
0x91: {  	s18 =	sld [smem:$0x3FFB];
	_ =	sdelay $0x3  }
0x92: {  	_ =	strace s18  }
0x93: {  	s3 =	sld [smem:$0x3FFC];
	_ =	sdelay $0x3  }
0x94: {  	_ =	strace s3  }
0x95: {  	s3 =	sld [smem:$0x3FFD];
	_ =	sdelay $0x3  }
0x96: {  	_ =	strace s3  }
0x97: {  	_ =	strace $0x8FFFFFFF  }
0x98: {  	s19 =	sld [smem:$0x3FDB];
	_ =	sdelay $0x1  }
0x99: {  	s4 =	simm.s32 $_scs_section_size  }
0x9a: {  	s5 =	simm.s32 $_size__tile_overlayer_lowered;
	s6 =	simm.s32 $_tile_overlayer_lowered  }
0x9b: {  	s22 =	simm.s32 $0x1BFF;
	s21 =	sshll.u32 s6, $0x1;
	s3 =	sadd.s32 s4, s19  }
0x9c: {  	s7 =	simm.s32 $0x0;
	s20 =	sshll.u32 s5, $0x1;
	s5 =	sadd.s32 s21, s3  }
0x9d: {  	[timem:s7], [sflag:s22] =	dma.local [hbm:s5], s20  }
0x9e: {  	_ =	swait.ge [sflag:s22], s20  }
0x9f: {  	s4 =	ssub.s32 $0x0, s20;
	[sflag:s22] =	ssyncset.done $0x0  }
0xa0: {  	[sflag:s22] =	ssyncadd.s32 s4;
	_ =	sdelay $0x1  }
0xa1: {  	s23 =	simm.s32 $0x1B8B  }
0xa2: {  	_ =	swait.ge [sflag:s23], $0x1  }
0xa3: {  	[sflag:s23] =	ssyncset.done $0x0  }
0xa4: {  	s25 =	simm.s32 $0x1B8E;
	s24 =	sld [smem:$0x3FFE];
	[sflag:s23] =	ssyncadd.s32 $0xFFFFFFFF  }
0xa5: {  	s26 =	simm.s32 $execute0_lowered;
	[smem:$0x3FD2] =	sst s25  }
0xa6: {  	s5 =	sshll.u32 s26, $0x1;
	_ =	strace $0x8000004C;
	[dreg:$0x1] =	wrdreg $0xFFFFFFFF  }
0xa7: {  	s28 =	simm.s32 $_size_execute0_lowered;
	s3 =	sadd.s32 s3, s5;
	[dreg:$0x0] =	wrdreg $0x0  }
0xa8: {  	s5 =	sshll.u32 s28, $0x1;
	[dreg:$0x2] =	wrdreg s3  }
0xa9: {  	[dreg:$0x3] =	wrdreg s5  }
0xaa: {  	[dreg:$0x4] =	wrdreg $0xC0  }
0xab: {  	_ =	task [dreg:s7], $0x5FFFF  }
0xac: {  	[dreg:$0x1] =	wrdreg $0xFFFFFFFF  }
0xad: {  	[dreg:$0x0] =	wrdreg $0x60  }
0xae: {  	[dreg:$0x2] =	wrdreg s2  }
0xaf: {  	[dreg:$0x3] =	wrdreg s24  }
0xb0: {  	[dreg:$0x4] =	wrdreg $0xA9000  }
0xb1: {  	[dreg:$0x5] =	wrdreg $0x9  }
0xb2: {  	_ =	task.clear_ibuf [dreg:s7], $0x6FFFF;
	_ =	strace $0x9000004C  }
0xb3: {  	s29 =	simm.s32 $0x9;
	_ =	strace $0x8000004E  }
0xb4: {  	_ =	swait.ge [sflag:s29], $0x1  }
0xb5: {  	[sflag:s29] =	ssyncadd.s32 $0xFFFFFFFF  }
0xb6: {  	_ =	strace $0x9000004E  }
0xb7: {  	_ =	sfence  }
0xb8: {  	s30 =	sld [smem:$0x0];
	_ =	sdelay $0x2  }
0xb9: {  	s31 =	sshll.u32 s1, $0xD;
	s1 =	sshrl.u32 s1, $0x2  }
0xba: {  	s3 =	sand.u32 $0x4000, s31;
	s1 =	sadd.s32 s1, s30  }
0xbb: {  	s0 =	sor.u32 s3, s0;
	s1 =	sshll.u32 s1, $0x11  }
0xbc: {  	s0 =	sor.u32 s1, s0  }
0xbd: {  	s0 =	sadd.s32 $0x8F2B, s0  }
0xbe: {  	[sflag:s0] =	ssyncadd.remote.s32 $0x1  }
0xbf: {  	_ =	sfence.sel $0xFFFF  }
0xc0: {  	[dreg:$0x0] =	wrdreg $0xFFFFFFFF;
	(pc) =	sbr.abs _section_cstart, $3  }
0xc1: {  	[dreg:$0x1] =	wrdreg $0xFFFFFFFF  }
0xc2: {  	_ =	task.clear_ibuf [dreg:s7], $0x2FFFF;
	_ =	strace $0x9FFFFFFF  }
0xc3: {  	(tm) =	ssettm $0x7FFFFFFF  }
tec
execute0_lowered:
.L_overlay_start_1:
0x0: {  	(tag) =	ssettag $0x1  }
0x1: {  	s2 =	rddreg [dreg:$0x0]  }
0x2: {  	s0 =	rddreg [dreg:$0x1]  }
0x3: {  	s3 =	rddreg [dreg:$0x2]  }
0x4: {  	s14 =	stileid.u32;
	s5 =	simm.s32 $0x0;
	s4 =	srdreg.scid  }
0x5: {  	s28 =	simm.s32 $0x6900;
	s29 =	simm.s32 $0x3;
	s30 =	simm.s32 $0x1  }
0x6: {  	s31 =	simm.s32 $0x4;
	s1 =	smul.u32 $0x2700, s14;
	[smem:$0x7FF] =	sst s5  }
0x7: {  	s4 =	sand.u32 $0x1, s4;
	s8 =	smul.u32 $0x4E000, s14;
	s9 =	sadd.s32 $0x7600, s0  }
0x8: {  	p0 =	seq.s32 s14, $0xF;
	s5 =	simm.s32 $0x50;
	s17 =	smul.u32 $0x270, s14  }
0x9: {  	s12 =	sadd.s32 $0x138000, s3;
	s22 =	smul.u32 $0x4E0, s14;
	_ =	strace $0x8000004D  }
0xa: {  	s13 =	ssub.s32 $0x2, s4;
	s5 =	simm.s32 @!p0 $0x4E;
	s16 =	smul.u32 $0x2710, s4  }
0xb: {  	s4 =	smul.u32 $0x138800, s4;
	p0 =	sne.s32 s14, $0xF;
	s1 =	sshrl.u32 s1, $0x3  }
0xc: {  	s6 =	sshrl.u32 s13, $0x1;
	s15 =	sshrl.u32 s8, $0x2;
	s23 =	sshrl.u32 s5, $0x1  }
0xd: {  	s26 =	sadd.s32 s22, s9;
	s22 =	simm.s32 $0x5;
	s7 =	sadd.s32 s1, s0  }
0xe: {  	s0 =	sadd.s32 $0x5A800, s0;
	s10 =	ssub.s32 s13, s6;
	s6 =	sadd.s32 s15, s3  }
0xf: {  	s13 =	sadd.s32 s9, s1;
	s21 =	sadd.s32 s17, s16;
	s7 =	sadd.s32 $0x2600, s7  }
0x10: {  	s4 =	sshrl.u32 s4, $0x3;
	s11 =	sadd.s32 $0x4000, s6;
	[dreg:$0x4] =	wrdreg s7  }
0x11: {  	s9 =	sadd.s32 $0x20, s26;
	s18 =	sadd.s32 $0x8000, s6;
	[dreg:$0x5] =	wrdreg s11  }
0x12: {  	s26 =	simm.s32 $0x2880;
	s19 =	sadd.s32 $0xC000, s6;
	[dreg:$0x6] =	wrdreg s18  }
0x13: {  	s20 =	sadd.s32 $0x10000, s6;
	s1 =	sadd.s32 $0x10, s13;
	[dreg:$0x7] =	wrdreg s19  }
0x14: {  	s4 =	sadd.s32 s0, s4;
	s25 =	smax.u32 s10, $0x1;
	[dreg:$0x8] =	wrdreg s20  }
0x15: {  	[dreg:$0x9] =	wrdreg s1;
	s1 =	sshll.u32 s21, $0x4;
	s24 =	sadd.s32 $0x27000, s4  }
0x16: {  	[dreg:$0xc] =	wrdreg s25;
	s18 =	sadd.s32 $0xFFFFFFFD, s5;
	s19 =	sadd.s32 $0x4F0, s13  }
0x17: {  	s20 =	sadd.s32 $0xFFFFFFFF, s23;
	s23 =	simm.s32 $0x2900;
	s25 =	simm.s32 $0x80  }
0x18: {  	s4 =	simm.s32 $0x0;
	s0 =	sadd.s32 s0, s1;
	[dreg:$0xb] =	wrdreg s24  }
0x19: {  	v1 =	vimm.f32 $0.0e+00;
	v0 =	vmov s16;
	s24 =	simm.s32 $0x2800;
	[dreg:$0xa] =	wrdreg s0;
	s0 =	simm.s32 $0x2  }
.LBB2_1:
0x1a: {  	s1 =	simm.s32 $0x0;
	s7 =	rddreg [dreg:$0x4]  }
0x1b: {  	[tilespmem:s1], [sflag:$0x5] =	stream.linear.gather [hbm4b:s7+s1], $0x2800, $0x38;
	[tilespmem:$0x1E180] =	vst v63  }
0x1c: {  	_ =	swait.ge [sflag:s22], $0x2800  }
0x1d: {  	[sflag:s22] =	ssyncset.done $0x0  }
0x1e: {  	s1 =	simm.s32 $0x0;
	s7 =	simm.s32 $0x40;
	[sflag:s22] =	ssyncadd.s32 $0xFFFFD800  }
.LBB2_2:
0x1f: {  	p1 =	sne.s32 s7, $0x9FC0;
	v2 =	vld [tilespmem:s1+$0x0];
	_ =	sdelay $0x1  }
.Ltmp0:
0x20: {  	(pc) =	sbr.rel @p1 .LBB2_2-.Ltmp0, $3  }
0x21: {  	_ =	sdelay $0x1  }
0x22: {  	v2 =	vadd.s32 v0, v2  }
0x23: {  	[tilespmem:s1+$0x0] =	vst v2;
	s1 =	sshra.s32 s7, $0x2;
	s7 =	sadd.s32 $0x40, s7  }
0x24: {  	v2 =	vld [tilespmem:s1+$0x0];
	_ =	sdelay $0x4  }
0x25: {  	v2 =	vadd.s32 v0, v2  }
0x26: {  	s7 =	simm.s32 $0x200;
	[tilespmem:s1+$0x0] =	vst v2;
	s1 =	simm.s32 $0x0  }
.LBB2_4:
0x27: {  	p1 =	sne.s32 s7, $0xFE00;
	[tilespmem:s1+$0x2970] =	vst v1  }
0x28: {  	[tilespmem:s1+$0x2900] =	vst v1  }
0x29: {  	[tilespmem:s1+$0x2910] =	vst v1  }
.Ltmp1:
0x2a: {  	[tilespmem:s1+$0x2920] =	vst v1;
	(pc) =	sbr.rel @p1 .LBB2_4-.Ltmp1, $4  }
0x2b: {  	[tilespmem:s1+$0x2930] =	vst v1  }
0x2c: {  	[tilespmem:s1+$0x2940] =	vst v1  }
0x2d: {  	[tilespmem:s1+$0x2950] =	vst v1  }
0x2e: {  	[tilespmem:s1+$0x2960] =	vst v1;
	s1 =	sshra.s32 s7, $0x2;
	s7 =	sadd.s32 $0x200, s7  }
0x2f: {  	[tilespmem:s1+$0x2970] =	vst v1  }
0x30: {  	[tilespmem:s1+$0x2900] =	vst v1  }
0x31: {  	[tilespmem:s1+$0x2910] =	vst v1  }
0x32: {  	[tilespmem:s1+$0x2920] =	vst v1  }
0x33: {  	[tilespmem:s1+$0x2930] =	vst v1  }
0x34: {  	[tilespmem:s1+$0x2940] =	vst v1  }
0x35: {  	[tilespmem:s1+$0x2950] =	vst v1  }
0x36: {  	[tilespmem:s1+$0x2960] =	vst v1  }
0x37: {  	[spmem:s6] =	stream.linear.scatter [tilespmem:s23], [sflag:$0x5], $0x4000, $0x38;
	[tilespmem:$0x1E180] =	vst v63  }
0x38: {  	_ =	swait.ge [sflag:s22], $0x4000  }
0x39: {  	[sflag:s22] =	ssyncset.done $0x0  }
0x3a: {  	s15 =	rddreg [dreg:$0x5];
	[sflag:s22] =	ssyncadd.s32 $0xFFFFC000  }
0x3b: {  	[spmem:s15] =	stream.linear.scatter [tilespmem:s23], [sflag:$0x5], $0x4000, $0x38;
	[tilespmem:$0x1E180] =	vst v63  }
0x3c: {  	_ =	swait.ge [sflag:s22], $0x4000  }
0x3d: {  	[sflag:s22] =	ssyncset.done $0x0  }
0x3e: {  	s16 =	rddreg [dreg:$0x6];
	[sflag:s22] =	ssyncadd.s32 $0xFFFFC000  }
0x3f: {  	[spmem:s16] =	stream.linear.scatter [tilespmem:s23], [sflag:$0x5], $0x4000, $0x38;
	[tilespmem:$0x1E180] =	vst v63  }
0x40: {  	_ =	swait.ge [sflag:s22], $0x4000  }
0x41: {  	[sflag:s22] =	ssyncset.done $0x0  }
0x42: {  	s17 =	rddreg [dreg:$0x7];
	[sflag:s22] =	ssyncadd.s32 $0xFFFFC000  }
0x43: {  	[spmem:s17] =	stream.linear.scatter [tilespmem:s23], [sflag:$0x5], $0x4000, $0x38;
	[tilespmem:$0x1E180] =	vst v63  }
0x44: {  	_ =	swait.ge [sflag:s22], $0x4000  }
0x45: {  	[sflag:s22] =	ssyncset.done $0x0  }
0x46: {  	s21 =	rddreg [dreg:$0x8];
	[sflag:s22] =	ssyncadd.s32 $0xFFFFC000  }
0x47: {  	[spmem:s21] =	stream.linear.scatter [tilespmem:s23], [sflag:$0x5], $0x3800, $0x38;
	[tilespmem:$0x1E180] =	vst v63  }
0x48: {  	_ =	swait.ge [sflag:s22], $0x3800  }
0x49: {  	[sflag:s22] =	ssyncset.done $0x0  }
0x4a: {  	s1 =	simm.s32 @!p0 $0x2900;
	[sflag:s22] =	ssyncadd.s32 $0xFFFFC800  }
0x4b: {  	[spmem:s12] =	stream.linear.scatter @!p0 [tilespmem:s1], [sflag:$0x5], $0x800, $0x38;
	[tilespmem:$0x1E180] =	vst v63  }
0x4c: {  	s1 =	simm.s32 @!p0 $0x5  }
0x4d: {  	_ =	swait.ge @!p0 [sflag:s1], $0x800  }
0x4e: {  	[sflag:s1] =	ssyncset.done @!p0 $0x0  }
0x4f: {  	[sflag:s1] =	ssyncadd.s32 @!p0 $0xFFFFF800  }
0x50: {  	s7 =	simm.s32 $0x0;
	[bflag:$0x0] =	sbarrier.arrive $0xFFFF  }
0x51: {  	[tilespmem:s24], [sflag:$0x3] =	stream.linear.gather [hbm4b:s13+s7], $0x80, $0x38;
	[tilespmem:$0x1E180] =	vst v63  }
0x52: {  	_ = 	snop  }
0x53: {  	[tilespmem:s23], [sflag:$0x1] =	stream.indirect.gather [hbm4b:s2+s25], $0x80, s7, s25, $0xb8;
	[tilespmem:$0x1E180] =	vst v63  }
0x54: {  	s8 =	rddreg [dreg:$0x9]  }
0x55: {  	[tilespmem:s26], [sflag:$0x4] =	stream.linear.gather [hbm4b:s8+s7], $0x80, $0x38;
	[tilespmem:$0x1E180] =	vst v63  }
0x56: {  	_ = 	snop  }
0x57: {  	[tilespmem:s28], [sflag:$0x2] =	stream.indirect.gather [hbm4b:s2+s25], $0x80, s25, s25, $0xb8;
	[tilespmem:$0x1E180] =	vst v63  }
0x58: {  	_ =	swait.ge [sflag:s29], $0x80  }
0x59: {  	[sflag:s29] =	ssyncset.done $0x0  }
0x5a: {  	[sflag:s29] =	ssyncadd.s32 $0xFFFFFF80  }
0x5b: {  	_ =	swait.ge [sflag:s30], $0x4000  }
0x5c: {  	[sflag:s30] =	ssyncset.done $0x0  }
0x5d: {  	[sflag:s30] =	ssyncadd.s32 $0xFFFFC000  }
0x5e: {  	[spmem:s3] =	stream.indirect.scatter.add.f32 [tilespmem:s23], [sflag:$0x5], $0x80, s24, s25, $0xb8;
	[tilespmem:$0x1E180] =	vst v63  }
0x5f: {  	_ =	swait.ge [sflag:s22], $0x4000  }
0x60: {  	p1 =	sle.u32 s5, $0x2;
	[sflag:s22] =	ssyncset.done $0x0  }
0x61: {  	s7 =	simm.s32 @!p1 $0x0;
	s8 =	simm.s32 @!p1 $0x2800;
	[sflag:s22] =	ssyncadd.s32 $0xFFFFC000  }
0x62: {  	[tilespmem:s8], [sflag:$0x3] =	stream.linear.gather @!p1 [hbm4b:s9+s7], $0x80, $0x38;
	[tilespmem:$0x1E180] =	vst v63  }
0x63: {  	s10 =	simm.s32 @!p1 $0x2900;
	s7 =	simm.s32 $0x100;
	s8 =	simm.s32 @!p1 $0x80  }
0x64: {  	[tilespmem:s10], [sflag:$0x1] =	stream.indirect.gather @!p1 [hbm4b:s2+s8], $0x80, s7, s8, $0xb8;
	[tilespmem:$0x1E180] =	vst v63  }
0x65: {  	_ =	swait.ge [sflag:s31], $0x80  }
0x66: {  	[sflag:s31] =	ssyncset.done $0x0  }
0x67: {  	[sflag:s31] =	ssyncadd.s32 $0xFFFFFF80  }
0x68: {  	_ =	swait.ge [sflag:s0], $0x4000  }
0x69: {  	s10 =	sadd.s32 $0xFFFFFFFF, s20;
	[sflag:s0] =	ssyncset.done $0x0  }
0x6a: {  	p2 =	sle.u32 s5, $0x3;
	p1 =	sne.s32 s10, $0x0;
	[sflag:s0] =	ssyncadd.s32 $0xFFFFC000  }
0x6b: {  	[spmem:s3] =	stream.indirect.scatter.add.f32 [tilespmem:s28], [sflag:$0x5], $0x80, s26, s25, $0xb8;
	[tilespmem:$0x1E180] =	vst v63  }
.Ltmp2:
0x6c: {  	s11 =	simm.s32 @!p2 $0x2880;
	_ =	swait.ge [sflag:s22], $0x4000;
	(pc) =	sbr.rel @!p1 .LBB2_7-.Ltmp2, $4  }
0x6d: {  	s14 =	simm.s32 @!p2 $0x180;
	s21 =	smov.u32 s9;
	[sflag:s22] =	ssyncset.done $0x0  }
0x6e: {  	s7 =	sadd.s32 @!p2 $0x10, s9;
	s8 =	simm.s32 @!p2 $0x0;
	[sflag:s22] =	ssyncadd.s32 $0xFFFFC000  }
0x6f: {  	[tilespmem:s11], [sflag:$0x4] =	stream.linear.gather @!p2 [hbm4b:s7+s8], $0x80, $0x38;
	[tilespmem:$0x1E180] =	vst v63  }
0x70: {  	s7 =	simm.s32 $0x2;
	s8 =	simm.s32 $0x200;
	s11 =	simm.s32 @!p2 $0x6900  }
.LBB2_6:
0x71: {  	s10 =	sadd.s32 $0xFFFFFFFF, s10;
	s15 =	simm.s32 @!p2 $0x80;
	s21 =	sadd.s32 $0x20, s21  }
0x72: {  	[tilespmem:s11], [sflag:$0x2] =	stream.indirect.gather @!p2 [hbm4b:s2+s15], $0x80, s14, s15, $0xb8;
	[tilespmem:$0x1E180] =	vst v63  }
0x73: {  	p1 =	sne.s32 s10, $0x0;
	s11 =	smov.u32 s7;
	_ =	swait.ge [sflag:s29], $0x80  }
0x74: {  	s14 =	smov.u32 s8;
	[sflag:s29] =	ssyncset.done $0x0  }
0x75: {  	[sflag:s29] =	ssyncadd.s32 $0xFFFFFF80  }
0x76: {  	_ =	swait.ge [sflag:s30], $0x4000  }
0x77: {  	[sflag:s30] =	ssyncset.done $0x0  }
0x78: {  	[sflag:s30] =	ssyncadd.s32 $0xFFFFC000  }
0x79: {  	[spmem:s3] =	stream.indirect.scatter.add.f32 [tilespmem:s23], [sflag:$0x5], $0x80, s24, s25, $0xb8;
	[tilespmem:$0x1E180] =	vst v63  }
0x7a: {  	s7 =	sadd.s32 $0x2, s7;
	_ =	swait.ge [sflag:s22], $0x4000  }
0x7b: {  	p2 =	sge.u32 s7, s5;
	[sflag:s22] =	ssyncset.done $0x0  }
0x7c: {  	s15 =	simm.s32 @!p2 $0x0;
	s16 =	simm.s32 @!p2 $0x2800;
	[sflag:s22] =	ssyncadd.s32 $0xFFFFC000  }
0x7d: {  	[tilespmem:s16], [sflag:$0x3] =	stream.linear.gather @!p2 [hbm4b:s21+s15], $0x80, $0x38;
	[tilespmem:$0x1E180] =	vst v63  }
0x7e: {  	s15 =	simm.s32 @!p2 $0x80;
	s16 =	simm.s32 @!p2 $0x2900  }
0x7f: {  	[tilespmem:s16], [sflag:$0x1] =	stream.indirect.gather @!p2 [hbm4b:s2+s15], $0x80, s8, s15, $0xb8;
	[tilespmem:$0x1E180] =	vst v63  }
0x80: {  	_ =	swait.ge [sflag:s31], $0x80  }
0x81: {  	[sflag:s31] =	ssyncset.done $0x0  }
0x82: {  	[sflag:s31] =	ssyncadd.s32 $0xFFFFFF80  }
0x83: {  	_ =	swait.ge [sflag:s0], $0x4000  }
0x84: {  	[sflag:s0] =	ssyncset.done $0x0  }
0x85: {  	[sflag:s0] =	ssyncadd.s32 $0xFFFFC000  }
0x86: {  	[spmem:s3] =	stream.indirect.scatter.add.f32 [tilespmem:s28], [sflag:$0x5], $0x80, s26, s25, $0xb8;
	[tilespmem:$0x1E180] =	vst v63  }
.Ltmp3:
0x87: {  	s11 =	sadd.s32 $0x3, s11;
	_ =	swait.ge [sflag:s22], $0x4000;
	(pc) =	sbr.rel @p1 .LBB2_6-.Ltmp3, $4  }
0x88: {  	p2 =	sge.u32 s11, s5;
	s8 =	sadd.s32 $0x100, s8;
	[sflag:s22] =	ssyncset.done $0x0  }
0x89: {  	s15 =	sadd.s32 @!p2 $0x10, s21;
	s11 =	simm.s32 @!p2 $0x6900;
	[sflag:s22] =	ssyncadd.s32 $0xFFFFC000  }
0x8a: {  	s16 =	simm.s32 @!p2 $0x0;
	s17 =	simm.s32 @!p2 $0x2880;
	s14 =	sadd.s32 @!p2 $0x80, s14  }
0x8b: {  	[tilespmem:s17], [sflag:$0x4] =	stream.linear.gather @!p2 [hbm4b:s15+s16], $0x80, $0x38;
	[tilespmem:$0x1E180] =	vst v63  }
.LBB2_7:
0x8c: {  	s10 =	simm.s32 @!p2 $0x80  }
0x8d: {  	[tilespmem:s11], [sflag:$0x2] =	stream.indirect.gather @!p2 [hbm4b:s2+s10], $0x80, s14, s10, $0xb8;
	[tilespmem:$0x1E180] =	vst v63  }
0x8e: {  	_ =	swait.ge [sflag:s29], $0x80  }
0x8f: {  	[sflag:s29] =	ssyncset.done $0x0  }
0x90: {  	[sflag:s29] =	ssyncadd.s32 $0xFFFFFF80  }
0x91: {  	_ =	swait.ge [sflag:s30], $0x4000  }
0x92: {  	[sflag:s30] =	ssyncset.done $0x0  }
0x93: {  	[sflag:s30] =	ssyncadd.s32 $0xFFFFC000  }
0x94: {  	[spmem:s3] =	stream.indirect.scatter.add.f32 [tilespmem:s23], [sflag:$0x5], $0x80, s24, s25, $0xb8;
	[tilespmem:$0x1E180] =	vst v63  }
0x95: {  	s14 =	sadd.s32 $0x2, s7;
	_ =	swait.ge [sflag:s22], $0x4000  }
0x96: {  	s11 =	sadd.s32 $0x20, s21;
	p1 =	sge.u32 s14, s5;
	[sflag:s22] =	ssyncset.done $0x0  }
0x97: {  	s10 =	simm.s32 @!p1 $0x0;
	s14 =	simm.s32 @!p1 $0x2800;
	[sflag:s22] =	ssyncadd.s32 $0xFFFFC000  }
0x98: {  	[tilespmem:s14], [sflag:$0x3] =	stream.linear.gather @!p1 [hbm4b:s11+s10], $0x80, $0x38;
	[tilespmem:$0x1E180] =	vst v63  }
0x99: {  	s10 =	simm.s32 @!p1 $0x80;
	s11 =	simm.s32 @!p1 $0x2900  }
0x9a: {  	[tilespmem:s11], [sflag:$0x1] =	stream.indirect.gather @!p1 [hbm4b:s2+s10], $0x80, s8, s10, $0xb8;
	[tilespmem:$0x1E180] =	vst v63  }
0x9b: {  	_ =	swait.ge [sflag:s31], $0x80  }
0x9c: {  	[sflag:s31] =	ssyncset.done $0x0  }
0x9d: {  	[sflag:s31] =	ssyncadd.s32 $0xFFFFFF80  }
0x9e: {  	_ =	swait.ge [sflag:s0], $0x4000  }
0x9f: {  	[sflag:s0] =	ssyncset.done $0x0  }
0xa0: {  	[sflag:s0] =	ssyncadd.s32 $0xFFFFC000  }
0xa1: {  	[spmem:s3] =	stream.indirect.scatter.add.f32 [tilespmem:s28], [sflag:$0x5], $0x80, s26, s25, $0xb8;
	[tilespmem:$0x1E180] =	vst v63  }
0xa2: {  	_ =	swait.ge [sflag:s22], $0x4000  }
0xa3: {  	s15 =	stileid.u32;
	p1 =	sge.u32 s7, s18;
	[sflag:s22] =	ssyncset.done $0x0  }
0xa4: {  	s7 =	simm.s32 @!p1 $0x0;
	s8 =	simm.s32 @!p1 $0x2880;
	[sflag:s22] =	ssyncadd.s32 $0xFFFFC000  }
0xa5: {  	[tilespmem:s8], [sflag:$0x4] =	stream.linear.gather @!p1 [hbm4b:s19+s7], $0x80, $0x38;
	[tilespmem:$0x1E180] =	vst v63  }
0xa6: {  	s10 =	simm.s32 @!p1 $0x6900;
	s7 =	simm.s32 @!p1 $0x80;
	s8 =	simm.s32 @!p1 $0x2780  }
0xa7: {  	[tilespmem:s10], [sflag:$0x2] =	stream.indirect.gather @!p1 [hbm4b:s2+s7], $0x80, s8, s7, $0xb8;
	[tilespmem:$0x1E180] =	vst v63  }
0xa8: {  	s7 =	sshll.u32 s15, $0x6;
	[bflag:$0x0] =	sbarrier.arrive $0xFFFF  }
0xa9: {  	s16 =	sshrl.u32 s6, $0x3;
	s7 =	sor.u32 $0x1C05, s7;
	s17 =	rddreg [dreg:$0xa]  }
0xaa: {  	[hbm:s17], [sflag:s7] =	dma.local [spmem:s16], $0x2700  }
0xab: {  	_ =	swait.ge [sflag:s22], $0x2700  }
0xac: {  	[sflag:s22] =	ssyncset.done $0x0  }
0xad: {  	s8 =	sshrl.u32 @!p0 s12, $0x3;
	s10 =	rddreg [dreg:$0xb];
	[sflag:s22] =	ssyncadd.s32 $0xFFFFD900  }
0xae: {  	[hbm:s10], [sflag:s7] =	dma.local @!p0 [spmem:s8], $0x100  }
0xaf: {  	_ =	swait.ge @!p0 [sflag:s1], $0x100  }
0xb0: {  	s4 =	sadd.s32 $0x1, s4;
	s21 =	rddreg [dreg:$0xc]  }
0xb1: {  	p1 =	sne.s32 s4, s21  }
.Ltmp4:
0xb2: {  	_ = 	snop;
	(pc) =	sbr.rel @p1 .LBB2_1-.Ltmp4, $3  }
0xb3: {  	_ =	sdelay $0x1  }
0xb4: {  	[sflag:s1] =	ssyncset.done @!p0 $0x0  }
0xb5: {  	[sflag:s1] =	ssyncadd.s32 @!p0 $0xFFFFFF00  }
0xb6: {  	_ =	sfence.sel $0x180000  }
0xb7: {  	[bflag:$0x0] =	sbarrier.arrive $0xFFFF  }
0xb8: {  	_ =	strace $0x9000004D  }
0xb9: {  	s0 =	stileid.u32;
	[bflag:$0x2] =	sbarrier.arrive $0xFFFF  }
0xba: {  	p0 =	sne.s32 s0, $0x0;
	s0 =	rddreg [dreg:$0x3]  }
0xbb: {  	s0 =	sadd.s32 @!p0 $0x100000, s0  }
0xbc: {  	[sflag:s0] =	ssyncadd.tile.s32 @!p0 $0x1;
	_ =	shalt  }
.Lfunc_end2:
_tile_overlayer_lowered:
.L_overlay_start_2:
0xbd: {  	(tag) =	ssettag $0x2  }
0xbe: {  	s0 =	rddreg [dreg:$0x0];
	s2 =	stileid.u32  }
0xbf: {  	s1 =	rddreg [dreg:$0x1];
	p0 =	sne.s32 s2, $0x0  }
0xc0: {  	s3 =	rddreg [dreg:$0x2];
	[bflag:$0x3] =	sbarrier.arrive $0xFFFF;
	s2 =	simm.s32 @!p0 $0x1C05  }
0xc1: {  	[timem:s3], [sflag:s2] =	dma.local @!p0 [hbm:s0], s1  }
0xc2: {  	s0 =	simm.s32 @!p0 $0x5  }
0xc3: {  	_ =	swait.ge @!p0 [sflag:s0], s1  }
0xc4: {  	s1 =	ssub.s32 @!p0 $0x0, s1;
	[sflag:s0] =	ssyncset.done @!p0 $0x0  }
0xc5: {  	[sflag:s0] =	ssyncadd.s32 @!p0 s1  }
0xc6: {  	[bflag:$0x3] =	sbarrier.arrive $0xFFFF  }
0xc7: {  	_ =	shalt  }

// kernel: kernel.8.cloned.1.call-start
scs
__scs_entry_jumppad:
0x0: {  	(pc) =	sbr.rel $0x88, $3  }
0x1: {  	(tag) =	ssettag $0x0;
	lr =	simm.s32 $0x1  }
0x2: {  	[smem:$0x3F99] =	sst lr;
	_ =	strace $0xD0000000  }
0x3: {  	_ = 	snop  }
0x4: {  	_ = 	snop  }
0x5: {  	_ = 	snop  }
0x6: {  	_ = 	snop  }
0x7: {  	_ = 	snop  }
__scs_overlays_trampoline_lowered:
0x8: {  	[smem:$0x3FA8] =	sst s0  }
0x9: {  	[smem:$0x3FA9] =	sst s1  }
0xa: {  	[smem:$0x3FAA] =	sst s2  }
0xb: {  	[smem:$0x3FAB] =	sst s3  }
0xc: {  	[smem:$0x3FAC] =	sst s4  }
0xd: {  	[smem:$0x3FAD] =	sst s5  }
0xe: {  	[smem:$0x3FAE] =	sst s6  }
0xf: {  	[smem:$0x3FAF] =	sst s7  }
0x10: {  	[smem:$0x3FB0] =	sst s8  }
0x11: {  	[smem:$0x3FB1] =	sst s9;
	s0 =	simm.s32 @!p0 $0x0  }
0x12: {  	s1 =	sld [smem:$0x3F97];
	s0 =	simm.s32 @p0 $0x1  }
0x13: {  	[smem:$0x3FB2] =	sst s0;
	s0 =	simm.s32 @!p1 $0x0  }
0x14: {  	s2 =	sld [smem:$0x3F96];
	s0 =	simm.s32 @p1 $0x1  }
0x15: {  	[smem:$0x3FB3] =	sst s0;
	s0 =	simm.s32 @!p2 $0x0  }
0x16: {  	s3 =	sld [smem:$0x3FDB];
	s0 =	simm.s32 @p2 $0x1  }
0x17: {  	s4 =	simm.s32 $0x1BF5;
	[smem:$0x3FB5] =	sst s0  }
0x18: {  	s0 =	sld [smem:$0x3F98];
	_ =	swait.ge [sflag:s4], $0x0  }
0x19: {  	s7 =	sld [smem:$0x3F99]  }
0x1a: {  	s8 =	sadd.s32 $0xFFFFE003, lr  }
0x1b: {  	s9 =	sadd.s32 $0xFFFFFEF7, lr;
	s5 =	simm.s32 $0xFFFFFFFF;
	p2 =	slt.u32 s8, $0xFFFFF086  }
0x1c: {  	p1 =	slt.u32 s9, $0xF7A;
	s5 =	simm.s32 @!p2 $0x0  }
0x1d: {  	s5 =	simm.s32 @p1 $0x1;
	p0 =	seq.s32 s7, s2  }
0x1e: {  	s7 =	smul.u32 @!p0 $0xF7A, s2;
	p2 =	seq.s32 @!p0 s5, $0x0  }
0x1f: {  	s9 =	smul.u32 $0xF7A, s1;
	s8 =	simm.s32 @!p0 $0x1BF5;
	p2 =	por !p2, p0  }
0x20: {  	[sflag:s8] =	ssyncset.s32 @!p0 $0xFFFFF086;
	s6 =	sadd.s32 @!p0 s3, s7;
	s7 =	simm.s32 @!p0 $0x108  }
0x21: {  	s3 =	sadd.s32 s3, s9;
	s6 =	sadd.s32 @!p0 $0x88, s6;
	s7 =	simm.s32 @p2 $0x1082  }
0x22: {  	[simem:s7], [sflag:s8] =	dma.local @!p0 [hbm:s6], $0xF7A  }
0x23: {  	s9 =	sor.u32 $0xD0000000, s2;
	s6 =	simm.s32 $0x108;
	_ =	swait.ge @!p0 [sflag:s8], $0x0  }
0x24: {  	s3 =	sadd.s32 $0x88, s3;
	s6 =	simm.s32 @!p1 $0x1082;
	[sflag:s4] =	ssyncset.s32 $0xFFFFF086  }
0x25: {  	[simem:s6], [sflag:s4] =	dma.local [hbm:s3], $0xF7A  }
0x26: {  	[smem:$0x3F99] =	sst s1;
	(tag) =	ssettag s2;
	_ =	strace s9  }
0x27: {  	s1 =	sld [smem:$0x3FA9]  }
0x28: {  	s2 =	sld [smem:$0x3FAA]  }
0x29: {  	s4 =	sld [smem:$0x3FAC]  }
0x2a: {  	p0 =	seq.s32 s5, $0x0;
	s5 =	sld [smem:$0x3FAD]  }
0x2b: {  	s6 =	sld [smem:$0x3FAE]  }
0x2c: {  	s7 =	sld [smem:$0x3FAF]  }
0x2d: {  	s3 =	simm.s32 $0x108;
	s8 =	sld [smem:$0x3FB0]  }
0x2e: {  	s3 =	simm.s32 @!p0 $0x1082;
	s9 =	sld [smem:$0x3FB1]  }
0x2f: {  	lr =	sadd.s32 s0, s3;
	s0 =	sld [smem:$0x3FA8]  }
0x30: {  	s3 =	sld [smem:$0x3FAB]  }
0x31: {  	[smem:$0x3FB4] =	sst s10  }
0x32: {  	s10 =	sld [smem:$0x3FB2];
	_ =	sdelay $0x3  }
0x33: {  	p0 =	seq.s32 s10, $0x1;
	s10 =	sld [smem:$0x3FB4];
	_ =	sdelay $0x3  }
0x34: {  	[smem:$0x3FB4] =	sst s10  }
0x35: {  	s10 =	sld [smem:$0x3FB3];
	_ =	sdelay $0x3  }
0x36: {  	p1 =	seq.s32 s10, $0x1;
	s10 =	sld [smem:$0x3FB4];
	_ =	sdelay $0x3  }
0x37: {  	[smem:$0x3FB4] =	sst s10  }
0x38: {  	s10 =	sld [smem:$0x3FB5]  }
0x39: {  	_ = 	snop;
	(pc) =	sbr.ind lr, $3  }
0x3a: {  	_ = 	snop  }
0x3b: {  	_ = 	snop  }
0x3c: {  	p2 =	seq.s32 s10, $0x1;
	s10 =	sld [smem:$0x3FB4]  }
0x3d: {  	_ =	shalt  }
0x3e: {  	_ =	shalt  }
0x3f: {  	_ =	shalt  }
0x40: {  	_ =	shalt  }
0x41: {  	_ =	shalt  }
0x42: {  	_ =	shalt  }
0x43: {  	_ =	shalt  }
0x44: {  	_ =	shalt  }
0x45: {  	_ =	shalt  }
0x46: {  	_ =	shalt  }
0x47: {  	_ =	shalt  }
0x48: {  	_ =	shalt  }
0x49: {  	_ =	shalt  }
0x4a: {  	_ =	shalt  }
0x4b: {  	_ =	shalt  }
0x4c: {  	_ =	shalt  }
0x4d: {  	_ =	shalt  }
0x4e: {  	_ =	shalt  }
0x4f: {  	_ =	shalt  }
0x50: {  	_ =	shalt  }
0x51: {  	_ =	shalt  }
0x52: {  	_ =	shalt  }
0x53: {  	_ =	shalt  }
0x54: {  	_ =	shalt  }
0x55: {  	_ =	shalt  }
0x56: {  	_ =	shalt  }
0x57: {  	_ =	shalt  }
0x58: {  	_ =	shalt  }
0x59: {  	_ =	shalt  }
0x5a: {  	_ =	shalt  }
0x5b: {  	_ =	shalt  }
0x5c: {  	_ =	shalt  }
0x5d: {  	_ =	shalt  }
0x5e: {  	_ =	shalt  }
0x5f: {  	_ =	shalt  }
0x60: {  	_ =	shalt  }
0x61: {  	_ =	shalt  }
0x62: {  	_ =	shalt  }
0x63: {  	_ =	shalt  }
0x64: {  	_ =	shalt  }
0x65: {  	_ =	shalt  }
0x66: {  	_ =	shalt  }
0x67: {  	_ =	shalt  }
0x68: {  	_ =	shalt  }
0x69: {  	_ =	shalt  }
0x6a: {  	_ =	shalt  }
0x6b: {  	_ =	shalt  }
0x6c: {  	_ =	shalt  }
0x6d: {  	_ =	shalt  }
0x6e: {  	_ =	shalt  }
0x6f: {  	_ =	shalt  }
0x70: {  	_ =	shalt  }
0x71: {  	_ =	shalt  }
0x72: {  	_ =	shalt  }
0x73: {  	_ =	shalt  }
0x74: {  	_ =	shalt  }
0x75: {  	_ =	shalt  }
0x76: {  	_ =	shalt  }
0x77: {  	_ =	shalt  }
0x78: {  	_ =	shalt  }
0x79: {  	_ =	shalt  }
0x7a: {  	_ =	shalt  }
0x7b: {  	_ =	shalt  }
0x7c: {  	_ =	shalt  }
0x7d: {  	_ =	shalt  }
0x7e: {  	_ =	shalt  }
0x7f: {  	_ =	shalt  }
0x80: {  	_ =	shalt  }
0x81: {  	_ =	shalt  }
0x82: {  	_ =	shalt  }
0x83: {  	_ =	shalt  }
0x84: {  	_ =	shalt  }
0x85: {  	_ =	shalt  }
0x86: {  	_ =	shalt  }
0x87: {  	_ =	shalt  }
.Lfunc_end0:
.L_simem_size_0:
called_computation_lowered:
.L_overlay_start_0:
0x88: {  	s2 =	sld [smem:$0x3FD9]  }
0x89: {  	s3 =	sld [smem:$0x3FFE];
	_ =	sdelay $0x1  }
0x8a: {  	s1 =	srdreg.scid  }
0x8b: {  	s0 =	sand.u32 $0x1, s1  }
0x8c: {  	s16 =	sshll.u32 s0, $0xA;
	s2 =	sadd.s32 s3, s2  }
0x8d: {  	s2 =	sadd.s32 s2, s16  }
0x8e: {  	[smem:$0x3FC0] =	sst s2  }
0x8f: {  	_ = 	snop  }
0x90: {  	(tm) =	ssettm $0x1  }
0x91: {  	s17 =	sld [smem:$0x3FFB];
	_ =	sdelay $0x3  }
0x92: {  	_ =	strace s17  }
0x93: {  	s2 =	sld [smem:$0x3FFC];
	_ =	sdelay $0x3  }
0x94: {  	_ =	strace s2  }
0x95: {  	s2 =	sld [smem:$0x3FFD];
	_ =	sdelay $0x3  }
0x96: {  	_ =	strace s2  }
0x97: {  	_ =	strace $0x8FFFFFFF  }
0x98: {  	s18 =	sld [smem:$0x3FDB];
	_ =	sdelay $0x1  }
0x99: {  	s19 =	simm.s32 $_scs_section_size  }
0x9a: {  	s4 =	simm.s32 $_size__tile_overlayer_lowered;
	s5 =	simm.s32 $_tile_overlayer_lowered  }
0x9b: {  	s22 =	simm.s32 $0x1BFF;
	s21 =	sshll.u32 s5, $0x1;
	s2 =	sadd.s32 s19, s18  }
0x9c: {  	s6 =	simm.s32 $0x0;
	s20 =	sshll.u32 s4, $0x1;
	s4 =	sadd.s32 s21, s2  }
0x9d: {  	[timem:s6], [sflag:s22] =	dma.local [hbm:s4], s20  }
0x9e: {  	_ =	swait.ge [sflag:s22], s20  }
0x9f: {  	s3 =	ssub.s32 $0x0, s20;
	[sflag:s22] =	ssyncset.done $0x0  }
0xa0: {  	[sflag:s22] =	ssyncadd.s32 s3;
	_ =	sdelay $0x1  }
0xa1: {  	s23 =	simm.s32 $0x1B8B  }
0xa2: {  	_ =	swait.ge [sflag:s23], $0x1  }
0xa3: {  	[sflag:s23] =	ssyncset.done $0x0  }
0xa4: {  	s25 =	simm.s32 $0x1B8E;
	s24 =	sld [smem:$0x3FFE];
	[sflag:s23] =	ssyncadd.s32 $0xFFFFFFFF  }
0xa5: {  	s26 =	simm.s32 $execute0_lowered;
	[smem:$0x3FD2] =	sst s25  }
0xa6: {  	s4 =	sshll.u32 s26, $0x1;
	_ =	strace $0x80000046;
	[dreg:$0x1] =	wrdreg $0xFFFFFFFF  }
0xa7: {  	s28 =	simm.s32 $_size_execute0_lowered;
	s2 =	sadd.s32 s2, s4;
	[dreg:$0x0] =	wrdreg $0x0  }
0xa8: {  	s4 =	sshll.u32 s28, $0x1;
	[dreg:$0x2] =	wrdreg s2  }
0xa9: {  	[dreg:$0x3] =	wrdreg s4  }
0xaa: {  	[dreg:$0x4] =	wrdreg $0xC0  }
0xab: {  	_ =	task [dreg:s6], $0x5FFFF  }
0xac: {  	[dreg:$0x1] =	wrdreg $0xFFFFFFFF  }
0xad: {  	[dreg:$0x0] =	wrdreg $0x60  }
0xae: {  	[dreg:$0x2] =	wrdreg s24  }
0xaf: {  	[dreg:$0x3] =	wrdreg $0x6C800  }
0xb0: {  	[dreg:$0x4] =	wrdreg $0x9  }
0xb1: {  	_ =	task.clear_ibuf [dreg:s6], $0x5FFFF;
	_ =	strace $0x90000046  }
0xb2: {  	s29 =	simm.s32 $0x9;
	_ =	strace $0x80000048  }
0xb3: {  	_ =	swait.ge [sflag:s29], $0x1  }
0xb4: {  	[sflag:s29] =	ssyncadd.s32 $0xFFFFFFFF  }
0xb5: {  	_ =	strace $0x90000048  }
0xb6: {  	_ =	sfence  }
0xb7: {  	s30 =	sld [smem:$0x0];
	_ =	sdelay $0x2  }
0xb8: {  	s31 =	sshll.u32 s1, $0xD;
	s1 =	sshrl.u32 s1, $0x2  }
0xb9: {  	s3 =	sand.u32 $0x4000, s31;
	s1 =	sadd.s32 s1, s30  }
0xba: {  	s0 =	sor.u32 s3, s0;
	s1 =	sshll.u32 s1, $0x11  }
0xbb: {  	s0 =	sor.u32 s1, s0  }
0xbc: {  	s0 =	sadd.s32 $0x8F2B, s0  }
0xbd: {  	[sflag:s0] =	ssyncadd.remote.s32 $0x1  }
0xbe: {  	_ =	sfence.sel $0xFFFF  }
0xbf: {  	[dreg:$0x0] =	wrdreg $0xFFFFFFFF;
	(pc) =	sbr.abs _section_cstart, $3  }
0xc0: {  	[dreg:$0x1] =	wrdreg $0xFFFFFFFF  }
0xc1: {  	_ =	task.clear_ibuf [dreg:s6], $0x2FFFF;
	_ =	strace $0x9FFFFFFF  }
0xc2: {  	(tm) =	ssettm $0x7FFFFFFF  }
0xc3: {  	_ =	shalt  }
tec
execute0_lowered:
.L_overlay_start_1:
0x0: {  	(tag) =	ssettag $0x1  }
0x1: {  	s4 =	rddreg [dreg:$0x0]  }
0x2: {  	s0 =	srdreg.scid;
	s2 =	rddreg [dreg:$0x1]  }
0x3: {  	s1 =	rddreg [dreg:$0x2];
	s3 =	simm.s32 $0x0;
	s14 =	sand.u32 $0x1, s0  }
0x4: {  	s23 =	simm.s32 $0x5480;
	s0 =	stileid.u32;
	s5 =	smul.u32 $0x13880, s14  }
0x5: {  	s24 =	simm.s32 $0x80;
	s25 =	simm.s32 $0x1400;
	s6 =	smul.u32 $0x1380, s0  }
0x6: {  	s26 =	simm.s32 $0x1480;
	s28 =	simm.s32 $0x0;
	s31 =	smul.u32 $0x4E000, s0  }
0x7: {  	[smem:$0x7FF] =	sst s3;
	s20 =	sadd.s32 $0xC600, s4;
	s18 =	smul.u32 $0x2700, s0  }
0x8: {  	_ =	strace $0x80000047;
	s7 =	ssub.s32 $0x2, s14;
	s19 =	smul.u32 $0x27100, s14  }
0x9: {  	s22 =	smul.u32 $0x138800, s14;
	p0 =	sne.s32 s0, $0xF;
	s8 =	sshrl.u32 s7, $0x1  }
0xa: {  	s5 =	sadd.s32 s6, s5;
	s6 =	sshrl.u32 s31, $0x2;
	s21 =	ssub.s32 s7, s8  }
0xb: {  	s19 =	sadd.s32 s18, s19;
	s22 =	sshrl.u32 s22, $0x3;
	s18 =	sadd.s32 $0x138000, s2  }
0xc: {  	s5 =	sshrl.u32 s5, $0x3;
	s19 =	sadd.s32 s20, s19;
	s20 =	sadd.s32 s20, s22  }
0xd: {  	s21 =	smax.u32 s21, $0x1;
	s22 =	simm.s32 $0x1;
	s5 =	sadd.s32 s5, s4  }
0xe: {  	s4 =	sadd.s32 s6, s2;
	s20 =	sadd.s32 $0x27000, s20;
	s5 =	sadd.s32 $0x7600, s5  }
0xf: {  	s6 =	sadd.s32 $0x1800, s4;
	s7 =	sadd.s32 $0x3000, s4;
	s8 =	sadd.s32 $0x4800, s4  }
0x10: {  	s9 =	sadd.s32 $0x6000, s4;
	s10 =	sadd.s32 $0x7800, s4;
	s11 =	sadd.s32 $0x9000, s4  }
0x11: {  	s12 =	sadd.s32 $0xA800, s4;
	s13 =	sadd.s32 $0xC000, s4;
	s14 =	sadd.s32 $0xD800, s4  }
0x12: {  	v0 =	vimm.f32 $1.000000000e+00;
	v1 =	vimm.f32 $0.0e+00;
	s15 =	sadd.s32 $0xF000, s4;
	s16 =	sadd.s32 $0x10800, s4;
	s17 =	sadd.s32 $0x12000, s4  }
.LBB2_1:
0x13: {  	[tilespmem:s3], [sflag:$0x1] =	stream.linear.gather [hbm4b:s5+s3], $0x1400, $0x38;
	[tilespmem:$0x1A500] =	vst v63  }
0x14: {  	_ =	swait.ge [sflag:s22], $0x1400  }
0x15: {  	[sflag:s22] =	ssyncset.done $0x0  }
0x16: {  	s29 =	simm.s32 $0x0;
	s30 =	simm.s32 $0x200;
	[sflag:s22] =	ssyncadd.s32 $0xFFFFEC00  }
.LBB2_2:
0x17: {  	p1 =	sne.s32 s30, $0xFE00;
	[tilespmem:s29+$0x14F0] =	vst v0  }
0x18: {  	[tilespmem:s29+$0x1480] =	vst v0  }
0x19: {  	[tilespmem:s29+$0x1490] =	vst v0  }
.Ltmp0:
0x1a: {  	[tilespmem:s29+$0x14A0] =	vst v0;
	(pc) =	sbr.rel @p1 .LBB2_2-.Ltmp0, $4  }
0x1b: {  	[tilespmem:s29+$0x14B0] =	vst v0  }
0x1c: {  	[tilespmem:s29+$0x14C0] =	vst v0  }
0x1d: {  	[tilespmem:s29+$0x14D0] =	vst v0  }
0x1e: {  	[tilespmem:s29+$0x14E0] =	vst v0;
	s29 =	sshra.s32 s30, $0x2;
	s30 =	sadd.s32 $0x200, s30  }
0x1f: {  	[tilespmem:s29+$0x14F0] =	vst v0  }
0x20: {  	[tilespmem:s29+$0x1480] =	vst v0  }
0x21: {  	[tilespmem:s29+$0x1490] =	vst v0  }
0x22: {  	[tilespmem:s29+$0x14A0] =	vst v0  }
0x23: {  	[tilespmem:s29+$0x14B0] =	vst v0  }
0x24: {  	[tilespmem:s29+$0x14C0] =	vst v0  }
0x25: {  	[tilespmem:s29+$0x14D0] =	vst v0  }
0x26: {  	[tilespmem:s29+$0x14E0] =	vst v0;
	s29 =	simm.s32 $0x0;
	s30 =	simm.s32 $0x200  }
.LBB2_4:
0x27: {  	p1 =	sne.s32 s30, $0x5E00;
	[tilespmem:s29+$0x54F0] =	vst v1  }
0x28: {  	[tilespmem:s29+$0x5480] =	vst v1  }
0x29: {  	[tilespmem:s29+$0x5490] =	vst v1  }
.Ltmp1:
0x2a: {  	[tilespmem:s29+$0x54A0] =	vst v1;
	(pc) =	sbr.rel @p1 .LBB2_4-.Ltmp1, $4  }
0x2b: {  	[tilespmem:s29+$0x54B0] =	vst v1  }
0x2c: {  	[tilespmem:s29+$0x54C0] =	vst v1  }
0x2d: {  	[tilespmem:s29+$0x54D0] =	vst v1  }
0x2e: {  	[tilespmem:s29+$0x54E0] =	vst v1;
	s29 =	sshra.s32 s30, $0x2;
	s30 =	sadd.s32 $0x200, s30  }
0x2f: {  	[tilespmem:s29+$0x54F0] =	vst v1  }
0x30: {  	[tilespmem:s29+$0x5480] =	vst v1  }
0x31: {  	[tilespmem:s29+$0x5490] =	vst v1  }
0x32: {  	[tilespmem:s29+$0x54A0] =	vst v1  }
0x33: {  	[tilespmem:s29+$0x54B0] =	vst v1  }
0x34: {  	[tilespmem:s29+$0x54C0] =	vst v1  }
0x35: {  	[tilespmem:s29+$0x54D0] =	vst v1  }
0x36: {  	[tilespmem:s29+$0x54E0] =	vst v1  }
0x37: {  	[spmem:s4] =	stream.linear.scatter [tilespmem:s23], [sflag:$0x1], $0x1800, $0x38;
	[tilespmem:$0x1A500] =	vst v63  }
0x38: {  	_ =	swait.ge [sflag:s22], $0x1800  }
0x39: {  	[sflag:s22] =	ssyncset.done $0x0  }
0x3a: {  	[sflag:s22] =	ssyncadd.s32 $0xFFFFE800  }
0x3b: {  	[spmem:s6] =	stream.linear.scatter [tilespmem:s23], [sflag:$0x1], $0x1800, $0x38;
	[tilespmem:$0x1A500] =	vst v63  }
0x3c: {  	_ =	swait.ge [sflag:s22], $0x1800  }
0x3d: {  	[sflag:s22] =	ssyncset.done $0x0  }
0x3e: {  	[sflag:s22] =	ssyncadd.s32 $0xFFFFE800  }
0x3f: {  	[spmem:s7] =	stream.linear.scatter [tilespmem:s23], [sflag:$0x1], $0x1800, $0x38;
	[tilespmem:$0x1A500] =	vst v63  }
0x40: {  	_ =	swait.ge [sflag:s22], $0x1800  }
0x41: {  	[sflag:s22] =	ssyncset.done $0x0  }
0x42: {  	[sflag:s22] =	ssyncadd.s32 $0xFFFFE800  }
0x43: {  	[spmem:s8] =	stream.linear.scatter [tilespmem:s23], [sflag:$0x1], $0x1800, $0x38;
	[tilespmem:$0x1A500] =	vst v63  }
0x44: {  	_ =	swait.ge [sflag:s22], $0x1800  }
0x45: {  	[sflag:s22] =	ssyncset.done $0x0  }
0x46: {  	[sflag:s22] =	ssyncadd.s32 $0xFFFFE800  }
0x47: {  	[spmem:s9] =	stream.linear.scatter [tilespmem:s23], [sflag:$0x1], $0x1800, $0x38;
	[tilespmem:$0x1A500] =	vst v63  }
0x48: {  	_ =	swait.ge [sflag:s22], $0x1800  }
0x49: {  	[sflag:s22] =	ssyncset.done $0x0  }
0x4a: {  	[sflag:s22] =	ssyncadd.s32 $0xFFFFE800  }
0x4b: {  	[spmem:s10] =	stream.linear.scatter [tilespmem:s23], [sflag:$0x1], $0x1800, $0x38;
	[tilespmem:$0x1A500] =	vst v63  }
0x4c: {  	_ =	swait.ge [sflag:s22], $0x1800  }
0x4d: {  	[sflag:s22] =	ssyncset.done $0x0  }
0x4e: {  	[sflag:s22] =	ssyncadd.s32 $0xFFFFE800  }
0x4f: {  	[spmem:s11] =	stream.linear.scatter [tilespmem:s23], [sflag:$0x1], $0x1800, $0x38;
	[tilespmem:$0x1A500] =	vst v63  }
0x50: {  	_ =	swait.ge [sflag:s22], $0x1800  }
0x51: {  	[sflag:s22] =	ssyncset.done $0x0  }
0x52: {  	[sflag:s22] =	ssyncadd.s32 $0xFFFFE800  }
0x53: {  	[spmem:s12] =	stream.linear.scatter [tilespmem:s23], [sflag:$0x1], $0x1800, $0x38;
	[tilespmem:$0x1A500] =	vst v63  }
0x54: {  	_ =	swait.ge [sflag:s22], $0x1800  }
0x55: {  	[sflag:s22] =	ssyncset.done $0x0  }
0x56: {  	[sflag:s22] =	ssyncadd.s32 $0xFFFFE800  }
0x57: {  	[spmem:s13] =	stream.linear.scatter [tilespmem:s23], [sflag:$0x1], $0x1800, $0x38;
	[tilespmem:$0x1A500] =	vst v63  }
0x58: {  	_ =	swait.ge [sflag:s22], $0x1800  }
0x59: {  	[sflag:s22] =	ssyncset.done $0x0  }
0x5a: {  	[sflag:s22] =	ssyncadd.s32 $0xFFFFE800  }
0x5b: {  	[spmem:s14] =	stream.linear.scatter [tilespmem:s23], [sflag:$0x1], $0x1800, $0x38;
	[tilespmem:$0x1A500] =	vst v63  }
0x5c: {  	_ =	swait.ge [sflag:s22], $0x1800  }
0x5d: {  	[sflag:s22] =	ssyncset.done $0x0  }
0x5e: {  	[sflag:s22] =	ssyncadd.s32 $0xFFFFE800  }
0x5f: {  	[spmem:s15] =	stream.linear.scatter [tilespmem:s23], [sflag:$0x1], $0x1800, $0x38;
	[tilespmem:$0x1A500] =	vst v63  }
0x60: {  	_ =	swait.ge [sflag:s22], $0x1800  }
0x61: {  	[sflag:s22] =	ssyncset.done $0x0  }
0x62: {  	[sflag:s22] =	ssyncadd.s32 $0xFFFFE800  }
0x63: {  	[spmem:s16] =	stream.linear.scatter [tilespmem:s23], [sflag:$0x1], $0x1800, $0x38;
	[tilespmem:$0x1A500] =	vst v63  }
0x64: {  	_ =	swait.ge [sflag:s22], $0x1800  }
0x65: {  	[sflag:s22] =	ssyncset.done $0x0  }
0x66: {  	[sflag:s22] =	ssyncadd.s32 $0xFFFFE800  }
0x67: {  	[spmem:s17] =	stream.linear.scatter [tilespmem:s23], [sflag:$0x1], $0x1800, $0x38;
	[tilespmem:$0x1A500] =	vst v63  }
0x68: {  	_ =	swait.ge [sflag:s22], $0x1800  }
0x69: {  	[sflag:s22] =	ssyncset.done $0x0  }
0x6a: {  	s29 =	simm.s32 @!p0 $0x5480;
	[sflag:s22] =	ssyncadd.s32 $0xFFFFE800  }
0x6b: {  	[spmem:s18] =	stream.linear.scatter @!p0 [tilespmem:s29], [sflag:$0x1], $0x800, $0x38;
	[tilespmem:$0x1A500] =	vst v63  }
0x6c: {  	s29 =	simm.s32 @!p0 $0x1  }
0x6d: {  	_ =	swait.ge @!p0 [sflag:s29], $0x800  }
0x6e: {  	[sflag:s29] =	ssyncset.done @!p0 $0x0  }
0x6f: {  	[sflag:s29] =	ssyncadd.s32 @!p0 $0xFFFFF800  }
0x70: {  	s30 =	simm.s32 $0x40;
	[bflag:$0x0] =	sbarrier.arrive $0xFFFF  }
0x71: {  	v2 =	vld [tilespmem:s30+$0xFFFFFFC0];
	_ =	sdelay $0x4  }
0x72: {  	[tilespmem:$0x1400] =	vst v2  }
0x73: {  	v2 =	vld [tilespmem:s30+$0xFFFFFFD0];
	_ =	sdelay $0x4  }
0x74: {  	[tilespmem:$0x1410] =	vst v2  }
0x75: {  	v2 =	vld [tilespmem:s30+$0xFFFFFFE0];
	_ =	sdelay $0x4  }
0x76: {  	[tilespmem:$0x1420] =	vst v2  }
0x77: {  	v2 =	vld [tilespmem:s30+$0xFFFFFFF0];
	_ =	sdelay $0x4  }
0x78: {  	[tilespmem:$0x1430] =	vst v2  }
0x79: {  	v2 =	vld [tilespmem:s30+$0x0];
	_ =	sdelay $0x4  }
0x7a: {  	[tilespmem:$0x1440] =	vst v2  }
0x7b: {  	v2 =	vld [tilespmem:s30+$0x10];
	_ =	sdelay $0x4  }
0x7c: {  	[tilespmem:$0x1450] =	vst v2  }
0x7d: {  	v2 =	vld [tilespmem:s30+$0x20];
	_ =	sdelay $0x4  }
0x7e: {  	[tilespmem:$0x1460] =	vst v2  }
0x7f: {  	v2 =	vld [tilespmem:s30+$0x30]  }
0x80: {  	s31 =	simm.s32 @!p0 $0x28  }
0x81: {  	s31 =	simm.s32 @p0 $0x27  }
0x82: {  	p1 =	sne.s32 s31, $0x1  }
.Ltmp2:
0x83: {  	_ = 	snop;
	(pc) =	sbr.rel @!p1 .LBB2_7-.Ltmp2, $4  }
0x84: {  	[tilespmem:$0x1470] =	vst v2  }
0x85: {  	[spmem:s2] =	stream.indirect.scatter.add.f32 [tilespmem:s26], [sflag:$0x1], $0x80, s25, s24, $0xb8;
	[tilespmem:$0x1A500] =	vst v63  }
0x86: {  	_ =	swait.ge [sflag:s22], $0x4000  }
0x87: {  	s31 =	sadd.s32 $0xFFFFFFFF, s31;
	[sflag:s22] =	ssyncset.done $0x0  }
.LBB2_6:
0x88: {  	p1 =	sne.s32 s31, $0x1;
	[sflag:s22] =	ssyncadd.s32 $0xFFFFC000;
	s30 =	sadd.s32 $0x80, s30  }
0x89: {  	s31 =	sadd.s32 $0xFFFFFFFF, s31;
	v2 =	vld [tilespmem:s30+$0xFFFFFFC0];
	_ =	sdelay $0x4  }
0x8a: {  	[tilespmem:$0x1400] =	vst v2  }
0x8b: {  	v2 =	vld [tilespmem:s30+$0xFFFFFFD0];
	_ =	sdelay $0x4  }
0x8c: {  	[tilespmem:$0x1410] =	vst v2  }
0x8d: {  	v2 =	vld [tilespmem:s30+$0xFFFFFFE0];
	_ =	sdelay $0x4  }
0x8e: {  	[tilespmem:$0x1420] =	vst v2  }
0x8f: {  	v2 =	vld [tilespmem:s30+$0xFFFFFFF0];
	_ =	sdelay $0x4  }
0x90: {  	[tilespmem:$0x1430] =	vst v2  }
0x91: {  	v2 =	vld [tilespmem:s30+$0x0];
	_ =	sdelay $0x4  }
0x92: {  	[tilespmem:$0x1440] =	vst v2  }
0x93: {  	v2 =	vld [tilespmem:s30+$0x10];
	_ =	sdelay $0x4  }
0x94: {  	[tilespmem:$0x1450] =	vst v2  }
0x95: {  	v2 =	vld [tilespmem:s30+$0x20];
	_ =	sdelay $0x4  }
0x96: {  	[tilespmem:$0x1460] =	vst v2  }
0x97: {  	v2 =	vld [tilespmem:s30+$0x30];
	_ =	sdelay $0x3  }
.Ltmp3:
0x98: {  	(pc) =	sbr.rel @p1 .LBB2_6-.Ltmp3, $4  }
0x99: {  	[tilespmem:$0x1470] =	vst v2  }
0x9a: {  	[spmem:s2] =	stream.indirect.scatter.add.f32 [tilespmem:s26], [sflag:$0x1], $0x80, s25, s24, $0xb8;
	[tilespmem:$0x1A500] =	vst v63  }
0x9b: {  	_ =	swait.ge [sflag:s22], $0x4000  }
0x9c: {  	[sflag:s22] =	ssyncset.done $0x0  }
.LBB2_7:
0x9d: {  	[sflag:s22] =	ssyncadd.s32 $0xFFFFC000;
	s30 =	sshll.u32 s0, $0x6  }
0x9e: {  	s31 =	sshrl.u32 s4, $0x3;
	[bflag:$0x0] =	sbarrier.arrive $0xFFFF;
	s30 =	sor.u32 $0x1C01, s30  }
0x9f: {  	[hbm:s19], [sflag:s30] =	dma.local [spmem:s31], $0x2700  }
0xa0: {  	s28 =	sadd.s32 $0x1, s28;
	_ =	swait.ge [sflag:s22], $0x2700  }
0xa1: {  	p1 =	sne.s32 s28, s21;
	[sflag:s22] =	ssyncset.done $0x0  }
.Ltmp4:
0xa2: {  	s31 =	sshrl.u32 @!p0 s18, $0x3;
	[sflag:s22] =	ssyncadd.s32 $0xFFFFD900;
	(pc) =	sbr.rel @p1 .LBB2_1-.Ltmp4, $4  }
0xa3: {  	[hbm:s20], [sflag:s30] =	dma.local @!p0 [spmem:s31], $0x100  }
0xa4: {  	_ =	swait.ge @!p0 [sflag:s29], $0x100  }
0xa5: {  	[sflag:s29] =	ssyncset.done @!p0 $0x0  }
0xa6: {  	[sflag:s29] =	ssyncadd.s32 @!p0 $0xFFFFFF00  }
0xa7: {  	_ =	sfence.sel $0x180000  }
0xa8: {  	[bflag:$0x0] =	sbarrier.arrive $0xFFFF  }
0xa9: {  	p0 =	sne.s32 s0, $0x0;
	_ =	strace $0x90000047  }
0xaa: {  	s0 =	sadd.s32 @!p0 $0x100000, s1;
	[bflag:$0x2] =	sbarrier.arrive $0xFFFF  }
0xab: {  	[sflag:s0] =	ssyncadd.tile.s32 @!p0 $0x1;
	_ =	shalt  }
.Lfunc_end2:
_tile_overlayer_lowered:
.L_overlay_start_2:
0xac: {  	(tag) =	ssettag $0x2  }
0xad: {  	s0 =	rddreg [dreg:$0x0];
	s2 =	stileid.u32  }
0xae: {  	s1 =	rddreg [dreg:$0x1];
	p0 =	sne.s32 s2, $0x0  }
0xaf: {  	s3 =	rddreg [dreg:$0x2];
	[bflag:$0x3] =	sbarrier.arrive $0xFFFF;
	s2 =	simm.s32 @!p0 $0x1C01  }
0xb0: {  	[timem:s3], [sflag:s2] =	dma.local @!p0 [hbm:s0], s1  }
0xb1: {  	s0 =	simm.s32 @!p0 $0x1  }
0xb2: {  	_ =	swait.ge @!p0 [sflag:s0], s1  }
0xb3: {  	s1 =	ssub.s32 @!p0 $0x0, s1;
	[sflag:s0] =	ssyncset.done @!p0 $0x0  }
0xb4: {  	[sflag:s0] =	ssyncadd.s32 @!p0 s1  }
0xb5: {  	[bflag:$0x3] =	sbarrier.arrive $0xFFFF  }
0xb6: {  	_ =	shalt  }

</sc_bundles>
